<compile_context>
chip_gen: v7x
topology: tpu7x:2x2x1
jax: 0.10.2.dev20260603
libtpu: 0.0.44.dev20260713+nightly
codegen_flags: <defaults>
</compile_context>

<pallas_src>
import functools

import jax
import jax.numpy as jnp
from jax import lax
from jax.experimental import pallas as pl
from jax.experimental.pallas import tpu as pltpu
from jax.experimental.pallas import tpu_sc as plsc

EMBED = 64
BATCH = 4096
HIST = 200
VOCAB1 = 100001
LANES = 16

_info = plsc.get_sparse_core_info()
NC, NS = _info.num_cores, _info.num_subcores
NW = NC * NS
B_PER_W = BATCH // NW

_mesh = plsc.VectorSubcoreMesh(core_axis_name="c", subcore_axis_name="s")


@functools.partial(
    pl.kernel,
    mesh=_mesh,
    out_type=jax.ShapeDtypeStruct((HIST, EMBED, BATCH), jnp.float32),
    compiler_params=pltpu.CompilerParams(use_tc_tiling_on_sc=True,
                                         needs_layout_passes=False),
    scratch_types=[
        pltpu.VMEM((HIST, B_PER_W), jnp.int32),
        pltpu.VMEM((B_PER_W, 2 * EMBED), jnp.float32),
        pltpu.VMEM((B_PER_W, 2 * EMBED), jnp.float32),
        pltpu.VMEM((EMBED, B_PER_W), jnp.float32),
        pltpu.VMEM((EMBED, B_PER_W), jnp.float32),
        pltpu.SemaphoreType.DMA,
        pltpu.SemaphoreType.DMA,
        pltpu.SemaphoreType.DMA,
        pltpu.SemaphoreType.DMA,
    ],
)
def _gather_kernel(idx_hbm, table_hbm, out_hbm, idx_v, gbuf0, gbuf1,
                   tbuf0, tbuf1, g0, g1, s0, s1):
    wid = lax.axis_index("s") * NC + lax.axis_index("c")
    base = wid * B_PER_W
    gbuf = (gbuf0, gbuf1)
    tbuf = (tbuf0, tbuf1)
    gsem = (g0, g1)
    ssem = (s0, s1)

    pltpu.sync_copy(idx_hbm.at[:, pl.ds(base, B_PER_W)], idx_v)

    lane = jnp.arange(LANES, dtype=jnp.int32)
    row_ids = [lane + LANES * g for g in range(B_PER_W // LANES)]

    def gstart(l, b):
        pltpu.make_async_copy(table_hbm.at[idx_v.at[l]], gbuf[b],
                              gsem[b]).start()

    def gwait(l, b):
        pltpu.make_async_copy(table_hbm.at[idx_v.at[l]], gbuf[b],
                              gsem[b]).wait()

    def transpose(b):
        src = gbuf[b]
        dst = tbuf[b]

        def diag(d, _):
            dl = (lane + d) & (LANES - 1)
            for e0 in range(EMBED // LANES):
                ev = dl + LANES * e0
                for g in range(B_PER_W // LANES):
                    v = plsc.load_gather(src, [row_ids[g], ev])
                    plsc.store_scatter(dst, [ev, row_ids[g]], v)
            return 0

        lax.fori_loop(0, LANES, diag, 0)

    def sstart(l, b):
        pltpu.make_async_copy(tbuf[b], out_hbm.at[l, :, pl.ds(base, B_PER_W)],
                              ssem[b]).start()

    def swait(l, b):
        pltpu.make_async_copy(tbuf[b], out_hbm.at[l, :, pl.ds(base, B_PER_W)],
                              ssem[b]).wait()

    gstart(0, 0)
    gstart(1, 1)
    gwait(0, 0)
    transpose(0)
    sstart(0, 0)
    gstart(2, 0)
    gwait(1, 1)
    transpose(1)
    sstart(1, 1)

    def step(l, b, pb):
        gstart(l, b)
        swait(l - 3, pb)
        gwait(l - 1, pb)
        transpose(pb)
        sstart(l - 1, pb)

    step(3, 1, 0)

    def body(k, _):
        l0 = 4 + 2 * k
        step(l0, 0, 1)
        step(l0 + 1, 1, 0)
        return 0

    lax.fori_loop(0, (HIST - 4) // 2, body, 0)

    gwait(HIST - 1, (HIST - 1) % 2)
    swait(HIST - 3, (HIST - 1) % 2)
    transpose((HIST - 1) % 2)
    sstart(HIST - 1, (HIST - 1) % 2)
    swait(HIST - 2, (HIST - 2) % 2)
    swait(HIST - 1, (HIST - 1) % 2)


def kernel(indices, embedding_weight):
    table128 = jnp.concatenate(
        [embedding_weight,
         jnp.zeros((VOCAB1, EMBED), jnp.float32)], axis=1)
    out_t = _gather_kernel(indices.T, table128)
    return jnp.transpose(out_t, (2, 0, 1))

# --- scband reference (transcript-rebuilt; emitter-appended) ---
"""Pipeline reference for scband-seq-encoder-base-94489280526 (READ-ONLY COPY).

The authoritative reference and input builder live on the scoring server;
editing this copy changes nothing except your own understanding.
"""

import jax, jax.numpy as jnp
import numpy as np

VOCAB_SIZE = 100000
EMBED_SIZE = 64
BATCH = 4096
HIST_LEN = 200


def setup_inputs(seed: int = 0) -> dict:
    key = jax.random.key(seed)
    k1, k2 = jax.random.split(key)
    indices = jax.random.randint(k1, (BATCH, HIST_LEN), 0, VOCAB_SIZE, dtype=jnp.int64 if jax.config.jax_enable_x64 else jnp.int32).astype(jnp.int32)
    # Embedding table of shape (vocab_size + 1, embed_size); last row is padding_idx,
    # which nn.Embedding initializes to zeros.
    table = jax.random.normal(k2, (VOCAB_SIZE + 1, EMBED_SIZE), dtype=jnp.float32)
    table = table.at[VOCAB_SIZE].set(0.0)
    return {"indices": indices, "embedding_weight": table}


def reference(indices, embedding_weight):
    # Faithful translation of nn.Embedding lookup: out[b, l, :] = W[indices[b, l], :]
    return jnp.take(embedding_weight, indices, axis=0)

if __name__ == "__main__":
    import jax
    _d = setup_inputs()
    print(jax.jit(kernel)(*tuple(_d.values())))

</pallas_src>

<mosaic_0001>
#map = affine_map<(d0, d1) -> (0, 0)>
#map1 = affine_map<(d0, d1) -> (0, 0, 0)>
module attributes {stable_mosaic.version = 14 : i64} {
  func.func @_gather_kernel(%arg0: i32, %arg1: i32, %arg2: memref<200x4096xi32, #tpu.memory_space<hbm>>, %arg3: memref<100001x128xf32, #tpu.memory_space<hbm>>, %arg4: memref<200x64x4096xf32, #tpu.memory_space<hbm>>, %arg5: memref<200x128xi32, #tpu.memory_space<vmem>>, %arg6: memref<128x128xf32, #tpu.memory_space<vmem>>, %arg7: memref<128x128xf32, #tpu.memory_space<vmem>>, %arg8: memref<64x128xf32, #tpu.memory_space<vmem>>, %arg9: memref<64x128xf32, #tpu.memory_space<vmem>>, %arg10: memref<!tpu.dma_semaphore, #tpu.memory_space<semaphore_mem>>, %arg11: memref<!tpu.dma_semaphore, #tpu.memory_space<semaphore_mem>>, %arg12: memref<!tpu.dma_semaphore, #tpu.memory_space<semaphore_mem>>, %arg13: memref<!tpu.dma_semaphore, #tpu.memory_space<semaphore_mem>>) attributes {dimension_semantics = [#tpu.dimension_semantics<core_parallel>, #tpu.dimension_semantics<subcore_parallel>], iteration_bounds = array<i64: 2, 16>, scalar_prefetch = 0 : i64, scratch_operands = 9 : i64, tpu.core_type = #tpu.core_type<sc_vector_subcore>, window_params = [{transform_indices = #map}, {transform_indices = #map}, {transform_indices = #map1}]} {
    %mul3A = arith.constant 2 : i32
    %mul3A_0 = arith.muli %arg1, %mul3A : i32
    %add3A = arith.addi %mul3A_0, %arg0 : i32
    %mul3A_1 = arith.constant 128 : i32
    %mul3A_2 = arith.muli %add3A, %mul3A_1 : i32
    "tpu.region"() ({
      %run_scoped3A = tpu.sem_alloc : memref<!tpu.dma_semaphore, #tpu.memory_space<semaphore_mem>>
      %dma_start3A_171 = arith.constant 0 : i32
      %dma_start3A_172 = tpu.memref_slice %arg2[%dma_start3A_171, %mul3A_2] : memref<200x4096xi32, #tpu.memory_space<hbm>> -> memref<200x128xi32, #tpu.memory_space<hbm>>
      %dma_start3A_173 = arith.constant 0 : i32
      %dma_start3A_174 = tpu.memref_slice %arg2[%dma_start3A_173, %mul3A_2] : memref<200x4096xi32, #tpu.memory_space<hbm>> -> memref<200x128xi32, #tpu.memory_space<hbm>>
      tpu.enqueue_dma source(%dma_start3A_174 : memref<200x128xi32, #tpu.memory_space<hbm>>) target(%arg5 : memref<200x128xi32, #tpu.memory_space<vmem>>) target_semaphore(%run_scoped3A : memref<!tpu.dma_semaphore, #tpu.memory_space<semaphore_mem>>)
      %dma_wait3A_175 = arith.constant 0 : i32
      %dma_wait3A_176 = tpu.memref_slice %arg2[%dma_wait3A_175, %mul3A_2] : memref<200x4096xi32, #tpu.memory_space<hbm>> -> memref<200x128xi32, #tpu.memory_space<hbm>>
      %dma_wait3A_177 = arith.constant 0 : i32
      %dma_wait3A_178 = tpu.memref_slice %arg2[%dma_wait3A_177, %mul3A_2] : memref<200x4096xi32, #tpu.memory_space<hbm>> -> memref<200x128xi32, #tpu.memory_space<hbm>>
      tpu.wait_dma2 semaphore(%run_scoped3A : memref<!tpu.dma_semaphore, #tpu.memory_space<semaphore_mem>>) src(%dma_wait3A_178 : memref<200x128xi32, #tpu.memory_space<hbm>>) dst(%arg5 : memref<200x128xi32, #tpu.memory_space<vmem>>)
      tpu.yield
    }) : () -> ()
    %iota3A = tpu.iota {dimensions = array<i32: 0>} : vector<16xi32>
    %add3A_3 = arith.constant 0 : i32
    %add3A_4 = vector.broadcast %add3A_3 : i32 to vector<16xi32>
    %add3A_5 = arith.addi %iota3A, %add3A_4 : vector<16xi32>
    %add3A_6 = arith.constant 16 : i32
    %add3A_7 = vector.broadcast %add3A_6 : i32 to vector<16xi32>
    %add3A_8 = arith.addi %iota3A, %add3A_7 : vector<16xi32>
    %add3A_9 = arith.constant 32 : i32
    %add3A_10 = vector.broadcast %add3A_9 : i32 to vector<16xi32>
    %add3A_11 = arith.addi %iota3A, %add3A_10 : vector<16xi32>
    %add3A_12 = arith.constant 48 : i32
    %add3A_13 = vector.broadcast %add3A_12 : i32 to vector<16xi32>
    %add3A_14 = arith.addi %iota3A, %add3A_13 : vector<16xi32>
    %add3A_15 = arith.constant 64 : i32
    %add3A_16 = vector.broadcast %add3A_15 : i32 to vector<16xi32>
    %add3A_17 = arith.addi %iota3A, %add3A_16 : vector<16xi32>
    %add3A_18 = arith.constant 80 : i32
    %add3A_19 = vector.broadcast %add3A_18 : i32 to vector<16xi32>
    %add3A_20 = arith.addi %iota3A, %add3A_19 : vector<16xi32>
    %add3A_21 = arith.constant 96 : i32
    %add3A_22 = vector.broadcast %add3A_21 : i32 to vector<16xi32>
    %add3A_23 = arith.addi %iota3A, %add3A_22 : vector<16xi32>
    %add3A_24 = arith.constant 112 : i32
    %add3A_25 = vector.broadcast %add3A_24 : i32 to vector<16xi32>
    %add3A_26 = arith.addi %iota3A, %add3A_25 : vector<16xi32>
    %dma_start3A = arith.constant 0 : i32
    %dma_start3A_27 = arith.constant 0 : i32
    %dma_start3A_28 = tpu.memref_slice %arg5[%dma_start3A, %dma_start3A_27] : memref<200x128xi32, #tpu.memory_space<vmem>> -> memref<1x128xi32, #tpu.memory_space<vmem>>
    %dma_start3A_29 = tpu.memref_squeeze %dma_start3A_28 : memref<1x128xi32, #tpu.memory_space<vmem>> -> memref<128xi32, #tpu.memory_space<vmem>>
    %dma_start3A_30 = arith.constant 0 : i32
    %dma_start3A_31 = arith.constant 0 : i32
    %dma_start3A_32 = tpu.memref_slice %arg3[%dma_start3A_30, %dma_start3A_31] : memref<100001x128xf32, #tpu.memory_space<hbm>> -> memref<100001x128xf32, #tpu.memory_space<hbm>>
    tpu.enqueue_indirect_dma source(%dma_start3A_32 : memref<100001x128xf32, #tpu.memory_space<hbm>>) target(%arg6 : memref<128x128xf32, #tpu.memory_space<vmem>>) offsets(%dma_start3A_29 : memref<128xi32, #tpu.memory_space<vmem>>) semaphore(%arg10 : memref<!tpu.dma_semaphore, #tpu.memory_space<semaphore_mem>>)
    %dma_start3A_33 = arith.constant 1 : i32
    %dma_start3A_34 = arith.constant 0 : i32
    %dma_start3A_35 = tpu.memref_slice %arg5[%dma_start3A_33, %dma_start3A_34] : memref<200x128xi32, #tpu.memory_space<vmem>> -> memref<1x128xi32, #tpu.memory_space<vmem>>
    %dma_start3A_36 = tpu.memref_squeeze %dma_start3A_35 : memref<1x128xi32, #tpu.memory_space<vmem>> -> memref<128xi32, #tpu.memory_space<vmem>>
    %dma_start3A_37 = arith.constant 0 : i32
    %dma_start3A_38 = arith.constant 0 : i32
    %dma_start3A_39 = tpu.memref_slice %arg3[%dma_start3A_37, %dma_start3A_38] : memref<100001x128xf32, #tpu.memory_space<hbm>> -> memref<100001x128xf32, #tpu.memory_space<hbm>>
    tpu.enqueue_indirect_dma source(%dma_start3A_39 : memref<100001x128xf32, #tpu.memory_space<hbm>>) target(%arg7 : memref<128x128xf32, #tpu.memory_space<vmem>>) offsets(%dma_start3A_36 : memref<128xi32, #tpu.memory_space<vmem>>) semaphore(%arg11 : memref<!tpu.dma_semaphore, #tpu.memory_space<semaphore_mem>>)
    %dma_wait3A = arith.constant 0 : i32
    %dma_wait3A_40 = arith.constant 0 : i32
    %dma_wait3A_41 = tpu.memref_slice %arg5[%dma_wait3A, %dma_wait3A_40] : memref<200x128xi32, #tpu.memory_space<vmem>> -> memref<1x128xi32, #tpu.memory_space<vmem>>
    %dma_wait3A_42 = tpu.memref_squeeze %dma_wait3A_41 : memref<1x128xi32, #tpu.memory_space<vmem>> -> memref<128xi32, #tpu.memory_space<vmem>>
    %dma_wait3A_43 = arith.constant 0 : i32
    %dma_wait3A_44 = arith.constant 0 : i32
    %dma_wait3A_45 = tpu.memref_slice %arg3[%dma_wait3A_43, %dma_wait3A_44] : memref<100001x128xf32, #tpu.memory_space<hbm>> -> memref<100001x128xf32, #tpu.memory_space<hbm>>
    tpu.wait_indirect_dma semaphore(%arg10 : memref<!tpu.dma_semaphore, #tpu.memory_space<semaphore_mem>>) src(%dma_wait3A_45 : memref<100001x128xf32, #tpu.memory_space<hbm>>) dst(%arg6 : memref<128x128xf32, #tpu.memory_space<vmem>>)
    %scan3A = arith.constant 0 : i32
    %scan3A_46 = arith.constant 0 : i32
    %scan3A_47 = arith.constant 16 : i32
    %scan3A_48 = arith.addi %scan3A_46, %scan3A_47 : i32
    %scan3A_49 = arith.constant 1 : i32
    %scan3A_50 = scf.for %scan3A_171 = %scan3A_46 to %scan3A_48 step %scan3A_49 iter_args(%scan3A_172 = %scan3A) -> (i32)  : i32 {
      %add3A_173 = vector.broadcast %scan3A_171 : i32 to vector<16xi32>
      %add3A_174 = arith.addi %iota3A, %add3A_173 : vector<16xi32>
      %and3A = arith.constant 15 : i32
      %and3A_175 = vector.broadcast %and3A : i32 to vector<16xi32>
      %and3A_176 = arith.andi %add3A_174, %and3A_175 : vector<16xi32>
      %add3A_177 = arith.constant 0 : i32
      %add3A_178 = vector.broadcast %add3A_177 : i32 to vector<16xi32>
      %add3A_179 = arith.addi %and3A_176, %add3A_178 : vector<16xi32>
      %gather3A = tpu.vector_load_idx %arg6[%add3A_5, %add3A_179] : memref<128x128xf32, #tpu.memory_space<vmem>>[vector<16xi32>, vector<16xi32>], vector<16xf32>,
      tpu.vector_store_idx %arg8[%add3A_179, %add3A_5], %gather3A : memref<64x128xf32, #tpu.memory_space<vmem>>[vector<16xi32>, vector<16xi32>], vector<16xf32>,
      %gather3A_180 = tpu.vector_load_idx %arg6[%add3A_8, %add3A_179] : memref<128x128xf32, #tpu.memory_space<vmem>>[vector<16xi32>, vector<16xi32>], vector<16xf32>,
      tpu.vector_store_idx %arg8[%add3A_179, %add3A_8], %gather3A_180 : memref<64x128xf32, #tpu.memory_space<vmem>>[vector<16xi32>, vector<16xi32>], vector<16xf32>,
      %gather3A_181 = tpu.vector_load_idx %arg6[%add3A_11, %add3A_179] : memref<128x128xf32, #tpu.memory_space<vmem>>[vector<16xi32>, vector<16xi32>], vector<16xf32>,
      tpu.vector_store_idx %arg8[%add3A_179, %add3A_11], %gather3A_181 : memref<64x128xf32, #tpu.memory_space<vmem>>[vector<16xi32>, vector<16xi32>], vector<16xf32>,
      %gather3A_182 = tpu.vector_load_idx %arg6[%add3A_14, %add3A_179] : memref<128x128xf32, #tpu.memory_space<vmem>>[vector<16xi32>, vector<16xi32>], vector<16xf32>,
      tpu.vector_store_idx %arg8[%add3A_179, %add3A_14], %gather3A_182 : memref<64x128xf32, #tpu.memory_space<vmem>>[vector<16xi32>, vector<16xi32>], vector<16xf32>,
      %gather3A_183 = tpu.vector_load_idx %arg6[%add3A_17, %add3A_179] : memref<128x128xf32, #tpu.memory_space<vmem>>[vector<16xi32>, vector<16xi32>], vector<16xf32>,
      tpu.vector_store_idx %arg8[%add3A_179, %add3A_17], %gather3A_183 : memref<64x128xf32, #tpu.memory_space<vmem>>[vector<16xi32>, vector<16xi32>], vector<16xf32>,
      %gather3A_184 = tpu.vector_load_idx %arg6[%add3A_20, %add3A_179] : memref<128x128xf32, #tpu.memory_space<vmem>>[vector<16xi32>, vector<16xi32>], vector<16xf32>,
      tpu.vector_store_idx %arg8[%add3A_179, %add3A_20], %gather3A_184 : memref<64x128xf32, #tpu.memory_space<vmem>>[vector<16xi32>, vector<16xi32>], vector<16xf32>,
      %gather3A_185 = tpu.vector_load_idx %arg6[%add3A_23, %add3A_179] : memref<128x128xf32, #tpu.memory_space<vmem>>[vector<16xi32>, vector<16xi32>], vector<16xf32>,
      tpu.vector_store_idx %arg8[%add3A_179, %add3A_23], %gather3A_185 : memref<64x128xf32, #tpu.memory_space<vmem>>[vector<16xi32>, vector<16xi32>], vector<16xf32>,
      %gather3A_186 = tpu.vector_load_idx %arg6[%add3A_26, %add3A_179] : memref<128x128xf32, #tpu.memory_space<vmem>>[vector<16xi32>, vector<16xi32>], vector<16xf32>,
      tpu.vector_store_idx %arg8[%add3A_179, %add3A_26], %gather3A_186 : memref<64x128xf32, #tpu.memory_space<vmem>>[vector<16xi32>, vector<16xi32>], vector<16xf32>,
      %add3A_187 = arith.constant 16 : i32
      %add3A_188 = vector.broadcast %add3A_187 : i32 to vector<16xi32>
      %add3A_189 = arith.addi %and3A_176, %add3A_188 : vector<16xi32>
      %gather3A_190 = tpu.vector_load_idx %arg6[%add3A_5, %add3A_189] : memref<128x128xf32, #tpu.memory_space<vmem>>[vector<16xi32>, vector<16xi32>], vector<16xf32>,
      tpu.vector_store_idx %arg8[%add3A_189, %add3A_5], %gather3A_190 : memref<64x128xf32, #tpu.memory_space<vmem>>[vector<16xi32>, vector<16xi32>], vector<16xf32>,
      %gather3A_191 = tpu.vector_load_idx %arg6[%add3A_8, %add3A_189] : memref<128x128xf32, #tpu.memory_space<vmem>>[vector<16xi32>, vector<16xi32>], vector<16xf32>,
      tpu.vector_store_idx %arg8[%add3A_189, %add3A_8], %gather3A_191 : memref<64x128xf32, #tpu.memory_space<vmem>>[vector<16xi32>, vector<16xi32>], vector<16xf32>,
      %gather3A_192 = tpu.vector_load_idx %arg6[%add3A_11, %add3A_189] : memref<128x128xf32, #tpu.memory_space<vmem>>[vector<16xi32>, vector<16xi32>], vector<16xf32>,
      tpu.vector_store_idx %arg8[%add3A_189, %add3A_11], %gather3A_192 : memref<64x128xf32, #tpu.memory_space<vmem>>[vector<16xi32>, vector<16xi32>], vector<16xf32>,
      %gather3A_193 = tpu.vector_load_idx %arg6[%add3A_14, %add3A_189] : memref<128x128xf32, #tpu.memory_space<vmem>>[vector<16xi32>, vector<16xi32>], vector<16xf32>,
      tpu.vector_store_idx %arg8[%add3A_189, %add3A_14], %gather3A_193 : memref<64x128xf32, #tpu.memory_space<vmem>>[vector<16xi32>, vector<16xi32>], vector<16xf32>,
      %gather3A_194 = tpu.vector_load_idx %arg6[%add3A_17, %add3A_189] : memref<128x128xf32, #tpu.memory_space<vmem>>[vector<16xi32>, vector<16xi32>], vector<16xf32>,
      tpu.vector_store_idx %arg8[%add3A_189, %add3A_17], %gather3A_194 : memref<64x128xf32, #tpu.memory_space<vmem>>[vector<16xi32>, vector<16xi32>], vector<16xf32>,
      %gather3A_195 = tpu.vector_load_idx %arg6[%add3A_20, %add3A_189] : memref<128x128xf32, #tpu.memory_space<vmem>>[vector<16xi32>, vector<16xi32>], vector<16xf32>,
      tpu.vector_store_idx %arg8[%add3A_189, %add3A_20], %gather3A_195 : memref<64x128xf32, #tpu.memory_space<vmem>>[vector<16xi32>, vector<16xi32>], vector<16xf32>,
      %gather3A_196 = tpu.vector_load_idx %arg6[%add3A_23, %add3A_189] : memref<128x128xf32, #tpu.memory_space<vmem>>[vector<16xi32>, vector<16xi32>], vector<16xf32>,
      tpu.vector_store_idx %arg8[%add3A_189, %add3A_23], %gather3A_196 : memref<64x128xf32, #tpu.memory_space<vmem>>[vector<16xi32>, vector<16xi32>], vector<16xf32>,
      %gather3A_197 = tpu.vector_load_idx %arg6[%add3A_26, %add3A_189] : memref<128x128xf32, #tpu.memory_space<vmem>>[vector<16xi32>, vector<16xi32>], vector<16xf32>,
      tpu.vector_store_idx %arg8[%add3A_189, %add3A_26], %gather3A_197 : memref<64x128xf32, #tpu.memory_space<vmem>>[vector<16xi32>, vector<16xi32>], vector<16xf32>,
      %add3A_198 = arith.constant 32 : i32
      %add3A_199 = vector.broadcast %add3A_198 : i32 to vector<16xi32>
      %add3A_200 = arith.addi %and3A_176, %add3A_199 : vector<16xi32>
      %gather3A_201 = tpu.vector_load_idx %arg6[%add3A_5, %add3A_200] : memref<128x128xf32, #tpu.memory_space<vmem>>[vector<16xi32>, vector<16xi32>], vector<16xf32>,
      tpu.vector_store_idx %arg8[%add3A_200, %add3A_5], %gather3A_201 : memref<64x128xf32, #tpu.memory_space<vmem>>[vector<16xi32>, vector<16xi32>], vector<16xf32>,
      %gather3A_202 = tpu.vector_load_idx %arg6[%add3A_8, %add3A_200] : memref<128x128xf32, #tpu.memory_space<vmem>>[vector<16xi32>, vector<16xi32>], vector<16xf32>,
      tpu.vector_store_idx %arg8[%add3A_200, %add3A_8], %gather3A_202 : memref<64x128xf32, #tpu.memory_space<vmem>>[vector<16xi32>, vector<16xi32>], vector<16xf32>,
      %gather3A_203 = tpu.vector_load_idx %arg6[%add3A_11, %add3A_200] : memref<128x128xf32, #tpu.memory_space<vmem>>[vector<16xi32>, vector<16xi32>], vector<16xf32>,
      tpu.vector_store_idx %arg8[%add3A_200, %add3A_11], %gather3A_203 : memref<64x128xf32, #tpu.memory_space<vmem>>[vector<16xi32>, vector<16xi32>], vector<16xf32>,
      %gather3A_204 = tpu.vector_load_idx %arg6[%add3A_14, %add3A_200] : memref<128x128xf32, #tpu.memory_space<vmem>>[vector<16xi32>, vector<16xi32>], vector<16xf32>,
      tpu.vector_store_idx %arg8[%add3A_200, %add3A_14], %gather3A_204 : memref<64x128xf32, #tpu.memory_space<vmem>>[vector<16xi32>, vector<16xi32>], vector<16xf32>,
      %gather3A_205 = tpu.vector_load_idx %arg6[%add3A_17, %add3A_200] : memref<128x128xf32, #tpu.memory_space<vmem>>[vector<16xi32>, vector<16xi32>], vector<16xf32>,
      tpu.vector_store_idx %arg8[%add3A_200, %add3A_17], %gather3A_205 : memref<64x128xf32, #tpu.memory_space<vmem>>[vector<16xi32>, vector<16xi32>], vector<16xf32>,
      %gather3A_206 = tpu.vector_load_idx %arg6[%add3A_20, %add3A_200] : memref<128x128xf32, #tpu.memory_space<vmem>>[vector<16xi32>, vector<16xi32>], vector<16xf32>,
      tpu.vector_store_idx %arg8[%add3A_200, %add3A_20], %gather3A_206 : memref<64x128xf32, #tpu.memory_space<vmem>>[vector<16xi32>, vector<16xi32>], vector<16xf32>,
      %gather3A_207 = tpu.vector_load_idx %arg6[%add3A_23, %add3A_200] : memref<128x128xf32, #tpu.memory_space<vmem>>[vector<16xi32>, vector<16xi32>], vector<16xf32>,
      tpu.vector_store_idx %arg8[%add3A_200, %add3A_23], %gather3A_207 : memref<64x128xf32, #tpu.memory_space<vmem>>[vector<16xi32>, vector<16xi32>], vector<16xf32>,
      %gather3A_208 = tpu.vector_load_idx %arg6[%add3A_26, %add3A_200] : memref<128x128xf32, #tpu.memory_space<vmem>>[vector<16xi32>, vector<16xi32>], vector<16xf32>,
      tpu.vector_store_idx %arg8[%add3A_200, %add3A_26], %gather3A_208 : memref<64x128xf32, #tpu.memory_space<vmem>>[vector<16xi32>, vector<16xi32>], vector<16xf32>,
      %add3A_209 = arith.constant 48 : i32
      %add3A_210 = vector.broadcast %add3A_209 : i32 to vector<16xi32>
      %add3A_211 = arith.addi %and3A_176, %add3A_210 : vector<16xi32>
      %gather3A_212 = tpu.vector_load_idx %arg6[%add3A_5, %add3A_211] : memref<128x128xf32, #tpu.memory_space<vmem>>[vector<16xi32>, vector<16xi32>], vector<16xf32>,
      tpu.vector_store_idx %arg8[%add3A_211, %add3A_5], %gather3A_212 : memref<64x128xf32, #tpu.memory_space<vmem>>[vector<16xi32>, vector<16xi32>], vector<16xf32>,
      %gather3A_213 = tpu.vector_load_idx %arg6[%add3A_8, %add3A_211] : memref<128x128xf32, #tpu.memory_space<vmem>>[vector<16xi32>, vector<16xi32>], vector<16xf32>,
      tpu.vector_store_idx %arg8[%add3A_211, %add3A_8], %gather3A_213 : memref<64x128xf32, #tpu.memory_space<vmem>>[vector<16xi32>, vector<16xi32>], vector<16xf32>,
      %gather3A_214 = tpu.vector_load_idx %arg6[%add3A_11, %add3A_211] : memref<128x128xf32, #tpu.memory_space<vmem>>[vector<16xi32>, vector<16xi32>], vector<16xf32>,
      tpu.vector_store_idx %arg8[%add3A_211, %add3A_11], %gather3A_214 : memref<64x128xf32, #tpu.memory_space<vmem>>[vector<16xi32>, vector<16xi32>], vector<16xf32>,
      %gather3A_215 = tpu.vector_load_idx %arg6[%add3A_14, %add3A_211] : memref<128x128xf32, #tpu.memory_space<vmem>>[vector<16xi32>, vector<16xi32>], vector<16xf32>,
      tpu.vector_store_idx %arg8[%add3A_211, %add3A_14], %gather3A_215 : memref<64x128xf32, #tpu.memory_space<vmem>>[vector<16xi32>, vector<16xi32>], vector<16xf32>,
      %gather3A_216 = tpu.vector_load_idx %arg6[%add3A_17, %add3A_211] : memref<128x128xf32, #tpu.memory_space<vmem>>[vector<16xi32>, vector<16xi32>], vector<16xf32>,
      tpu.vector_store_idx %arg8[%add3A_211, %add3A_17], %gather3A_216 : memref<64x128xf32, #tpu.memory_space<vmem>>[vector<16xi32>, vector<16xi32>], vector<16xf32>,
      %gather3A_217 = tpu.vector_load_idx %arg6[%add3A_20, %add3A_211] : memref<128x128xf32, #tpu.memory_space<vmem>>[vector<16xi32>, vector<16xi32>], vector<16xf32>,
      tpu.vector_store_idx %arg8[%add3A_211, %add3A_20], %gather3A_217 : memref<64x128xf32, #tpu.memory_space<vmem>>[vector<16xi32>, vector<16xi32>], vector<16xf32>,
      %gather3A_218 = tpu.vector_load_idx %arg6[%add3A_23, %add3A_211] : memref<128x128xf32, #tpu.memory_space<vmem>>[vector<16xi32>, vector<16xi32>], vector<16xf32>,
      tpu.vector_store_idx %arg8[%add3A_211, %add3A_23], %gather3A_218 : memref<64x128xf32, #tpu.memory_space<vmem>>[vector<16xi32>, vector<16xi32>], vector<16xf32>,
      %gather3A_219 = tpu.vector_load_idx %arg6[%add3A_26, %add3A_211] : memref<128x128xf32, #tpu.memory_space<vmem>>[vector<16xi32>, vector<16xi32>], vector<16xf32>,
      tpu.vector_store_idx %arg8[%add3A_211, %add3A_26], %gather3A_219 : memref<64x128xf32, #tpu.memory_space<vmem>>[vector<16xi32>, vector<16xi32>], vector<16xf32>,
      %scan3A_220 = arith.constant 0 : i32
      scf.yield %scan3A_220 : i32
    }
    %scan3A_51 = arith.constant 16 : i32
    %dma_start3A_52 = arith.constant 0 : i32
    %dma_start3A_53 = arith.constant 0 : i32
    %dma_start3A_54 = tpu.memref_slice %arg4[%dma_start3A_52, %dma_start3A_53, %mul3A_2] : memref<200x64x4096xf32, #tpu.memory_space<hbm>> -> memref<1x64x128xf32, #tpu.memory_space<hbm>>
    %dma_start3A_55 = tpu.memref_squeeze %dma_start3A_54 : memref<1x64x128xf32, #tpu.memory_space<hbm>> -> memref<64x128xf32, #tpu.memory_space<hbm>>
    %dma_start3A_56 = arith.constant 0 : i32
    %dma_start3A_57 = tpu.memref_slice %arg4[%dma_start3A_52, %dma_start3A_56, %mul3A_2] : memref<200x64x4096xf32, #tpu.memory_space<hbm>> -> memref<1x64x128xf32, #tpu.memory_space<hbm>>
    %dma_start3A_58 = tpu.memref_squeeze %dma_start3A_57 : memref<1x64x128xf32, #tpu.memory_space<hbm>> -> memref<64x128xf32, #tpu.memory_space<hbm>>
    tpu.enqueue_dma source(%arg8 : memref<64x128xf32, #tpu.memory_space<vmem>>) target(%dma_start3A_58 : memref<64x128xf32, #tpu.memory_space<hbm>>) target_semaphore(%arg12 : memref<!tpu.dma_semaphore, #tpu.memory_space<semaphore_mem>>)
    %dma_start3A_59 = arith.constant 2 : i32
    %dma_start3A_60 = arith.constant 0 : i32
    %dma_start3A_61 = tpu.memref_slice %arg5[%dma_start3A_59, %dma_start3A_60] : memref<200x128xi32, #tpu.memory_space<vmem>> -> memref<1x128xi32, #tpu.memory_space<vmem>>
    %dma_start3A_62 = tpu.memref_squeeze %dma_start3A_61 : memref<1x128xi32, #tpu.memory_space<vmem>> -> memref<128xi32, #tpu.memory_space<vmem>>
    %dma_start3A_63 = arith.constant 0 : i32
    %dma_start3A_64 = arith.constant 0 : i32
    %dma_start3A_65 = tpu.memref_slice %arg3[%dma_start3A_63, %dma_start3A_64] : memref<100001x128xf32, #tpu.memory_space<hbm>> -> memref<100001x128xf32, #tpu.memory_space<hbm>>
    tpu.enqueue_indirect_dma source(%dma_start3A_65 : memref<100001x128xf32, #tpu.memory_space<hbm>>) target(%arg6 : memref<128x128xf32, #tpu.memory_space<vmem>>) offsets(%dma_start3A_62 : memref<128xi32, #tpu.memory_space<vmem>>) semaphore(%arg10 : memref<!tpu.dma_semaphore, #tpu.memory_space<semaphore_mem>>)
    %dma_wait3A_66 = arith.constant 1 : i32
    %dma_wait3A_67 = arith.constant 0 : i32
    %dma_wait3A_68 = tpu.memref_slice %arg5[%dma_wait3A_66, %dma_wait3A_67] : memref<200x128xi32, #tpu.memory_space<vmem>> -> memref<1x128xi32, #tpu.memory_space<vmem>>
    %dma_wait3A_69 = tpu.memref_squeeze %dma_wait3A_68 : memref<1x128xi32, #tpu.memory_space<vmem>> -> memref<128xi32, #tpu.memory_space<vmem>>
    %dma_wait3A_70 = arith.constant 0 : i32
    %dma_wait3A_71 = arith.constant 0 : i32
    %dma_wait3A_72 = tpu.memref_slice %arg3[%dma_wait3A_70, %dma_wait3A_71] : memref<100001x128xf32, #tpu.memory_space<hbm>> -> memref<100001x128xf32, #tpu.memory_space<hbm>>
    tpu.wait_indirect_dma semaphore(%arg11 : memref<!tpu.dma_semaphore, #tpu.memory_space<semaphore_mem>>) src(%dma_wait3A_72 : memref<100001x128xf32, #tpu.memory_space<hbm>>) dst(%arg7 : memref<128x128xf32, #tpu.memory_space<vmem>>)
    %scan3A_73 = arith.constant 0 : i32
    %scan3A_74 = arith.constant 0 : i32
    %scan3A_75 = arith.constant 16 : i32
    %scan3A_76 = arith.addi %scan3A_74, %scan3A_75 : i32
    %scan3A_77 = arith.constant 1 : i32
    %scan3A_78 = scf.for %scan3A_171 = %scan3A_74 to %scan3A_76 step %scan3A_77 iter_args(%scan3A_172 = %scan3A_73) -> (i32)  : i32 {
      %add3A_173 = vector.broadcast %scan3A_171 : i32 to vector<16xi32>
      %add3A_174 = arith.addi %iota3A, %add3A_173 : vector<16xi32>
      %and3A = arith.constant 15 : i32
      %and3A_175 = vector.broadcast %and3A : i32 to vector<16xi32>
      %and3A_176 = arith.andi %add3A_174, %and3A_175 : vector<16xi32>
      %add3A_177 = arith.constant 0 : i32
      %add3A_178 = vector.broadcast %add3A_177 : i32 to vector<16xi32>
      %add3A_179 = arith.addi %and3A_176, %add3A_178 : vector<16xi32>
      %gather3A = tpu.vector_load_idx %arg7[%add3A_5, %add3A_179] : memref<128x128xf32, #tpu.memory_space<vmem>>[vector<16xi32>, vector<16xi32>], vector<16xf32>,
      tpu.vector_store_idx %arg9[%add3A_179, %add3A_5], %gather3A : memref<64x128xf32, #tpu.memory_space<vmem>>[vector<16xi32>, vector<16xi32>], vector<16xf32>,
      %gather3A_180 = tpu.vector_load_idx %arg7[%add3A_8, %add3A_179] : memref<128x128xf32, #tpu.memory_space<vmem>>[vector<16xi32>, vector<16xi32>], vector<16xf32>,
      tpu.vector_store_idx %arg9[%add3A_179, %add3A_8], %gather3A_180 : memref<64x128xf32, #tpu.memory_space<vmem>>[vector<16xi32>, vector<16xi32>], vector<16xf32>,
      %gather3A_181 = tpu.vector_load_idx %arg7[%add3A_11, %add3A_179] : memref<128x128xf32, #tpu.memory_space<vmem>>[vector<16xi32>, vector<16xi32>], vector<16xf32>,
      tpu.vector_store_idx %arg9[%add3A_179, %add3A_11], %gather3A_181 : memref<64x128xf32, #tpu.memory_space<vmem>>[vector<16xi32>, vector<16xi32>], vector<16xf32>,
      %gather3A_182 = tpu.vector_load_idx %arg7[%add3A_14, %add3A_179] : memref<128x128xf32, #tpu.memory_space<vmem>>[vector<16xi32>, vector<16xi32>], vector<16xf32>,
      tpu.vector_store_idx %arg9[%add3A_179, %add3A_14], %gather3A_182 : memref<64x128xf32, #tpu.memory_space<vmem>>[vector<16xi32>, vector<16xi32>], vector<16xf32>,
      %gather3A_183 = tpu.vector_load_idx %arg7[%add3A_17, %add3A_179] : memref<128x128xf32, #tpu.memory_space<vmem>>[vector<16xi32>, vector<16xi32>], vector<16xf32>,
      tpu.vector_store_idx %arg9[%add3A_179, %add3A_17], %gather3A_183 : memref<64x128xf32, #tpu.memory_space<vmem>>[vector<16xi32>, vector<16xi32>], vector<16xf32>,
      %gather3A_184 = tpu.vector_load_idx %arg7[%add3A_20, %add3A_179] : memref<128x128xf32, #tpu.memory_space<vmem>>[vector<16xi32>, vector<16xi32>], vector<16xf32>,
      tpu.vector_store_idx %arg9[%add3A_179, %add3A_20], %gather3A_184 : memref<64x128xf32, #tpu.memory_space<vmem>>[vector<16xi32>, vector<16xi32>], vector<16xf32>,
      %gather3A_185 = tpu.vector_load_idx %arg7[%add3A_23, %add3A_179] : memref<128x128xf32, #tpu.memory_space<vmem>>[vector<16xi32>, vector<16xi32>], vector<16xf32>,
      tpu.vector_store_idx %arg9[%add3A_179, %add3A_23], %gather3A_185 : memref<64x128xf32, #tpu.memory_space<vmem>>[vector<16xi32>, vector<16xi32>], vector<16xf32>,
      %gather3A_186 = tpu.vector_load_idx %arg7[%add3A_26, %add3A_179] : memref<128x128xf32, #tpu.memory_space<vmem>>[vector<16xi32>, vector<16xi32>], vector<16xf32>,
      tpu.vector_store_idx %arg9[%add3A_179, %add3A_26], %gather3A_186 : memref<64x128xf32, #tpu.memory_space<vmem>>[vector<16xi32>, vector<16xi32>], vector<16xf32>,
      %add3A_187 = arith.constant 16 : i32
      %add3A_188 = vector.broadcast %add3A_187 : i32 to vector<16xi32>
      %add3A_189 = arith.addi %and3A_176, %add3A_188 : vector<16xi32>
      %gather3A_190 = tpu.vector_load_idx %arg7[%add3A_5, %add3A_189] : memref<128x128xf32, #tpu.memory_space<vmem>>[vector<16xi32>, vector<16xi32>], vector<16xf32>,
      tpu.vector_store_idx %arg9[%add3A_189, %add3A_5], %gather3A_190 : memref<64x128xf32, #tpu.memory_space<vmem>>[vector<16xi32>, vector<16xi32>], vector<16xf32>,
      %gather3A_191 = tpu.vector_load_idx %arg7[%add3A_8, %add3A_189] : memref<128x128xf32, #tpu.memory_space<vmem>>[vector<16xi32>, vector<16xi32>], vector<16xf32>,
      tpu.vector_store_idx %arg9[%add3A_189, %add3A_8], %gather3A_191 : memref<64x128xf32, #tpu.memory_space<vmem>>[vector<16xi32>, vector<16xi32>], vector<16xf32>,
      %gather3A_192 = tpu.vector_load_idx %arg7[%add3A_11, %add3A_189] : memref<128x128xf32, #tpu.memory_space<vmem>>[vector<16xi32>, vector<16xi32>], vector<16xf32>,
      tpu.vector_store_idx %arg9[%add3A_189, %add3A_11], %gather3A_192 : memref<64x128xf32, #tpu.memory_space<vmem>>[vector<16xi32>, vector<16xi32>], vector<16xf32>,
      %gather3A_193 = tpu.vector_load_idx %arg7[%add3A_14, %add3A_189] : memref<128x128xf32, #tpu.memory_space<vmem>>[vector<16xi32>, vector<16xi32>], vector<16xf32>,
      tpu.vector_store_idx %arg9[%add3A_189, %add3A_14], %gather3A_193 : memref<64x128xf32, #tpu.memory_space<vmem>>[vector<16xi32>, vector<16xi32>], vector<16xf32>,
      %gather3A_194 = tpu.vector_load_idx %arg7[%add3A_17, %add3A_189] : memref<128x128xf32, #tpu.memory_space<vmem>>[vector<16xi32>, vector<16xi32>], vector<16xf32>,
      tpu.vector_store_idx %arg9[%add3A_189, %add3A_17], %gather3A_194 : memref<64x128xf32, #tpu.memory_space<vmem>>[vector<16xi32>, vector<16xi32>], vector<16xf32>,
      %gather3A_195 = tpu.vector_load_idx %arg7[%add3A_20, %add3A_189] : memref<128x128xf32, #tpu.memory_space<vmem>>[vector<16xi32>, vector<16xi32>], vector<16xf32>,
      tpu.vector_store_idx %arg9[%add3A_189, %add3A_20], %gather3A_195 : memref<64x128xf32, #tpu.memory_space<vmem>>[vector<16xi32>, vector<16xi32>], vector<16xf32>,
      %gather3A_196 = tpu.vector_load_idx %arg7[%add3A_23, %add3A_189] : memref<128x128xf32, #tpu.memory_space<vmem>>[vector<16xi32>, vector<16xi32>], vector<16xf32>,
      tpu.vector_store_idx %arg9[%add3A_189, %add3A_23], %gather3A_196 : memref<64x128xf32, #tpu.memory_space<vmem>>[vector<16xi32>, vector<16xi32>], vector<16xf32>,
      %gather3A_197 = tpu.vector_load_idx %arg7[%add3A_26, %add3A_189] : memref<128x128xf32, #tpu.memory_space<vmem>>[vector<16xi32>, vector<16xi32>], vector<16xf32>,
      tpu.vector_store_idx %arg9[%add3A_189, %add3A_26], %gather3A_197 : memref<64x128xf32, #tpu.memory_space<vmem>>[vector<16xi32>, vector<16xi32>], vector<16xf32>,
      %add3A_198 = arith.constant 32 : i32
      %add3A_199 = vector.broadcast %add3A_198 : i32 to vector<16xi32>
      %add3A_200 = arith.addi %and3A_176, %add3A_199 : vector<16xi32>
      %gather3A_201 = tpu.vector_load_idx %arg7[%add3A_5, %add3A_200] : memref<128x128xf32, #tpu.memory_space<vmem>>[vector<16xi32>, vector<16xi32>], vector<16xf32>,
      tpu.vector_store_idx %arg9[%add3A_200, %add3A_5], %gather3A_201 : memref<64x128xf32, #tpu.memory_space<vmem>>[vector<16xi32>, vector<16xi32>], vector<16xf32>,
      %gather3A_202 = tpu.vector_load_idx %arg7[%add3A_8, %add3A_200] : memref<128x128xf32, #tpu.memory_space<vmem>>[vector<16xi32>, vector<16xi32>], vector<16xf32>,
      tpu.vector_store_idx %arg9[%add3A_200, %add3A_8], %gather3A_202 : memref<64x128xf32, #tpu.memory_space<vmem>>[vector<16xi32>, vector<16xi32>], vector<16xf32>,
      %gather3A_203 = tpu.vector_load_idx %arg7[%add3A_11, %add3A_200] : memref<128x128xf32, #tpu.memory_space<vmem>>[vector<16xi32>, vector<16xi32>], vector<16xf32>,
      tpu.vector_store_idx %arg9[%add3A_200, %add3A_11], %gather3A_203 : memref<64x128xf32, #tpu.memory_space<vmem>>[vector<16xi32>, vector<16xi32>], vector<16xf32>,
      %gather3A_204 = tpu.vector_load_idx %arg7[%add3A_14, %add3A_200] : memref<128x128xf32, #tpu.memory_space<vmem>>[vector<16xi32>, vector<16xi32>], vector<16xf32>,
      tpu.vector_store_idx %arg9[%add3A_200, %add3A_14], %gather3A_204 : memref<64x128xf32, #tpu.memory_space<vmem>>[vector<16xi32>, vector<16xi32>], vector<16xf32>,
      %gather3A_205 = tpu.vector_load_idx %arg7[%add3A_17, %add3A_200] : memref<128x128xf32, #tpu.memory_space<vmem>>[vector<16xi32>, vector<16xi32>], vector<16xf32>,
      tpu.vector_store_idx %arg9[%add3A_200, %add3A_17], %gather3A_205 : memref<64x128xf32, #tpu.memory_space<vmem>>[vector<16xi32>, vector<16xi32>], vector<16xf32>,
      %gather3A_206 = tpu.vector_load_idx %arg7[%add3A_20, %add3A_200] : memref<128x128xf32, #tpu.memory_space<vmem>>[vector<16xi32>, vector<16xi32>], vector<16xf32>,
      tpu.vector_store_idx %arg9[%add3A_200, %add3A_20], %gather3A_206 : memref<64x128xf32, #tpu.memory_space<vmem>>[vector<16xi32>, vector<16xi32>], vector<16xf32>,
      %gather3A_207 = tpu.vector_load_idx %arg7[%add3A_23, %add3A_200] : memref<128x128xf32, #tpu.memory_space<vmem>>[vector<16xi32>, vector<16xi32>], vector<16xf32>,
      tpu.vector_store_idx %arg9[%add3A_200, %add3A_23], %gather3A_207 : memref<64x128xf32, #tpu.memory_space<vmem>>[vector<16xi32>, vector<16xi32>], vector<16xf32>,
      %gather3A_208 = tpu.vector_load_idx %arg7[%add3A_26, %add3A_200] : memref<128x128xf32, #tpu.memory_space<vmem>>[vector<16xi32>, vector<16xi32>], vector<16xf32>,
      tpu.vector_store_idx %arg9[%add3A_200, %add3A_26], %gather3A_208 : memref<64x128xf32, #tpu.memory_space<vmem>>[vector<16xi32>, vector<16xi32>], vector<16xf32>,
      %add3A_209 = arith.constant 48 : i32
      %add3A_210 = vector.broadcast %add3A_209 : i32 to vector<16xi32>
      %add3A_211 = arith.addi %and3A_176, %add3A_210 : vector<16xi32>
      %gather3A_212 = tpu.vector_load_idx %arg7[%add3A_5, %add3A_211] : memref<128x128xf32, #tpu.memory_space<vmem>>[vector<16xi32>, vector<16xi32>], vector<16xf32>,
      tpu.vector_store_idx %arg9[%add3A_211, %add3A_5], %gather3A_212 : memref<64x128xf32, #tpu.memory_space<vmem>>[vector<16xi32>, vector<16xi32>], vector<16xf32>,
      %gather3A_213 = tpu.vector_load_idx %arg7[%add3A_8, %add3A_211] : memref<128x128xf32, #tpu.memory_space<vmem>>[vector<16xi32>, vector<16xi32>], vector<16xf32>,
      tpu.vector_store_idx %arg9[%add3A_211, %add3A_8], %gather3A_213 : memref<64x128xf32, #tpu.memory_space<vmem>>[vector<16xi32>, vector<16xi32>], vector<16xf32>,
      %gather3A_214 = tpu.vector_load_idx %arg7[%add3A_11, %add3A_211] : memref<128x128xf32, #tpu.memory_space<vmem>>[vector<16xi32>, vector<16xi32>], vector<16xf32>,
      tpu.vector_store_idx %arg9[%add3A_211, %add3A_11], %gather3A_214 : memref<64x128xf32, #tpu.memory_space<vmem>>[vector<16xi32>, vector<16xi32>], vector<16xf32>,
      %gather3A_215 = tpu.vector_load_idx %arg7[%add3A_14, %add3A_211] : memref<128x128xf32, #tpu.memory_space<vmem>>[vector<16xi32>, vector<16xi32>], vector<16xf32>,
      tpu.vector_store_idx %arg9[%add3A_211, %add3A_14], %gather3A_215 : memref<64x128xf32, #tpu.memory_space<vmem>>[vector<16xi32>, vector<16xi32>], vector<16xf32>,
      %gather3A_216 = tpu.vector_load_idx %arg7[%add3A_17, %add3A_211] : memref<128x128xf32, #tpu.memory_space<vmem>>[vector<16xi32>, vector<16xi32>], vector<16xf32>,
      tpu.vector_store_idx %arg9[%add3A_211, %add3A_17], %gather3A_216 : memref<64x128xf32, #tpu.memory_space<vmem>>[vector<16xi32>, vector<16xi32>], vector<16xf32>,
      %gather3A_217 = tpu.vector_load_idx %arg7[%add3A_20, %add3A_211] : memref<128x128xf32, #tpu.memory_space<vmem>>[vector<16xi32>, vector<16xi32>], vector<16xf32>,
      tpu.vector_store_idx %arg9[%add3A_211, %add3A_20], %gather3A_217 : memref<64x128xf32, #tpu.memory_space<vmem>>[vector<16xi32>, vector<16xi32>], vector<16xf32>,
      %gather3A_218 = tpu.vector_load_idx %arg7[%add3A_23, %add3A_211] : memref<128x128xf32, #tpu.memory_space<vmem>>[vector<16xi32>, vector<16xi32>], vector<16xf32>,
      tpu.vector_store_idx %arg9[%add3A_211, %add3A_23], %gather3A_218 : memref<64x128xf32, #tpu.memory_space<vmem>>[vector<16xi32>, vector<16xi32>], vector<16xf32>,
      %gather3A_219 = tpu.vector_load_idx %arg7[%add3A_26, %add3A_211] : memref<128x128xf32, #tpu.memory_space<vmem>>[vector<16xi32>, vector<16xi32>], vector<16xf32>,
      tpu.vector_store_idx %arg9[%add3A_211, %add3A_26], %gather3A_219 : memref<64x128xf32, #tpu.memory_space<vmem>>[vector<16xi32>, vector<16xi32>], vector<16xf32>,
      %scan3A_220 = arith.constant 0 : i32
      scf.yield %scan3A_220 : i32
    }
    %scan3A_79 = arith.constant 16 : i32
    %dma_start3A_80 = arith.constant 1 : i32
    %dma_start3A_81 = arith.constant 0 : i32
    %dma_start3A_82 = tpu.memref_slice %arg4[%dma_start3A_80, %dma_start3A_81, %mul3A_2] : memref<200x64x4096xf32, #tpu.memory_space<hbm>> -> memref<1x64x128xf32, #tpu.memory_space<hbm>>
    %dma_start3A_83 = tpu.memref_squeeze %dma_start3A_82 : memref<1x64x128xf32, #tpu.memory_space<hbm>> -> memref<64x128xf32, #tpu.memory_space<hbm>>
    %dma_start3A_84 = arith.constant 0 : i32
    %dma_start3A_85 = tpu.memref_slice %arg4[%dma_start3A_80, %dma_start3A_84, %mul3A_2] : memref<200x64x4096xf32, #tpu.memory_space<hbm>> -> memref<1x64x128xf32, #tpu.memory_space<hbm>>
    %dma_start3A_86 = tpu.memref_squeeze %dma_start3A_85 : memref<1x64x128xf32, #tpu.memory_space<hbm>> -> memref<64x128xf32, #tpu.memory_space<hbm>>
    tpu.enqueue_dma source(%arg9 : memref<64x128xf32, #tpu.memory_space<vmem>>) target(%dma_start3A_86 : memref<64x128xf32, #tpu.memory_space<hbm>>) target_semaphore(%arg13 : memref<!tpu.dma_semaphore, #tpu.memory_space<semaphore_mem>>)
    %dma_start3A_87 = arith.constant 3 : i32
    %dma_start3A_88 = arith.constant 0 : i32
    %dma_start3A_89 = tpu.memref_slice %arg5[%dma_start3A_87, %dma_start3A_88] : memref<200x128xi32, #tpu.memory_space<vmem>> -> memref<1x128xi32, #tpu.memory_space<vmem>>
    %dma_start3A_90 = tpu.memref_squeeze %dma_start3A_89 : memref<1x128xi32, #tpu.memory_space<vmem>> -> memref<128xi32, #tpu.memory_space<vmem>>
    %dma_start3A_91 = arith.constant 0 : i32
    %dma_start3A_92 = arith.constant 0 : i32
    %dma_start3A_93 = tpu.memref_slice %arg3[%dma_start3A_91, %dma_start3A_92] : memref<100001x128xf32, #tpu.memory_space<hbm>> -> memref<100001x128xf32, #tpu.memory_space<hbm>>
    tpu.enqueue_indirect_dma source(%dma_start3A_93 : memref<100001x128xf32, #tpu.memory_space<hbm>>) target(%arg7 : memref<128x128xf32, #tpu.memory_space<vmem>>) offsets(%dma_start3A_90 : memref<128xi32, #tpu.memory_space<vmem>>) semaphore(%arg11 : memref<!tpu.dma_semaphore, #tpu.memory_space<semaphore_mem>>)
    %dma_wait3A_94 = arith.constant 0 : i32
    %dma_wait3A_95 = arith.constant 0 : i32
    %dma_wait3A_96 = tpu.memref_slice %arg4[%dma_wait3A_94, %dma_wait3A_95, %mul3A_2] : memref<200x64x4096xf32, #tpu.memory_space<hbm>> -> memref<1x64x128xf32, #tpu.memory_space<hbm>>
    %dma_wait3A_97 = tpu.memref_squeeze %dma_wait3A_96 : memref<1x64x128xf32, #tpu.memory_space<hbm>> -> memref<64x128xf32, #tpu.memory_space<hbm>>
    %dma_wait3A_98 = arith.constant 0 : i32
    %dma_wait3A_99 = tpu.memref_slice %arg4[%dma_wait3A_94, %dma_wait3A_98, %mul3A_2] : memref<200x64x4096xf32, #tpu.memory_space<hbm>> -> memref<1x64x128xf32, #tpu.memory_space<hbm>>
    %dma_wait3A_100 = tpu.memref_squeeze %dma_wait3A_99 : memref<1x64x128xf32, #tpu.memory_space<hbm>> -> memref<64x128xf32, #tpu.memory_space<hbm>>
    tpu.wait_dma2 semaphore(%arg12 : memref<!tpu.dma_semaphore, #tpu.memory_space<semaphore_mem>>) src(%arg8 : memref<64x128xf32, #tpu.memory_space<vmem>>) dst(%dma_wait3A_100 : memref<64x128xf32, #tpu.memory_space<hbm>>)
    %dma_wait3A_101 = arith.constant 2 : i32
    %dma_wait3A_102 = arith.constant 0 : i32
    %dma_wait3A_103 = tpu.memref_slice %arg5[%dma_wait3A_101, %dma_wait3A_102] : memref<200x128xi32, #tpu.memory_space<vmem>> -> memref<1x128xi32, #tpu.memory_space<vmem>>
    %dma_wait3A_104 = tpu.memref_squeeze %dma_wait3A_103 : memref<1x128xi32, #tpu.memory_space<vmem>> -> memref<128xi32, #tpu.memory_space<vmem>>
    %dma_wait3A_105 = arith.constant 0 : i32
    %dma_wait3A_106 = arith.constant 0 : i32
    %dma_wait3A_107 = tpu.memref_slice %arg3[%dma_wait3A_105, %dma_wait3A_106] : memref<100001x128xf32, #tpu.memory_space<hbm>> -> memref<100001x128xf32, #tpu.memory_space<hbm>>
    tpu.wait_indirect_dma semaphore(%arg10 : memref<!tpu.dma_semaphore, #tpu.memory_space<semaphore_mem>>) src(%dma_wait3A_107 : memref<100001x128xf32, #tpu.memory_space<hbm>>) dst(%arg6 : memref<128x128xf32, #tpu.memory_space<vmem>>)
    %scan3A_108 = arith.constant 0 : i32
    %scan3A_109 = arith.constant 0 : i32
    %scan3A_110 = arith.constant 16 : i32
    %scan3A_111 = arith.addi %scan3A_109, %scan3A_110 : i32
    %scan3A_112 = arith.constant 1 : i32
    %scan3A_113 = scf.for %scan3A_171 = %scan3A_109 to %scan3A_111 step %scan3A_112 iter_args(%scan3A_172 = %scan3A_108) -> (i32)  : i32 {
      %add3A_173 = vector.broadcast %scan3A_171 : i32 to vector<16xi32>
      %add3A_174 = arith.addi %iota3A, %add3A_173 : vector<16xi32>
      %and3A = arith.constant 15 : i32
      %and3A_175 = vector.broadcast %and3A : i32 to vector<16xi32>
      %and3A_176 = arith.andi %add3A_174, %and3A_175 : vector<16xi32>
      %add3A_177 = arith.constant 0 : i32
      %add3A_178 = vector.broadcast %add3A_177 : i32 to vector<16xi32>
      %add3A_179 = arith.addi %and3A_176, %add3A_178 : vector<16xi32>
      %gather3A = tpu.vector_load_idx %arg6[%add3A_5, %add3A_179] : memref<128x128xf32, #tpu.memory_space<vmem>>[vector<16xi32>, vector<16xi32>], vector<16xf32>,
      tpu.vector_store_idx %arg8[%add3A_179, %add3A_5], %gather3A : memref<64x128xf32, #tpu.memory_space<vmem>>[vector<16xi32>, vector<16xi32>], vector<16xf32>,
      %gather3A_180 = tpu.vector_load_idx %arg6[%add3A_8, %add3A_179] : memref<128x128xf32, #tpu.memory_space<vmem>>[vector<16xi32>, vector<16xi32>], vector<16xf32>,
      tpu.vector_store_idx %arg8[%add3A_179, %add3A_8], %gather3A_180 : memref<64x128xf32, #tpu.memory_space<vmem>>[vector<16xi32>, vector<16xi32>], vector<16xf32>,
      %gather3A_181 = tpu.vector_load_idx %arg6[%add3A_11, %add3A_179] : memref<128x128xf32, #tpu.memory_space<vmem>>[vector<16xi32>, vector<16xi32>], vector<16xf32>,
      tpu.vector_store_idx %arg8[%add3A_179, %add3A_11], %gather3A_181 : memref<64x128xf32, #tpu.memory_space<vmem>>[vector<16xi32>, vector<16xi32>], vector<16xf32>,
      %gather3A_182 = tpu.vector_load_idx %arg6[%add3A_14, %add3A_179] : memref<128x128xf32, #tpu.memory_space<vmem>>[vector<16xi32>, vector<16xi32>], vector<16xf32>,
      tpu.vector_store_idx %arg8[%add3A_179, %add3A_14], %gather3A_182 : memref<64x128xf32, #tpu.memory_space<vmem>>[vector<16xi32>, vector<16xi32>], vector<16xf32>,
      %gather3A_183 = tpu.vector_load_idx %arg6[%add3A_17, %add3A_179] : memref<128x128xf32, #tpu.memory_space<vmem>>[vector<16xi32>, vector<16xi32>], vector<16xf32>,
      tpu.vector_store_idx %arg8[%add3A_179, %add3A_17], %gather3A_183 : memref<64x128xf32, #tpu.memory_space<vmem>>[vector<16xi32>, vector<16xi32>], vector<16xf32>,
      %gather3A_184 = tpu.vector_load_idx %arg6[%add3A_20, %add3A_179] : memref<128x128xf32, #tpu.memory_space<vmem>>[vector<16xi32>, vector<16xi32>], vector<16xf32>,
      tpu.vector_store_idx %arg8[%add3A_179, %add3A_20], %gather3A_184 : memref<64x128xf32, #tpu.memory_space<vmem>>[vector<16xi32>, vector<16xi32>], vector<16xf32>,
      %gather3A_185 = tpu.vector_load_idx %arg6[%add3A_23, %add3A_179] : memref<128x128xf32, #tpu.memory_space<vmem>>[vector<16xi32>, vector<16xi32>], vector<16xf32>,
      tpu.vector_store_idx %arg8[%add3A_179, %add3A_23], %gather3A_185 : memref<64x128xf32, #tpu.memory_space<vmem>>[vector<16xi32>, vector<16xi32>], vector<16xf32>,
      %gather3A_186 = tpu.vector_load_idx %arg6[%add3A_26, %add3A_179] : memref<128x128xf32, #tpu.memory_space<vmem>>[vector<16xi32>, vector<16xi32>], vector<16xf32>,
      tpu.vector_store_idx %arg8[%add3A_179, %add3A_26], %gather3A_186 : memref<64x128xf32, #tpu.memory_space<vmem>>[vector<16xi32>, vector<16xi32>], vector<16xf32>,
      %add3A_187 = arith.constant 16 : i32
      %add3A_188 = vector.broadcast %add3A_187 : i32 to vector<16xi32>
      %add3A_189 = arith.addi %and3A_176, %add3A_188 : vector<16xi32>
      %gather3A_190 = tpu.vector_load_idx %arg6[%add3A_5, %add3A_189] : memref<128x128xf32, #tpu.memory_space<vmem>>[vector<16xi32>, vector<16xi32>], vector<16xf32>,
      tpu.vector_store_idx %arg8[%add3A_189, %add3A_5], %gather3A_190 : memref<64x128xf32, #tpu.memory_space<vmem>>[vector<16xi32>, vector<16xi32>], vector<16xf32>,
      %gather3A_191 = tpu.vector_load_idx %arg6[%add3A_8, %add3A_189] : memref<128x128xf32, #tpu.memory_space<vmem>>[vector<16xi32>, vector<16xi32>], vector<16xf32>,
      tpu.vector_store_idx %arg8[%add3A_189, %add3A_8], %gather3A_191 : memref<64x128xf32, #tpu.memory_space<vmem>>[vector<16xi32>, vector<16xi32>], vector<16xf32>,
      %gather3A_192 = tpu.vector_load_idx %arg6[%add3A_11, %add3A_189] : memref<128x128xf32, #tpu.memory_space<vmem>>[vector<16xi32>, vector<16xi32>], vector<16xf32>,
      tpu.vector_store_idx %arg8[%add3A_189, %add3A_11], %gather3A_192 : memref<64x128xf32, #tpu.memory_space<vmem>>[vector<16xi32>, vector<16xi32>], vector<16xf32>,
      %gather3A_193 = tpu.vector_load_idx %arg6[%add3A_14, %add3A_189] : memref<128x128xf32, #tpu.memory_space<vmem>>[vector<16xi32>, vector<16xi32>], vector<16xf32>,
      tpu.vector_store_idx %arg8[%add3A_189, %add3A_14], %gather3A_193 : memref<64x128xf32, #tpu.memory_space<vmem>>[vector<16xi32>, vector<16xi32>], vector<16xf32>,
      %gather3A_194 = tpu.vector_load_idx %arg6[%add3A_17, %add3A_189] : memref<128x128xf32, #tpu.memory_space<vmem>>[vector<16xi32>, vector<16xi32>], vector<16xf32>,
      tpu.vector_store_idx %arg8[%add3A_189, %add3A_17], %gather3A_194 : memref<64x128xf32, #tpu.memory_space<vmem>>[vector<16xi32>, vector<16xi32>], vector<16xf32>,
      %gather3A_195 = tpu.vector_load_idx %arg6[%add3A_20, %add3A_189] : memref<128x128xf32, #tpu.memory_space<vmem>>[vector<16xi32>, vector<16xi32>], vector<16xf32>,
      tpu.vector_store_idx %arg8[%add3A_189, %add3A_20], %gather3A_195 : memref<64x128xf32, #tpu.memory_space<vmem>>[vector<16xi32>, vector<16xi32>], vector<16xf32>,
      %gather3A_196 = tpu.vector_load_idx %arg6[%add3A_23, %add3A_189] : memref<128x128xf32, #tpu.memory_space<vmem>>[vector<16xi32>, vector<16xi32>], vector<16xf32>,
      tpu.vector_store_idx %arg8[%add3A_189, %add3A_23], %gather3A_196 : memref<64x128xf32, #tpu.memory_space<vmem>>[vector<16xi32>, vector<16xi32>], vector<16xf32>,
      %gather3A_197 = tpu.vector_load_idx %arg6[%add3A_26, %add3A_189] : memref<128x128xf32, #tpu.memory_space<vmem>>[vector<16xi32>, vector<16xi32>], vector<16xf32>,
      tpu.vector_store_idx %arg8[%add3A_189, %add3A_26], %gather3A_197 : memref<64x128xf32, #tpu.memory_space<vmem>>[vector<16xi32>, vector<16xi32>], vector<16xf32>,
      %add3A_198 = arith.constant 32 : i32
      %add3A_199 = vector.broadcast %add3A_198 : i32 to vector<16xi32>
      %add3A_200 = arith.addi %and3A_176, %add3A_199 : vector<16xi32>
      %gather3A_201 = tpu.vector_load_idx %arg6[%add3A_5, %add3A_200] : memref<128x128xf32, #tpu.memory_space<vmem>>[vector<16xi32>, vector<16xi32>], vector<16xf32>,
      tpu.vector_store_idx %arg8[%add3A_200, %add3A_5], %gather3A_201 : memref<64x128xf32, #tpu.memory_space<vmem>>[vector<16xi32>, vector<16xi32>], vector<16xf32>,
      %gather3A_202 = tpu.vector_load_idx %arg6[%add3A_8, %add3A_200] : memref<128x128xf32, #tpu.memory_space<vmem>>[vector<16xi32>, vector<16xi32>], vector<16xf32>,
      tpu.vector_store_idx %arg8[%add3A_200, %add3A_8], %gather3A_202 : memref<64x128xf32, #tpu.memory_space<vmem>>[vector<16xi32>, vector<16xi32>], vector<16xf32>,
      %gather3A_203 = tpu.vector_load_idx %arg6[%add3A_11, %add3A_200] : memref<128x128xf32, #tpu.memory_space<vmem>>[vector<16xi32>, vector<16xi32>], vector<16xf32>,
      tpu.vector_store_idx %arg8[%add3A_200, %add3A_11], %gather3A_203 : memref<64x128xf32, #tpu.memory_space<vmem>>[vector<16xi32>, vector<16xi32>], vector<16xf32>,
      %gather3A_204 = tpu.vector_load_idx %arg6[%add3A_14, %add3A_200] : memref<128x128xf32, #tpu.memory_space<vmem>>[vector<16xi32>, vector<16xi32>], vector<16xf32>,
      tpu.vector_store_idx %arg8[%add3A_200, %add3A_14], %gather3A_204 : memref<64x128xf32, #tpu.memory_space<vmem>>[vector<16xi32>, vector<16xi32>], vector<16xf32>,
      %gather3A_205 = tpu.vector_load_idx %arg6[%add3A_17, %add3A_200] : memref<128x128xf32, #tpu.memory_space<vmem>>[vector<16xi32>, vector<16xi32>], vector<16xf32>,
      tpu.vector_store_idx %arg8[%add3A_200, %add3A_17], %gather3A_205 : memref<64x128xf32, #tpu.memory_space<vmem>>[vector<16xi32>, vector<16xi32>], vector<16xf32>,
      %gather3A_206 = tpu.vector_load_idx %arg6[%add3A_20, %add3A_200] : memref<128x128xf32, #tpu.memory_space<vmem>>[vector<16xi32>, vector<16xi32>], vector<16xf32>,
      tpu.vector_store_idx %arg8[%add3A_200, %add3A_20], %gather3A_206 : memref<64x128xf32, #tpu.memory_space<vmem>>[vector<16xi32>, vector<16xi32>], vector<16xf32>,
      %gather3A_207 = tpu.vector_load_idx %arg6[%add3A_23, %add3A_200] : memref<128x128xf32, #tpu.memory_space<vmem>>[vector<16xi32>, vector<16xi32>], vector<16xf32>,
      tpu.vector_store_idx %arg8[%add3A_200, %add3A_23], %gather3A_207 : memref<64x128xf32, #tpu.memory_space<vmem>>[vector<16xi32>, vector<16xi32>], vector<16xf32>,
      %gather3A_208 = tpu.vector_load_idx %arg6[%add3A_26, %add3A_200] : memref<128x128xf32, #tpu.memory_space<vmem>>[vector<16xi32>, vector<16xi32>], vector<16xf32>,
      tpu.vector_store_idx %arg8[%add3A_200, %add3A_26], %gather3A_208 : memref<64x128xf32, #tpu.memory_space<vmem>>[vector<16xi32>, vector<16xi32>], vector<16xf32>,
      %add3A_209 = arith.constant 48 : i32
      %add3A_210 = vector.broadcast %add3A_209 : i32 to vector<16xi32>
      %add3A_211 = arith.addi %and3A_176, %add3A_210 : vector<16xi32>
      %gather3A_212 = tpu.vector_load_idx %arg6[%add3A_5, %add3A_211] : memref<128x128xf32, #tpu.memory_space<vmem>>[vector<16xi32>, vector<16xi32>], vector<16xf32>,
      tpu.vector_store_idx %arg8[%add3A_211, %add3A_5], %gather3A_212 : memref<64x128xf32, #tpu.memory_space<vmem>>[vector<16xi32>, vector<16xi32>], vector<16xf32>,
      %gather3A_213 = tpu.vector_load_idx %arg6[%add3A_8, %add3A_211] : memref<128x128xf32, #tpu.memory_space<vmem>>[vector<16xi32>, vector<16xi32>], vector<16xf32>,
      tpu.vector_store_idx %arg8[%add3A_211, %add3A_8], %gather3A_213 : memref<64x128xf32, #tpu.memory_space<vmem>>[vector<16xi32>, vector<16xi32>], vector<16xf32>,
      %gather3A_214 = tpu.vector_load_idx %arg6[%add3A_11, %add3A_211] : memref<128x128xf32, #tpu.memory_space<vmem>>[vector<16xi32>, vector<16xi32>], vector<16xf32>,
      tpu.vector_store_idx %arg8[%add3A_211, %add3A_11], %gather3A_214 : memref<64x128xf32, #tpu.memory_space<vmem>>[vector<16xi32>, vector<16xi32>], vector<16xf32>,
      %gather3A_215 = tpu.vector_load_idx %arg6[%add3A_14, %add3A_211] : memref<128x128xf32, #tpu.memory_space<vmem>>[vector<16xi32>, vector<16xi32>], vector<16xf32>,
      tpu.vector_store_idx %arg8[%add3A_211, %add3A_14], %gather3A_215 : memref<64x128xf32, #tpu.memory_space<vmem>>[vector<16xi32>, vector<16xi32>], vector<16xf32>,
      %gather3A_216 = tpu.vector_load_idx %arg6[%add3A_17, %add3A_211] : memref<128x128xf32, #tpu.memory_space<vmem>>[vector<16xi32>, vector<16xi32>], vector<16xf32>,
      tpu.vector_store_idx %arg8[%add3A_211, %add3A_17], %gather3A_216 : memref<64x128xf32, #tpu.memory_space<vmem>>[vector<16xi32>, vector<16xi32>], vector<16xf32>,
      %gather3A_217 = tpu.vector_load_idx %arg6[%add3A_20, %add3A_211] : memref<128x128xf32, #tpu.memory_space<vmem>>[vector<16xi32>, vector<16xi32>], vector<16xf32>,
      tpu.vector_store_idx %arg8[%add3A_211, %add3A_20], %gather3A_217 : memref<64x128xf32, #tpu.memory_space<vmem>>[vector<16xi32>, vector<16xi32>], vector<16xf32>,
      %gather3A_218 = tpu.vector_load_idx %arg6[%add3A_23, %add3A_211] : memref<128x128xf32, #tpu.memory_space<vmem>>[vector<16xi32>, vector<16xi32>], vector<16xf32>,
      tpu.vector_store_idx %arg8[%add3A_211, %add3A_23], %gather3A_218 : memref<64x128xf32, #tpu.memory_space<vmem>>[vector<16xi32>, vector<16xi32>], vector<16xf32>,
      %gather3A_219 = tpu.vector_load_idx %arg6[%add3A_26, %add3A_211] : memref<128x128xf32, #tpu.memory_space<vmem>>[vector<16xi32>, vector<16xi32>], vector<16xf32>,
      tpu.vector_store_idx %arg8[%add3A_211, %add3A_26], %gather3A_219 : memref<64x128xf32, #tpu.memory_space<vmem>>[vector<16xi32>, vector<16xi32>], vector<16xf32>,
      %scan3A_220 = arith.constant 0 : i32
      scf.yield %scan3A_220 : i32
    }
    %scan3A_114 = arith.constant 16 : i32
    %dma_start3A_115 = arith.constant 2 : i32
    %dma_start3A_116 = arith.constant 0 : i32
    %dma_start3A_117 = tpu.memref_slice %arg4[%dma_start3A_115, %dma_start3A_116, %mul3A_2] : memref<200x64x4096xf32, #tpu.memory_space<hbm>> -> memref<1x64x128xf32, #tpu.memory_space<hbm>>
    %dma_start3A_118 = tpu.memref_squeeze %dma_start3A_117 : memref<1x64x128xf32, #tpu.memory_space<hbm>> -> memref<64x128xf32, #tpu.memory_space<hbm>>
    %dma_start3A_119 = arith.constant 0 : i32
    %dma_start3A_120 = tpu.memref_slice %arg4[%dma_start3A_115, %dma_start3A_119, %mul3A_2] : memref<200x64x4096xf32, #tpu.memory_space<hbm>> -> memref<1x64x128xf32, #tpu.memory_space<hbm>>
    %dma_start3A_121 = tpu.memref_squeeze %dma_start3A_120 : memref<1x64x128xf32, #tpu.memory_space<hbm>> -> memref<64x128xf32, #tpu.memory_space<hbm>>
    tpu.enqueue_dma source(%arg8 : memref<64x128xf32, #tpu.memory_space<vmem>>) target(%dma_start3A_121 : memref<64x128xf32, #tpu.memory_space<hbm>>) target_semaphore(%arg12 : memref<!tpu.dma_semaphore, #tpu.memory_space<semaphore_mem>>)
    %scan3A_122 = arith.constant 0 : i32
    %scan3A_123 = arith.constant 0 : i32
    %scan3A_124 = arith.constant 98 : i32
    %scan3A_125 = arith.addi %scan3A_123, %scan3A_124 : i32
    %scan3A_126 = arith.constant 1 : i32
    %scan3A_127 = scf.for %scan3A_171 = %scan3A_123 to %scan3A_125 step %scan3A_126 iter_args(%scan3A_172 = %scan3A_122) -> (i32)  : i32 {
      %mul3A_173 = arith.constant 2 : i32
      %mul3A_174 = arith.muli %mul3A_173, %scan3A_171 : i32
      %add3A_175 = arith.constant 4 : i32
      %add3A_176 = arith.addi %add3A_175, %mul3A_174 : i32
      %dma_start3A_177 = arith.constant 0 : i32
      %dma_start3A_178 = tpu.memref_slice %arg5[%add3A_176, %dma_start3A_177] : memref<200x128xi32, #tpu.memory_space<vmem>> -> memref<1x128xi32, #tpu.memory_space<vmem>>
      %dma_start3A_179 = tpu.memref_squeeze %dma_start3A_178 : memref<1x128xi32, #tpu.memory_space<vmem>> -> memref<128xi32, #tpu.memory_space<vmem>>
      %dma_start3A_180 = arith.constant 0 : i32
      %dma_start3A_181 = arith.constant 0 : i32
      %dma_start3A_182 = tpu.memref_slice %arg3[%dma_start3A_180, %dma_start3A_181] : memref<100001x128xf32, #tpu.memory_space<hbm>> -> memref<100001x128xf32, #tpu.memory_space<hbm>>
      tpu.enqueue_indirect_dma source(%dma_start3A_182 : memref<100001x128xf32, #tpu.memory_space<hbm>>) target(%arg6 : memref<128x128xf32, #tpu.memory_space<vmem>>) offsets(%dma_start3A_179 : memref<128xi32, #tpu.memory_space<vmem>>) semaphore(%arg10 : memref<!tpu.dma_semaphore, #tpu.memory_space<semaphore_mem>>)
      %sub3A = arith.constant 3 : i32
      %sub3A_183 = arith.subi %add3A_176, %sub3A : i32
      %dma_wait3A_184 = arith.constant 0 : i32
      %dma_wait3A_185 = tpu.memref_slice %arg4[%sub3A_183, %dma_wait3A_184, %mul3A_2] : memref<200x64x4096xf32, #tpu.memory_space<hbm>> -> memref<1x64x128xf32, #tpu.memory_space<hbm>>
      %dma_wait3A_186 = tpu.memref_squeeze %dma_wait3A_185 : memref<1x64x128xf32, #tpu.memory_space<hbm>> -> memref<64x128xf32, #tpu.memory_space<hbm>>
      %dma_wait3A_187 = arith.constant 0 : i32
      %dma_wait3A_188 = tpu.memref_slice %arg4[%sub3A_183, %dma_wait3A_187, %mul3A_2] : memref<200x64x4096xf32, #tpu.memory_space<hbm>> -> memref<1x64x128xf32, #tpu.memory_space<hbm>>
      %dma_wait3A_189 = tpu.memref_squeeze %dma_wait3A_188 : memref<1x64x128xf32, #tpu.memory_space<hbm>> -> memref<64x128xf32, #tpu.memory_space<hbm>>
      tpu.wait_dma2 semaphore(%arg13 : memref<!tpu.dma_semaphore, #tpu.memory_space<semaphore_mem>>) src(%arg9 : memref<64x128xf32, #tpu.memory_space<vmem>>) dst(%dma_wait3A_189 : memref<64x128xf32, #tpu.memory_space<hbm>>)
      %sub3A_190 = arith.constant 1 : i32
      %sub3A_191 = arith.subi %add3A_176, %sub3A_190 : i32
      %dma_wait3A_192 = arith.constant 0 : i32
      %dma_wait3A_193 = tpu.memref_slice %arg5[%sub3A_191, %dma_wait3A_192] : memref<200x128xi32, #tpu.memory_space<vmem>> -> memref<1x128xi32, #tpu.memory_space<vmem>>
      %dma_wait3A_194 = tpu.memref_squeeze %dma_wait3A_193 : memref<1x128xi32, #tpu.memory_space<vmem>> -> memref<128xi32, #tpu.memory_space<vmem>>
      %dma_wait3A_195 = arith.constant 0 : i32
      %dma_wait3A_196 = arith.constant 0 : i32
      %dma_wait3A_197 = tpu.memref_slice %arg3[%dma_wait3A_195, %dma_wait3A_196] : memref<100001x128xf32, #tpu.memory_space<hbm>> -> memref<100001x128xf32, #tpu.memory_space<hbm>>
      tpu.wait_indirect_dma semaphore(%arg11 : memref<!tpu.dma_semaphore, #tpu.memory_space<semaphore_mem>>) src(%dma_wait3A_197 : memref<100001x128xf32, #tpu.memory_space<hbm>>) dst(%arg7 : memref<128x128xf32, #tpu.memory_space<vmem>>)
      %scan3A_198 = arith.constant 0 : i32
      %scan3A_199 = arith.constant 0 : i32
      %scan3A_200 = arith.constant 16 : i32
      %scan3A_201 = arith.addi %scan3A_199, %scan3A_200 : i32
      %scan3A_202 = arith.constant 1 : i32
      %scan3A_203 = scf.for %scan3A_253 = %scan3A_199 to %scan3A_201 step %scan3A_202 iter_args(%scan3A_254 = %scan3A_198) -> (i32)  : i32 {
        %add3A_255 = vector.broadcast %scan3A_253 : i32 to vector<16xi32>
        %add3A_256 = arith.addi %iota3A, %add3A_255 : vector<16xi32>
        %and3A = arith.constant 15 : i32
        %and3A_257 = vector.broadcast %and3A : i32 to vector<16xi32>
        %and3A_258 = arith.andi %add3A_256, %and3A_257 : vector<16xi32>
        %add3A_259 = arith.constant 0 : i32
        %add3A_260 = vector.broadcast %add3A_259 : i32 to vector<16xi32>
        %add3A_261 = arith.addi %and3A_258, %add3A_260 : vector<16xi32>
        %gather3A = tpu.vector_load_idx %arg7[%add3A_5, %add3A_261] : memref<128x128xf32, #tpu.memory_space<vmem>>[vector<16xi32>, vector<16xi32>], vector<16xf32>,
        tpu.vector_store_idx %arg9[%add3A_261, %add3A_5], %gather3A : memref<64x128xf32, #tpu.memory_space<vmem>>[vector<16xi32>, vector<16xi32>], vector<16xf32>,
        %gather3A_262 = tpu.vector_load_idx %arg7[%add3A_8, %add3A_261] : memref<128x128xf32, #tpu.memory_space<vmem>>[vector<16xi32>, vector<16xi32>], vector<16xf32>,
        tpu.vector_store_idx %arg9[%add3A_261, %add3A_8], %gather3A_262 : memref<64x128xf32, #tpu.memory_space<vmem>>[vector<16xi32>, vector<16xi32>], vector<16xf32>,
        %gather3A_263 = tpu.vector_load_idx %arg7[%add3A_11, %add3A_261] : memref<128x128xf32, #tpu.memory_space<vmem>>[vector<16xi32>, vector<16xi32>], vector<16xf32>,
        tpu.vector_store_idx %arg9[%add3A_261, %add3A_11], %gather3A_263 : memref<64x128xf32, #tpu.memory_space<vmem>>[vector<16xi32>, vector<16xi32>], vector<16xf32>,
        %gather3A_264 = tpu.vector_load_idx %arg7[%add3A_14, %add3A_261] : memref<128x128xf32, #tpu.memory_space<vmem>>[vector<16xi32>, vector<16xi32>], vector<16xf32>,
        tpu.vector_store_idx %arg9[%add3A_261, %add3A_14], %gather3A_264 : memref<64x128xf32, #tpu.memory_space<vmem>>[vector<16xi32>, vector<16xi32>], vector<16xf32>,
        %gather3A_265 = tpu.vector_load_idx %arg7[%add3A_17, %add3A_261] : memref<128x128xf32, #tpu.memory_space<vmem>>[vector<16xi32>, vector<16xi32>], vector<16xf32>,
        tpu.vector_store_idx %arg9[%add3A_261, %add3A_17], %gather3A_265 : memref<64x128xf32, #tpu.memory_space<vmem>>[vector<16xi32>, vector<16xi32>], vector<16xf32>,
        %gather3A_266 = tpu.vector_load_idx %arg7[%add3A_20, %add3A_261] : memref<128x128xf32, #tpu.memory_space<vmem>>[vector<16xi32>, vector<16xi32>], vector<16xf32>,
        tpu.vector_store_idx %arg9[%add3A_261, %add3A_20], %gather3A_266 : memref<64x128xf32, #tpu.memory_space<vmem>>[vector<16xi32>, vector<16xi32>], vector<16xf32>,
        %gather3A_267 = tpu.vector_load_idx %arg7[%add3A_23, %add3A_261] : memref<128x128xf32, #tpu.memory_space<vmem>>[vector<16xi32>, vector<16xi32>], vector<16xf32>,
        tpu.vector_store_idx %arg9[%add3A_261, %add3A_23], %gather3A_267 : memref<64x128xf32, #tpu.memory_space<vmem>>[vector<16xi32>, vector<16xi32>], vector<16xf32>,
        %gather3A_268 = tpu.vector_load_idx %arg7[%add3A_26, %add3A_261] : memref<128x128xf32, #tpu.memory_space<vmem>>[vector<16xi32>, vector<16xi32>], vector<16xf32>,
        tpu.vector_store_idx %arg9[%add3A_261, %add3A_26], %gather3A_268 : memref<64x128xf32, #tpu.memory_space<vmem>>[vector<16xi32>, vector<16xi32>], vector<16xf32>,
        %add3A_269 = arith.constant 16 : i32
        %add3A_270 = vector.broadcast %add3A_269 : i32 to vector<16xi32>
        %add3A_271 = arith.addi %and3A_258, %add3A_270 : vector<16xi32>
        %gather3A_272 = tpu.vector_load_idx %arg7[%add3A_5, %add3A_271] : memref<128x128xf32, #tpu.memory_space<vmem>>[vector<16xi32>, vector<16xi32>], vector<16xf32>,
        tpu.vector_store_idx %arg9[%add3A_271, %add3A_5], %gather3A_272 : memref<64x128xf32, #tpu.memory_space<vmem>>[vector<16xi32>, vector<16xi32>], vector<16xf32>,
        %gather3A_273 = tpu.vector_load_idx %arg7[%add3A_8, %add3A_271] : memref<128x128xf32, #tpu.memory_space<vmem>>[vector<16xi32>, vector<16xi32>], vector<16xf32>,
        tpu.vector_store_idx %arg9[%add3A_271, %add3A_8], %gather3A_273 : memref<64x128xf32, #tpu.memory_space<vmem>>[vector<16xi32>, vector<16xi32>], vector<16xf32>,
        %gather3A_274 = tpu.vector_load_idx %arg7[%add3A_11, %add3A_271] : memref<128x128xf32, #tpu.memory_space<vmem>>[vector<16xi32>, vector<16xi32>], vector<16xf32>,
        tpu.vector_store_idx %arg9[%add3A_271, %add3A_11], %gather3A_274 : memref<64x128xf32, #tpu.memory_space<vmem>>[vector<16xi32>, vector<16xi32>], vector<16xf32>,
        %gather3A_275 = tpu.vector_load_idx %arg7[%add3A_14, %add3A_271] : memref<128x128xf32, #tpu.memory_space<vmem>>[vector<16xi32>, vector<16xi32>], vector<16xf32>,
        tpu.vector_store_idx %arg9[%add3A_271, %add3A_14], %gather3A_275 : memref<64x128xf32, #tpu.memory_space<vmem>>[vector<16xi32>, vector<16xi32>], vector<16xf32>,
        %gather3A_276 = tpu.vector_load_idx %arg7[%add3A_17, %add3A_271] : memref<128x128xf32, #tpu.memory_space<vmem>>[vector<16xi32>, vector<16xi32>], vector<16xf32>,
        tpu.vector_store_idx %arg9[%add3A_271, %add3A_17], %gather3A_276 : memref<64x128xf32, #tpu.memory_space<vmem>>[vector<16xi32>, vector<16xi32>], vector<16xf32>,
        %gather3A_277 = tpu.vector_load_idx %arg7[%add3A_20, %add3A_271] : memref<128x128xf32, #tpu.memory_space<vmem>>[vector<16xi32>, vector<16xi32>], vector<16xf32>,
        tpu.vector_store_idx %arg9[%add3A_271, %add3A_20], %gather3A_277 : memref<64x128xf32, #tpu.memory_space<vmem>>[vector<16xi32>, vector<16xi32>], vector<16xf32>,
        %gather3A_278 = tpu.vector_load_idx %arg7[%add3A_23, %add3A_271] : memref<128x128xf32, #tpu.memory_space<vmem>>[vector<16xi32>, vector<16xi32>], vector<16xf32>,
        tpu.vector_store_idx %arg9[%add3A_271, %add3A_23], %gather3A_278 : memref<64x128xf32, #tpu.memory_space<vmem>>[vector<16xi32>, vector<16xi32>], vector<16xf32>,
        %gather3A_279 = tpu.vector_load_idx %arg7[%add3A_26, %add3A_271] : memref<128x128xf32, #tpu.memory_space<vmem>>[vector<16xi32>, vector<16xi32>], vector<16xf32>,
        tpu.vector_store_idx %arg9[%add3A_271, %add3A_26], %gather3A_279 : memref<64x128xf32, #tpu.memory_space<vmem>>[vector<16xi32>, vector<16xi32>], vector<16xf32>,
        %add3A_280 = arith.constant 32 : i32
        %add3A_281 = vector.broadcast %add3A_280 : i32 to vector<16xi32>
        %add3A_282 = arith.addi %and3A_258, %add3A_281 : vector<16xi32>
        %gather3A_283 = tpu.vector_load_idx %arg7[%add3A_5, %add3A_282] : memref<128x128xf32, #tpu.memory_space<vmem>>[vector<16xi32>, vector<16xi32>], vector<16xf32>,
        tpu.vector_store_idx %arg9[%add3A_282, %add3A_5], %gather3A_283 : memref<64x128xf32, #tpu.memory_space<vmem>>[vector<16xi32>, vector<16xi32>], vector<16xf32>,
        %gather3A_284 = tpu.vector_load_idx %arg7[%add3A_8, %add3A_282] : memref<128x128xf32, #tpu.memory_space<vmem>>[vector<16xi32>, vector<16xi32>], vector<16xf32>,
        tpu.vector_store_idx %arg9[%add3A_282, %add3A_8], %gather3A_284 : memref<64x128xf32, #tpu.memory_space<vmem>>[vector<16xi32>, vector<16xi32>], vector<16xf32>,
        %gather3A_285 = tpu.vector_load_idx %arg7[%add3A_11, %add3A_282] : memref<128x128xf32, #tpu.memory_space<vmem>>[vector<16xi32>, vector<16xi32>], vector<16xf32>,
        tpu.vector_store_idx %arg9[%add3A_282, %add3A_11], %gather3A_285 : memref<64x128xf32, #tpu.memory_space<vmem>>[vector<16xi32>, vector<16xi32>], vector<16xf32>,
        %gather3A_286 = tpu.vector_load_idx %arg7[%add3A_14, %add3A_282] : memref<128x128xf32, #tpu.memory_space<vmem>>[vector<16xi32>, vector<16xi32>], vector<16xf32>,
        tpu.vector_store_idx %arg9[%add3A_282, %add3A_14], %gather3A_286 : memref<64x128xf32, #tpu.memory_space<vmem>>[vector<16xi32>, vector<16xi32>], vector<16xf32>,
        %gather3A_287 = tpu.vector_load_idx %arg7[%add3A_17, %add3A_282] : memref<128x128xf32, #tpu.memory_space<vmem>>[vector<16xi32>, vector<16xi32>], vector<16xf32>,
        tpu.vector_store_idx %arg9[%add3A_282, %add3A_17], %gather3A_287 : memref<64x128xf32, #tpu.memory_space<vmem>>[vector<16xi32>, vector<16xi32>], vector<16xf32>,
        %gather3A_288 = tpu.vector_load_idx %arg7[%add3A_20, %add3A_282] : memref<128x128xf32, #tpu.memory_space<vmem>>[vector<16xi32>, vector<16xi32>], vector<16xf32>,
        tpu.vector_store_idx %arg9[%add3A_282, %add3A_20], %gather3A_288 : memref<64x128xf32, #tpu.memory_space<vmem>>[vector<16xi32>, vector<16xi32>], vector<16xf32>,
        %gather3A_289 = tpu.vector_load_idx %arg7[%add3A_23, %add3A_282] : memref<128x128xf32, #tpu.memory_space<vmem>>[vector<16xi32>, vector<16xi32>], vector<16xf32>,
        tpu.vector_store_idx %arg9[%add3A_282, %add3A_23], %gather3A_289 : memref<64x128xf32, #tpu.memory_space<vmem>>[vector<16xi32>, vector<16xi32>], vector<16xf32>,
        %gather3A_290 = tpu.vector_load_idx %arg7[%add3A_26, %add3A_282] : memref<128x128xf32, #tpu.memory_space<vmem>>[vector<16xi32>, vector<16xi32>], vector<16xf32>,
        tpu.vector_store_idx %arg9[%add3A_282, %add3A_26], %gather3A_290 : memref<64x128xf32, #tpu.memory_space<vmem>>[vector<16xi32>, vector<16xi32>], vector<16xf32>,
        %add3A_291 = arith.constant 48 : i32
        %add3A_292 = vector.broadcast %add3A_291 : i32 to vector<16xi32>
        %add3A_293 = arith.addi %and3A_258, %add3A_292 : vector<16xi32>
        %gather3A_294 = tpu.vector_load_idx %arg7[%add3A_5, %add3A_293] : memref<128x128xf32, #tpu.memory_space<vmem>>[vector<16xi32>, vector<16xi32>], vector<16xf32>,
        tpu.vector_store_idx %arg9[%add3A_293, %add3A_5], %gather3A_294 : memref<64x128xf32, #tpu.memory_space<vmem>>[vector<16xi32>, vector<16xi32>], vector<16xf32>,
        %gather3A_295 = tpu.vector_load_idx %arg7[%add3A_8, %add3A_293] : memref<128x128xf32, #tpu.memory_space<vmem>>[vector<16xi32>, vector<16xi32>], vector<16xf32>,
        tpu.vector_store_idx %arg9[%add3A_293, %add3A_8], %gather3A_295 : memref<64x128xf32, #tpu.memory_space<vmem>>[vector<16xi32>, vector<16xi32>], vector<16xf32>,
        %gather3A_296 = tpu.vector_load_idx %arg7[%add3A_11, %add3A_293] : memref<128x128xf32, #tpu.memory_space<vmem>>[vector<16xi32>, vector<16xi32>], vector<16xf32>,
        tpu.vector_store_idx %arg9[%add3A_293, %add3A_11], %gather3A_296 : memref<64x128xf32, #tpu.memory_space<vmem>>[vector<16xi32>, vector<16xi32>], vector<16xf32>,
        %gather3A_297 = tpu.vector_load_idx %arg7[%add3A_14, %add3A_293] : memref<128x128xf32, #tpu.memory_space<vmem>>[vector<16xi32>, vector<16xi32>], vector<16xf32>,
        tpu.vector_store_idx %arg9[%add3A_293, %add3A_14], %gather3A_297 : memref<64x128xf32, #tpu.memory_space<vmem>>[vector<16xi32>, vector<16xi32>], vector<16xf32>,
        %gather3A_298 = tpu.vector_load_idx %arg7[%add3A_17, %add3A_293] : memref<128x128xf32, #tpu.memory_space<vmem>>[vector<16xi32>, vector<16xi32>], vector<16xf32>,
        tpu.vector_store_idx %arg9[%add3A_293, %add3A_17], %gather3A_298 : memref<64x128xf32, #tpu.memory_space<vmem>>[vector<16xi32>, vector<16xi32>], vector<16xf32>,
        %gather3A_299 = tpu.vector_load_idx %arg7[%add3A_20, %add3A_293] : memref<128x128xf32, #tpu.memory_space<vmem>>[vector<16xi32>, vector<16xi32>], vector<16xf32>,
        tpu.vector_store_idx %arg9[%add3A_293, %add3A_20], %gather3A_299 : memref<64x128xf32, #tpu.memory_space<vmem>>[vector<16xi32>, vector<16xi32>], vector<16xf32>,
        %gather3A_300 = tpu.vector_load_idx %arg7[%add3A_23, %add3A_293] : memref<128x128xf32, #tpu.memory_space<vmem>>[vector<16xi32>, vector<16xi32>], vector<16xf32>,
        tpu.vector_store_idx %arg9[%add3A_293, %add3A_23], %gather3A_300 : memref<64x128xf32, #tpu.memory_space<vmem>>[vector<16xi32>, vector<16xi32>], vector<16xf32>,
        %gather3A_301 = tpu.vector_load_idx %arg7[%add3A_26, %add3A_293] : memref<128x128xf32, #tpu.memory_space<vmem>>[vector<16xi32>, vector<16xi32>], vector<16xf32>,
        tpu.vector_store_idx %arg9[%add3A_293, %add3A_26], %gather3A_301 : memref<64x128xf32, #tpu.memory_space<vmem>>[vector<16xi32>, vector<16xi32>], vector<16xf32>,
        %scan3A_302 = arith.constant 0 : i32
        scf.yield %scan3A_302 : i32
      }
      %scan3A_204 = arith.constant 16 : i32
      %sub3A_205 = arith.constant 1 : i32
      %sub3A_206 = arith.subi %add3A_176, %sub3A_205 : i32
      %dma_start3A_207 = arith.constant 0 : i32
      %dma_start3A_208 = tpu.memref_slice %arg4[%sub3A_206, %dma_start3A_207, %mul3A_2] : memref<200x64x4096xf32, #tpu.memory_space<hbm>> -> memref<1x64x128xf32, #tpu.memory_space<hbm>>
      %dma_start3A_209 = tpu.memref_squeeze %dma_start3A_208 : memref<1x64x128xf32, #tpu.memory_space<hbm>> -> memref<64x128xf32, #tpu.memory_space<hbm>>
      %dma_start3A_210 = arith.constant 0 : i32
      %dma_start3A_211 = tpu.memref_slice %arg4[%sub3A_206, %dma_start3A_210, %mul3A_2] : memref<200x64x4096xf32, #tpu.memory_space<hbm>> -> memref<1x64x128xf32, #tpu.memory_space<hbm>>
      %dma_start3A_212 = tpu.memref_squeeze %dma_start3A_211 : memref<1x64x128xf32, #tpu.memory_space<hbm>> -> memref<64x128xf32, #tpu.memory_space<hbm>>
      tpu.enqueue_dma source(%arg9 : memref<64x128xf32, #tpu.memory_space<vmem>>) target(%dma_start3A_212 : memref<64x128xf32, #tpu.memory_space<hbm>>) target_semaphore(%arg13 : memref<!tpu.dma_semaphore, #tpu.memory_space<semaphore_mem>>)
      %add3A_213 = arith.constant 1 : i32
      %add3A_214 = arith.addi %add3A_176, %add3A_213 : i32
      %dma_start3A_215 = arith.constant 0 : i32
      %dma_start3A_216 = tpu.memref_slice %arg5[%add3A_214, %dma_start3A_215] : memref<200x128xi32, #tpu.memory_space<vmem>> -> memref<1x128xi32, #tpu.memory_space<vmem>>
      %dma_start3A_217 = tpu.memref_squeeze %dma_start3A_216 : memref<1x128xi32, #tpu.memory_space<vmem>> -> memref<128xi32, #tpu.memory_space<vmem>>
      %dma_start3A_218 = arith.constant 0 : i32
      %dma_start3A_219 = arith.constant 0 : i32
      %dma_start3A_220 = tpu.memref_slice %arg3[%dma_start3A_218, %dma_start3A_219] : memref<100001x128xf32, #tpu.memory_space<hbm>> -> memref<100001x128xf32, #tpu.memory_space<hbm>>
      tpu.enqueue_indirect_dma source(%dma_start3A_220 : memref<100001x128xf32, #tpu.memory_space<hbm>>) target(%arg7 : memref<128x128xf32, #tpu.memory_space<vmem>>) offsets(%dma_start3A_217 : memref<128xi32, #tpu.memory_space<vmem>>) semaphore(%arg11 : memref<!tpu.dma_semaphore, #tpu.memory_space<semaphore_mem>>)
      %sub3A_221 = arith.constant 3 : i32
      %sub3A_222 = arith.subi %add3A_214, %sub3A_221 : i32
      %dma_wait3A_223 = arith.constant 0 : i32
      %dma_wait3A_224 = tpu.memref_slice %arg4[%sub3A_222, %dma_wait3A_223, %mul3A_2] : memref<200x64x4096xf32, #tpu.memory_space<hbm>> -> memref<1x64x128xf32, #tpu.memory_space<hbm>>
      %dma_wait3A_225 = tpu.memref_squeeze %dma_wait3A_224 : memref<1x64x128xf32, #tpu.memory_space<hbm>> -> memref<64x128xf32, #tpu.memory_space<hbm>>
      %dma_wait3A_226 = arith.constant 0 : i32
      %dma_wait3A_227 = tpu.memref_slice %arg4[%sub3A_222, %dma_wait3A_226, %mul3A_2] : memref<200x64x4096xf32, #tpu.memory_space<hbm>> -> memref<1x64x128xf32, #tpu.memory_space<hbm>>
      %dma_wait3A_228 = tpu.memref_squeeze %dma_wait3A_227 : memref<1x64x128xf32, #tpu.memory_space<hbm>> -> memref<64x128xf32, #tpu.memory_space<hbm>>
      tpu.wait_dma2 semaphore(%arg12 : memref<!tpu.dma_semaphore, #tpu.memory_space<semaphore_mem>>) src(%arg8 : memref<64x128xf32, #tpu.memory_space<vmem>>) dst(%dma_wait3A_228 : memref<64x128xf32, #tpu.memory_space<hbm>>)
      %sub3A_229 = arith.constant 1 : i32
      %sub3A_230 = arith.subi %add3A_214, %sub3A_229 : i32
      %dma_wait3A_231 = arith.constant 0 : i32
      %dma_wait3A_232 = tpu.memref_slice %arg5[%sub3A_230, %dma_wait3A_231] : memref<200x128xi32, #tpu.memory_space<vmem>> -> memref<1x128xi32, #tpu.memory_space<vmem>>
      %dma_wait3A_233 = tpu.memref_squeeze %dma_wait3A_232 : memref<1x128xi32, #tpu.memory_space<vmem>> -> memref<128xi32, #tpu.memory_space<vmem>>
      %dma_wait3A_234 = arith.constant 0 : i32
      %dma_wait3A_235 = arith.constant 0 : i32
      %dma_wait3A_236 = tpu.memref_slice %arg3[%dma_wait3A_234, %dma_wait3A_235] : memref<100001x128xf32, #tpu.memory_space<hbm>> -> memref<100001x128xf32, #tpu.memory_space<hbm>>
      tpu.wait_indirect_dma semaphore(%arg10 : memref<!tpu.dma_semaphore, #tpu.memory_space<semaphore_mem>>) src(%dma_wait3A_236 : memref<100001x128xf32, #tpu.memory_space<hbm>>) dst(%arg6 : memref<128x128xf32, #tpu.memory_space<vmem>>)
      %scan3A_237 = arith.constant 0 : i32
      %scan3A_238 = arith.constant 0 : i32
      %scan3A_239 = arith.constant 16 : i32
      %scan3A_240 = arith.addi %scan3A_238, %scan3A_239 : i32
      %scan3A_241 = arith.constant 1 : i32
      %scan3A_242 = scf.for %scan3A_253 = %scan3A_238 to %scan3A_240 step %scan3A_241 iter_args(%scan3A_254 = %scan3A_237) -> (i32)  : i32 {
        %add3A_255 = vector.broadcast %scan3A_253 : i32 to vector<16xi32>
        %add3A_256 = arith.addi %iota3A, %add3A_255 : vector<16xi32>
        %and3A = arith.constant 15 : i32
        %and3A_257 = vector.broadcast %and3A : i32 to vector<16xi32>
        %and3A_258 = arith.andi %add3A_256, %and3A_257 : vector<16xi32>
        %add3A_259 = arith.constant 0 : i32
        %add3A_260 = vector.broadcast %add3A_259 : i32 to vector<16xi32>
        %add3A_261 = arith.addi %and3A_258, %add3A_260 : vector<16xi32>
        %gather3A = tpu.vector_load_idx %arg6[%add3A_5, %add3A_261] : memref<128x128xf32, #tpu.memory_space<vmem>>[vector<16xi32>, vector<16xi32>], vector<16xf32>,
        tpu.vector_store_idx %arg8[%add3A_261, %add3A_5], %gather3A : memref<64x128xf32, #tpu.memory_space<vmem>>[vector<16xi32>, vector<16xi32>], vector<16xf32>,
        %gather3A_262 = tpu.vector_load_idx %arg6[%add3A_8, %add3A_261] : memref<128x128xf32, #tpu.memory_space<vmem>>[vector<16xi32>, vector<16xi32>], vector<16xf32>,
        tpu.vector_store_idx %arg8[%add3A_261, %add3A_8], %gather3A_262 : memref<64x128xf32, #tpu.memory_space<vmem>>[vector<16xi32>, vector<16xi32>], vector<16xf32>,
        %gather3A_263 = tpu.vector_load_idx %arg6[%add3A_11, %add3A_261] : memref<128x128xf32, #tpu.memory_space<vmem>>[vector<16xi32>, vector<16xi32>], vector<16xf32>,
        tpu.vector_store_idx %arg8[%add3A_261, %add3A_11], %gather3A_263 : memref<64x128xf32, #tpu.memory_space<vmem>>[vector<16xi32>, vector<16xi32>], vector<16xf32>,
        %gather3A_264 = tpu.vector_load_idx %arg6[%add3A_14, %add3A_261] : memref<128x128xf32, #tpu.memory_space<vmem>>[vector<16xi32>, vector<16xi32>], vector<16xf32>,
        tpu.vector_store_idx %arg8[%add3A_261, %add3A_14], %gather3A_264 : memref<64x128xf32, #tpu.memory_space<vmem>>[vector<16xi32>, vector<16xi32>], vector<16xf32>,
        %gather3A_265 = tpu.vector_load_idx %arg6[%add3A_17, %add3A_261] : memref<128x128xf32, #tpu.memory_space<vmem>>[vector<16xi32>, vector<16xi32>], vector<16xf32>,
        tpu.vector_store_idx %arg8[%add3A_261, %add3A_17], %gather3A_265 : memref<64x128xf32, #tpu.memory_space<vmem>>[vector<16xi32>, vector<16xi32>], vector<16xf32>,
        %gather3A_266 = tpu.vector_load_idx %arg6[%add3A_20, %add3A_261] : memref<128x128xf32, #tpu.memory_space<vmem>>[vector<16xi32>, vector<16xi32>], vector<16xf32>,
        tpu.vector_store_idx %arg8[%add3A_261, %add3A_20], %gather3A_266 : memref<64x128xf32, #tpu.memory_space<vmem>>[vector<16xi32>, vector<16xi32>], vector<16xf32>,
        %gather3A_267 = tpu.vector_load_idx %arg6[%add3A_23, %add3A_261] : memref<128x128xf32, #tpu.memory_space<vmem>>[vector<16xi32>, vector<16xi32>], vector<16xf32>,
        tpu.vector_store_idx %arg8[%add3A_261, %add3A_23], %gather3A_267 : memref<64x128xf32, #tpu.memory_space<vmem>>[vector<16xi32>, vector<16xi32>], vector<16xf32>,
        %gather3A_268 = tpu.vector_load_idx %arg6[%add3A_26, %add3A_261] : memref<128x128xf32, #tpu.memory_space<vmem>>[vector<16xi32>, vector<16xi32>], vector<16xf32>,
        tpu.vector_store_idx %arg8[%add3A_261, %add3A_26], %gather3A_268 : memref<64x128xf32, #tpu.memory_space<vmem>>[vector<16xi32>, vector<16xi32>], vector<16xf32>,
        %add3A_269 = arith.constant 16 : i32
        %add3A_270 = vector.broadcast %add3A_269 : i32 to vector<16xi32>
        %add3A_271 = arith.addi %and3A_258, %add3A_270 : vector<16xi32>
        %gather3A_272 = tpu.vector_load_idx %arg6[%add3A_5, %add3A_271] : memref<128x128xf32, #tpu.memory_space<vmem>>[vector<16xi32>, vector<16xi32>], vector<16xf32>,
        tpu.vector_store_idx %arg8[%add3A_271, %add3A_5], %gather3A_272 : memref<64x128xf32, #tpu.memory_space<vmem>>[vector<16xi32>, vector<16xi32>], vector<16xf32>,
        %gather3A_273 = tpu.vector_load_idx %arg6[%add3A_8, %add3A_271] : memref<128x128xf32, #tpu.memory_space<vmem>>[vector<16xi32>, vector<16xi32>], vector<16xf32>,
        tpu.vector_store_idx %arg8[%add3A_271, %add3A_8], %gather3A_273 : memref<64x128xf32, #tpu.memory_space<vmem>>[vector<16xi32>, vector<16xi32>], vector<16xf32>,
        %gather3A_274 = tpu.vector_load_idx %arg6[%add3A_11, %add3A_271] : memref<128x128xf32, #tpu.memory_space<vmem>>[vector<16xi32>, vector<16xi32>], vector<16xf32>,
        tpu.vector_store_idx %arg8[%add3A_271, %add3A_11], %gather3A_274 : memref<64x128xf32, #tpu.memory_space<vmem>>[vector<16xi32>, vector<16xi32>], vector<16xf32>,
        %gather3A_275 = tpu.vector_load_idx %arg6[%add3A_14, %add3A_271] : memref<128x128xf32, #tpu.memory_space<vmem>>[vector<16xi32>, vector<16xi32>], vector<16xf32>,
        tpu.vector_store_idx %arg8[%add3A_271, %add3A_14], %gather3A_275 : memref<64x128xf32, #tpu.memory_space<vmem>>[vector<16xi32>, vector<16xi32>], vector<16xf32>,
        %gather3A_276 = tpu.vector_load_idx %arg6[%add3A_17, %add3A_271] : memref<128x128xf32, #tpu.memory_space<vmem>>[vector<16xi32>, vector<16xi32>], vector<16xf32>,
        tpu.vector_store_idx %arg8[%add3A_271, %add3A_17], %gather3A_276 : memref<64x128xf32, #tpu.memory_space<vmem>>[vector<16xi32>, vector<16xi32>], vector<16xf32>,
        %gather3A_277 = tpu.vector_load_idx %arg6[%add3A_20, %add3A_271] : memref<128x128xf32, #tpu.memory_space<vmem>>[vector<16xi32>, vector<16xi32>], vector<16xf32>,
        tpu.vector_store_idx %arg8[%add3A_271, %add3A_20], %gather3A_277 : memref<64x128xf32, #tpu.memory_space<vmem>>[vector<16xi32>, vector<16xi32>], vector<16xf32>,
        %gather3A_278 = tpu.vector_load_idx %arg6[%add3A_23, %add3A_271] : memref<128x128xf32, #tpu.memory_space<vmem>>[vector<16xi32>, vector<16xi32>], vector<16xf32>,
        tpu.vector_store_idx %arg8[%add3A_271, %add3A_23], %gather3A_278 : memref<64x128xf32, #tpu.memory_space<vmem>>[vector<16xi32>, vector<16xi32>], vector<16xf32>,
        %gather3A_279 = tpu.vector_load_idx %arg6[%add3A_26, %add3A_271] : memref<128x128xf32, #tpu.memory_space<vmem>>[vector<16xi32>, vector<16xi32>], vector<16xf32>,
        tpu.vector_store_idx %arg8[%add3A_271, %add3A_26], %gather3A_279 : memref<64x128xf32, #tpu.memory_space<vmem>>[vector<16xi32>, vector<16xi32>], vector<16xf32>,
        %add3A_280 = arith.constant 32 : i32
        %add3A_281 = vector.broadcast %add3A_280 : i32 to vector<16xi32>
        %add3A_282 = arith.addi %and3A_258, %add3A_281 : vector<16xi32>
        %gather3A_283 = tpu.vector_load_idx %arg6[%add3A_5, %add3A_282] : memref<128x128xf32, #tpu.memory_space<vmem>>[vector<16xi32>, vector<16xi32>], vector<16xf32>,
        tpu.vector_store_idx %arg8[%add3A_282, %add3A_5], %gather3A_283 : memref<64x128xf32, #tpu.memory_space<vmem>>[vector<16xi32>, vector<16xi32>], vector<16xf32>,
        %gather3A_284 = tpu.vector_load_idx %arg6[%add3A_8, %add3A_282] : memref<128x128xf32, #tpu.memory_space<vmem>>[vector<16xi32>, vector<16xi32>], vector<16xf32>,
        tpu.vector_store_idx %arg8[%add3A_282, %add3A_8], %gather3A_284 : memref<64x128xf32, #tpu.memory_space<vmem>>[vector<16xi32>, vector<16xi32>], vector<16xf32>,
        %gather3A_285 = tpu.vector_load_idx %arg6[%add3A_11, %add3A_282] : memref<128x128xf32, #tpu.memory_space<vmem>>[vector<16xi32>, vector<16xi32>], vector<16xf32>,
        tpu.vector_store_idx %arg8[%add3A_282, %add3A_11], %gather3A_285 : memref<64x128xf32, #tpu.memory_space<vmem>>[vector<16xi32>, vector<16xi32>], vector<16xf32>,
        %gather3A_286 = tpu.vector_load_idx %arg6[%add3A_14, %add3A_282] : memref<128x128xf32, #tpu.memory_space<vmem>>[vector<16xi32>, vector<16xi32>], vector<16xf32>,
        tpu.vector_store_idx %arg8[%add3A_282, %add3A_14], %gather3A_286 : memref<64x128xf32, #tpu.memory_space<vmem>>[vector<16xi32>, vector<16xi32>], vector<16xf32>,
        %gather3A_287 = tpu.vector_load_idx %arg6[%add3A_17, %add3A_282] : memref<128x128xf32, #tpu.memory_space<vmem>>[vector<16xi32>, vector<16xi32>], vector<16xf32>,
        tpu.vector_store_idx %arg8[%add3A_282, %add3A_17], %gather3A_287 : memref<64x128xf32, #tpu.memory_space<vmem>>[vector<16xi32>, vector<16xi32>], vector<16xf32>,
        %gather3A_288 = tpu.vector_load_idx %arg6[%add3A_20, %add3A_282] : memref<128x128xf32, #tpu.memory_space<vmem>>[vector<16xi32>, vector<16xi32>], vector<16xf32>,
        tpu.vector_store_idx %arg8[%add3A_282, %add3A_20], %gather3A_288 : memref<64x128xf32, #tpu.memory_space<vmem>>[vector<16xi32>, vector<16xi32>], vector<16xf32>,
        %gather3A_289 = tpu.vector_load_idx %arg6[%add3A_23, %add3A_282] : memref<128x128xf32, #tpu.memory_space<vmem>>[vector<16xi32>, vector<16xi32>], vector<16xf32>,
        tpu.vector_store_idx %arg8[%add3A_282, %add3A_23], %gather3A_289 : memref<64x128xf32, #tpu.memory_space<vmem>>[vector<16xi32>, vector<16xi32>], vector<16xf32>,
        %gather3A_290 = tpu.vector_load_idx %arg6[%add3A_26, %add3A_282] : memref<128x128xf32, #tpu.memory_space<vmem>>[vector<16xi32>, vector<16xi32>], vector<16xf32>,
        tpu.vector_store_idx %arg8[%add3A_282, %add3A_26], %gather3A_290 : memref<64x128xf32, #tpu.memory_space<vmem>>[vector<16xi32>, vector<16xi32>], vector<16xf32>,
        %add3A_291 = arith.constant 48 : i32
        %add3A_292 = vector.broadcast %add3A_291 : i32 to vector<16xi32>
        %add3A_293 = arith.addi %and3A_258, %add3A_292 : vector<16xi32>
        %gather3A_294 = tpu.vector_load_idx %arg6[%add3A_5, %add3A_293] : memref<128x128xf32, #tpu.memory_space<vmem>>[vector<16xi32>, vector<16xi32>], vector<16xf32>,
        tpu.vector_store_idx %arg8[%add3A_293, %add3A_5], %gather3A_294 : memref<64x128xf32, #tpu.memory_space<vmem>>[vector<16xi32>, vector<16xi32>], vector<16xf32>,
        %gather3A_295 = tpu.vector_load_idx %arg6[%add3A_8, %add3A_293] : memref<128x128xf32, #tpu.memory_space<vmem>>[vector<16xi32>, vector<16xi32>], vector<16xf32>,
        tpu.vector_store_idx %arg8[%add3A_293, %add3A_8], %gather3A_295 : memref<64x128xf32, #tpu.memory_space<vmem>>[vector<16xi32>, vector<16xi32>], vector<16xf32>,
        %gather3A_296 = tpu.vector_load_idx %arg6[%add3A_11, %add3A_293] : memref<128x128xf32, #tpu.memory_space<vmem>>[vector<16xi32>, vector<16xi32>], vector<16xf32>,
        tpu.vector_store_idx %arg8[%add3A_293, %add3A_11], %gather3A_296 : memref<64x128xf32, #tpu.memory_space<vmem>>[vector<16xi32>, vector<16xi32>], vector<16xf32>,
        %gather3A_297 = tpu.vector_load_idx %arg6[%add3A_14, %add3A_293] : memref<128x128xf32, #tpu.memory_space<vmem>>[vector<16xi32>, vector<16xi32>], vector<16xf32>,
        tpu.vector_store_idx %arg8[%add3A_293, %add3A_14], %gather3A_297 : memref<64x128xf32, #tpu.memory_space<vmem>>[vector<16xi32>, vector<16xi32>], vector<16xf32>,
        %gather3A_298 = tpu.vector_load_idx %arg6[%add3A_17, %add3A_293] : memref<128x128xf32, #tpu.memory_space<vmem>>[vector<16xi32>, vector<16xi32>], vector<16xf32>,
        tpu.vector_store_idx %arg8[%add3A_293, %add3A_17], %gather3A_298 : memref<64x128xf32, #tpu.memory_space<vmem>>[vector<16xi32>, vector<16xi32>], vector<16xf32>,
        %gather3A_299 = tpu.vector_load_idx %arg6[%add3A_20, %add3A_293] : memref<128x128xf32, #tpu.memory_space<vmem>>[vector<16xi32>, vector<16xi32>], vector<16xf32>,
        tpu.vector_store_idx %arg8[%add3A_293, %add3A_20], %gather3A_299 : memref<64x128xf32, #tpu.memory_space<vmem>>[vector<16xi32>, vector<16xi32>], vector<16xf32>,
        %gather3A_300 = tpu.vector_load_idx %arg6[%add3A_23, %add3A_293] : memref<128x128xf32, #tpu.memory_space<vmem>>[vector<16xi32>, vector<16xi32>], vector<16xf32>,
        tpu.vector_store_idx %arg8[%add3A_293, %add3A_23], %gather3A_300 : memref<64x128xf32, #tpu.memory_space<vmem>>[vector<16xi32>, vector<16xi32>], vector<16xf32>,
        %gather3A_301 = tpu.vector_load_idx %arg6[%add3A_26, %add3A_293] : memref<128x128xf32, #tpu.memory_space<vmem>>[vector<16xi32>, vector<16xi32>], vector<16xf32>,
        tpu.vector_store_idx %arg8[%add3A_293, %add3A_26], %gather3A_301 : memref<64x128xf32, #tpu.memory_space<vmem>>[vector<16xi32>, vector<16xi32>], vector<16xf32>,
        %scan3A_302 = arith.constant 0 : i32
        scf.yield %scan3A_302 : i32
      }
      %scan3A_243 = arith.constant 16 : i32
      %sub3A_244 = arith.constant 1 : i32
      %sub3A_245 = arith.subi %add3A_214, %sub3A_244 : i32
      %dma_start3A_246 = arith.constant 0 : i32
      %dma_start3A_247 = tpu.memref_slice %arg4[%sub3A_245, %dma_start3A_246, %mul3A_2] : memref<200x64x4096xf32, #tpu.memory_space<hbm>> -> memref<1x64x128xf32, #tpu.memory_space<hbm>>
      %dma_start3A_248 = tpu.memref_squeeze %dma_start3A_247 : memref<1x64x128xf32, #tpu.memory_space<hbm>> -> memref<64x128xf32, #tpu.memory_space<hbm>>
      %dma_start3A_249 = arith.constant 0 : i32
      %dma_start3A_250 = tpu.memref_slice %arg4[%sub3A_245, %dma_start3A_249, %mul3A_2] : memref<200x64x4096xf32, #tpu.memory_space<hbm>> -> memref<1x64x128xf32, #tpu.memory_space<hbm>>
      %dma_start3A_251 = tpu.memref_squeeze %dma_start3A_250 : memref<1x64x128xf32, #tpu.memory_space<hbm>> -> memref<64x128xf32, #tpu.memory_space<hbm>>
      tpu.enqueue_dma source(%arg8 : memref<64x128xf32, #tpu.memory_space<vmem>>) target(%dma_start3A_251 : memref<64x128xf32, #tpu.memory_space<hbm>>) target_semaphore(%arg12 : memref<!tpu.dma_semaphore, #tpu.memory_space<semaphore_mem>>)
      %scan3A_252 = arith.constant 0 : i32
      scf.yield %scan3A_252 : i32
    }
    %scan3A_128 = arith.constant 98 : i32
    %dma_wait3A_129 = arith.constant 199 : i32
    %dma_wait3A_130 = arith.constant 0 : i32
    %dma_wait3A_131 = tpu.memref_slice %arg5[%dma_wait3A_129, %dma_wait3A_130] : memref<200x128xi32, #tpu.memory_space<vmem>> -> memref<1x128xi32, #tpu.memory_space<vmem>>
    %dma_wait3A_132 = tpu.memref_squeeze %dma_wait3A_131 : memref<1x128xi32, #tpu.memory_space<vmem>> -> memref<128xi32, #tpu.memory_space<vmem>>
    %dma_wait3A_133 = arith.constant 0 : i32
    %dma_wait3A_134 = arith.constant 0 : i32
    %dma_wait3A_135 = tpu.memref_slice %arg3[%dma_wait3A_133, %dma_wait3A_134] : memref<100001x128xf32, #tpu.memory_space<hbm>> -> memref<100001x128xf32, #tpu.memory_space<hbm>>
    tpu.wait_indirect_dma semaphore(%arg11 : memref<!tpu.dma_semaphore, #tpu.memory_space<semaphore_mem>>) src(%dma_wait3A_135 : memref<100001x128xf32, #tpu.memory_space<hbm>>) dst(%arg7 : memref<128x128xf32, #tpu.memory_space<vmem>>)
    %dma_wait3A_136 = arith.constant 197 : i32
    %dma_wait3A_137 = arith.constant 0 : i32
    %dma_wait3A_138 = tpu.memref_slice %arg4[%dma_wait3A_136, %dma_wait3A_137, %mul3A_2] : memref<200x64x4096xf32, #tpu.memory_space<hbm>> -> memref<1x64x128xf32, #tpu.memory_space<hbm>>
    %dma_wait3A_139 = tpu.memref_squeeze %dma_wait3A_138 : memref<1x64x128xf32, #tpu.memory_space<hbm>> -> memref<64x128xf32, #tpu.memory_space<hbm>>
    %dma_wait3A_140 = arith.constant 0 : i32
    %dma_wait3A_141 = tpu.memref_slice %arg4[%dma_wait3A_136, %dma_wait3A_140, %mul3A_2] : memref<200x64x4096xf32, #tpu.memory_space<hbm>> -> memref<1x64x128xf32, #tpu.memory_space<hbm>>
    %dma_wait3A_142 = tpu.memref_squeeze %dma_wait3A_141 : memref<1x64x128xf32, #tpu.memory_space<hbm>> -> memref<64x128xf32, #tpu.memory_space<hbm>>
    tpu.wait_dma2 semaphore(%arg13 : memref<!tpu.dma_semaphore, #tpu.memory_space<semaphore_mem>>) src(%arg9 : memref<64x128xf32, #tpu.memory_space<vmem>>) dst(%dma_wait3A_142 : memref<64x128xf32, #tpu.memory_space<hbm>>)
    %scan3A_143 = arith.constant 0 : i32
    %scan3A_144 = arith.constant 0 : i32
    %scan3A_145 = arith.constant 16 : i32
    %scan3A_146 = arith.addi %scan3A_144, %scan3A_145 : i32
    %scan3A_147 = arith.constant 1 : i32
    %scan3A_148 = scf.for %scan3A_171 = %scan3A_144 to %scan3A_146 step %scan3A_147 iter_args(%scan3A_172 = %scan3A_143) -> (i32)  : i32 {
      %add3A_173 = vector.broadcast %scan3A_171 : i32 to vector<16xi32>
      %add3A_174 = arith.addi %iota3A, %add3A_173 : vector<16xi32>
      %and3A = arith.constant 15 : i32
      %and3A_175 = vector.broadcast %and3A : i32 to vector<16xi32>
      %and3A_176 = arith.andi %add3A_174, %and3A_175 : vector<16xi32>
      %add3A_177 = arith.constant 0 : i32
      %add3A_178 = vector.broadcast %add3A_177 : i32 to vector<16xi32>
      %add3A_179 = arith.addi %and3A_176, %add3A_178 : vector<16xi32>
      %gather3A = tpu.vector_load_idx %arg7[%add3A_5, %add3A_179] : memref<128x128xf32, #tpu.memory_space<vmem>>[vector<16xi32>, vector<16xi32>], vector<16xf32>,
      tpu.vector_store_idx %arg9[%add3A_179, %add3A_5], %gather3A : memref<64x128xf32, #tpu.memory_space<vmem>>[vector<16xi32>, vector<16xi32>], vector<16xf32>,
      %gather3A_180 = tpu.vector_load_idx %arg7[%add3A_8, %add3A_179] : memref<128x128xf32, #tpu.memory_space<vmem>>[vector<16xi32>, vector<16xi32>], vector<16xf32>,
      tpu.vector_store_idx %arg9[%add3A_179, %add3A_8], %gather3A_180 : memref<64x128xf32, #tpu.memory_space<vmem>>[vector<16xi32>, vector<16xi32>], vector<16xf32>,
      %gather3A_181 = tpu.vector_load_idx %arg7[%add3A_11, %add3A_179] : memref<128x128xf32, #tpu.memory_space<vmem>>[vector<16xi32>, vector<16xi32>], vector<16xf32>,
      tpu.vector_store_idx %arg9[%add3A_179, %add3A_11], %gather3A_181 : memref<64x128xf32, #tpu.memory_space<vmem>>[vector<16xi32>, vector<16xi32>], vector<16xf32>,
      %gather3A_182 = tpu.vector_load_idx %arg7[%add3A_14, %add3A_179] : memref<128x128xf32, #tpu.memory_space<vmem>>[vector<16xi32>, vector<16xi32>], vector<16xf32>,
      tpu.vector_store_idx %arg9[%add3A_179, %add3A_14], %gather3A_182 : memref<64x128xf32, #tpu.memory_space<vmem>>[vector<16xi32>, vector<16xi32>], vector<16xf32>,
      %gather3A_183 = tpu.vector_load_idx %arg7[%add3A_17, %add3A_179] : memref<128x128xf32, #tpu.memory_space<vmem>>[vector<16xi32>, vector<16xi32>], vector<16xf32>,
      tpu.vector_store_idx %arg9[%add3A_179, %add3A_17], %gather3A_183 : memref<64x128xf32, #tpu.memory_space<vmem>>[vector<16xi32>, vector<16xi32>], vector<16xf32>,
      %gather3A_184 = tpu.vector_load_idx %arg7[%add3A_20, %add3A_179] : memref<128x128xf32, #tpu.memory_space<vmem>>[vector<16xi32>, vector<16xi32>], vector<16xf32>,
      tpu.vector_store_idx %arg9[%add3A_179, %add3A_20], %gather3A_184 : memref<64x128xf32, #tpu.memory_space<vmem>>[vector<16xi32>, vector<16xi32>], vector<16xf32>,
      %gather3A_185 = tpu.vector_load_idx %arg7[%add3A_23, %add3A_179] : memref<128x128xf32, #tpu.memory_space<vmem>>[vector<16xi32>, vector<16xi32>], vector<16xf32>,
      tpu.vector_store_idx %arg9[%add3A_179, %add3A_23], %gather3A_185 : memref<64x128xf32, #tpu.memory_space<vmem>>[vector<16xi32>, vector<16xi32>], vector<16xf32>,
      %gather3A_186 = tpu.vector_load_idx %arg7[%add3A_26, %add3A_179] : memref<128x128xf32, #tpu.memory_space<vmem>>[vector<16xi32>, vector<16xi32>], vector<16xf32>,
      tpu.vector_store_idx %arg9[%add3A_179, %add3A_26], %gather3A_186 : memref<64x128xf32, #tpu.memory_space<vmem>>[vector<16xi32>, vector<16xi32>], vector<16xf32>,
      %add3A_187 = arith.constant 16 : i32
      %add3A_188 = vector.broadcast %add3A_187 : i32 to vector<16xi32>
      %add3A_189 = arith.addi %and3A_176, %add3A_188 : vector<16xi32>
      %gather3A_190 = tpu.vector_load_idx %arg7[%add3A_5, %add3A_189] : memref<128x128xf32, #tpu.memory_space<vmem>>[vector<16xi32>, vector<16xi32>], vector<16xf32>,
      tpu.vector_store_idx %arg9[%add3A_189, %add3A_5], %gather3A_190 : memref<64x128xf32, #tpu.memory_space<vmem>>[vector<16xi32>, vector<16xi32>], vector<16xf32>,
      %gather3A_191 = tpu.vector_load_idx %arg7[%add3A_8, %add3A_189] : memref<128x128xf32, #tpu.memory_space<vmem>>[vector<16xi32>, vector<16xi32>], vector<16xf32>,
      tpu.vector_store_idx %arg9[%add3A_189, %add3A_8], %gather3A_191 : memref<64x128xf32, #tpu.memory_space<vmem>>[vector<16xi32>, vector<16xi32>], vector<16xf32>,
      %gather3A_192 = tpu.vector_load_idx %arg7[%add3A_11, %add3A_189] : memref<128x128xf32, #tpu.memory_space<vmem>>[vector<16xi32>, vector<16xi32>], vector<16xf32>,
      tpu.vector_store_idx %arg9[%add3A_189, %add3A_11], %gather3A_192 : memref<64x128xf32, #tpu.memory_space<vmem>>[vector<16xi32>, vector<16xi32>], vector<16xf32>,
      %gather3A_193 = tpu.vector_load_idx %arg7[%add3A_14, %add3A_189] : memref<128x128xf32, #tpu.memory_space<vmem>>[vector<16xi32>, vector<16xi32>], vector<16xf32>,
      tpu.vector_store_idx %arg9[%add3A_189, %add3A_14], %gather3A_193 : memref<64x128xf32, #tpu.memory_space<vmem>>[vector<16xi32>, vector<16xi32>], vector<16xf32>,
      %gather3A_194 = tpu.vector_load_idx %arg7[%add3A_17, %add3A_189] : memref<128x128xf32, #tpu.memory_space<vmem>>[vector<16xi32>, vector<16xi32>], vector<16xf32>,
      tpu.vector_store_idx %arg9[%add3A_189, %add3A_17], %gather3A_194 : memref<64x128xf32, #tpu.memory_space<vmem>>[vector<16xi32>, vector<16xi32>], vector<16xf32>,
      %gather3A_195 = tpu.vector_load_idx %arg7[%add3A_20, %add3A_189] : memref<128x128xf32, #tpu.memory_space<vmem>>[vector<16xi32>, vector<16xi32>], vector<16xf32>,
      tpu.vector_store_idx %arg9[%add3A_189, %add3A_20], %gather3A_195 : memref<64x128xf32, #tpu.memory_space<vmem>>[vector<16xi32>, vector<16xi32>], vector<16xf32>,
      %gather3A_196 = tpu.vector_load_idx %arg7[%add3A_23, %add3A_189] : memref<128x128xf32, #tpu.memory_space<vmem>>[vector<16xi32>, vector<16xi32>], vector<16xf32>,
      tpu.vector_store_idx %arg9[%add3A_189, %add3A_23], %gather3A_196 : memref<64x128xf32, #tpu.memory_space<vmem>>[vector<16xi32>, vector<16xi32>], vector<16xf32>,
      %gather3A_197 = tpu.vector_load_idx %arg7[%add3A_26, %add3A_189] : memref<128x128xf32, #tpu.memory_space<vmem>>[vector<16xi32>, vector<16xi32>], vector<16xf32>,
      tpu.vector_store_idx %arg9[%add3A_189, %add3A_26], %gather3A_197 : memref<64x128xf32, #tpu.memory_space<vmem>>[vector<16xi32>, vector<16xi32>], vector<16xf32>,
      %add3A_198 = arith.constant 32 : i32
      %add3A_199 = vector.broadcast %add3A_198 : i32 to vector<16xi32>
      %add3A_200 = arith.addi %and3A_176, %add3A_199 : vector<16xi32>
      %gather3A_201 = tpu.vector_load_idx %arg7[%add3A_5, %add3A_200] : memref<128x128xf32, #tpu.memory_space<vmem>>[vector<16xi32>, vector<16xi32>], vector<16xf32>,
      tpu.vector_store_idx %arg9[%add3A_200, %add3A_5], %gather3A_201 : memref<64x128xf32, #tpu.memory_space<vmem>>[vector<16xi32>, vector<16xi32>], vector<16xf32>,
      %gather3A_202 = tpu.vector_load_idx %arg7[%add3A_8, %add3A_200] : memref<128x128xf32, #tpu.memory_space<vmem>>[vector<16xi32>, vector<16xi32>], vector<16xf32>,
      tpu.vector_store_idx %arg9[%add3A_200, %add3A_8], %gather3A_202 : memref<64x128xf32, #tpu.memory_space<vmem>>[vector<16xi32>, vector<16xi32>], vector<16xf32>,
      %gather3A_203 = tpu.vector_load_idx %arg7[%add3A_11, %add3A_200] : memref<128x128xf32, #tpu.memory_space<vmem>>[vector<16xi32>, vector<16xi32>], vector<16xf32>,
      tpu.vector_store_idx %arg9[%add3A_200, %add3A_11], %gather3A_203 : memref<64x128xf32, #tpu.memory_space<vmem>>[vector<16xi32>, vector<16xi32>], vector<16xf32>,
      %gather3A_204 = tpu.vector_load_idx %arg7[%add3A_14, %add3A_200] : memref<128x128xf32, #tpu.memory_space<vmem>>[vector<16xi32>, vector<16xi32>], vector<16xf32>,
      tpu.vector_store_idx %arg9[%add3A_200, %add3A_14], %gather3A_204 : memref<64x128xf32, #tpu.memory_space<vmem>>[vector<16xi32>, vector<16xi32>], vector<16xf32>,
      %gather3A_205 = tpu.vector_load_idx %arg7[%add3A_17, %add3A_200] : memref<128x128xf32, #tpu.memory_space<vmem>>[vector<16xi32>, vector<16xi32>], vector<16xf32>,
      tpu.vector_store_idx %arg9[%add3A_200, %add3A_17], %gather3A_205 : memref<64x128xf32, #tpu.memory_space<vmem>>[vector<16xi32>, vector<16xi32>], vector<16xf32>,
      %gather3A_206 = tpu.vector_load_idx %arg7[%add3A_20, %add3A_200] : memref<128x128xf32, #tpu.memory_space<vmem>>[vector<16xi32>, vector<16xi32>], vector<16xf32>,
      tpu.vector_store_idx %arg9[%add3A_200, %add3A_20], %gather3A_206 : memref<64x128xf32, #tpu.memory_space<vmem>>[vector<16xi32>, vector<16xi32>], vector<16xf32>,
      %gather3A_207 = tpu.vector_load_idx %arg7[%add3A_23, %add3A_200] : memref<128x128xf32, #tpu.memory_space<vmem>>[vector<16xi32>, vector<16xi32>], vector<16xf32>,
      tpu.vector_store_idx %arg9[%add3A_200, %add3A_23], %gather3A_207 : memref<64x128xf32, #tpu.memory_space<vmem>>[vector<16xi32>, vector<16xi32>], vector<16xf32>,
      %gather3A_208 = tpu.vector_load_idx %arg7[%add3A_26, %add3A_200] : memref<128x128xf32, #tpu.memory_space<vmem>>[vector<16xi32>, vector<16xi32>], vector<16xf32>,
      tpu.vector_store_idx %arg9[%add3A_200, %add3A_26], %gather3A_208 : memref<64x128xf32, #tpu.memory_space<vmem>>[vector<16xi32>, vector<16xi32>], vector<16xf32>,
      %add3A_209 = arith.constant 48 : i32
      %add3A_210 = vector.broadcast %add3A_209 : i32 to vector<16xi32>
      %add3A_211 = arith.addi %and3A_176, %add3A_210 : vector<16xi32>
      %gather3A_212 = tpu.vector_load_idx %arg7[%add3A_5, %add3A_211] : memref<128x128xf32, #tpu.memory_space<vmem>>[vector<16xi32>, vector<16xi32>], vector<16xf32>,
      tpu.vector_store_idx %arg9[%add3A_211, %add3A_5], %gather3A_212 : memref<64x128xf32, #tpu.memory_space<vmem>>[vector<16xi32>, vector<16xi32>], vector<16xf32>,
      %gather3A_213 = tpu.vector_load_idx %arg7[%add3A_8, %add3A_211] : memref<128x128xf32, #tpu.memory_space<vmem>>[vector<16xi32>, vector<16xi32>], vector<16xf32>,
      tpu.vector_store_idx %arg9[%add3A_211, %add3A_8], %gather3A_213 : memref<64x128xf32, #tpu.memory_space<vmem>>[vector<16xi32>, vector<16xi32>], vector<16xf32>,
      %gather3A_214 = tpu.vector_load_idx %arg7[%add3A_11, %add3A_211] : memref<128x128xf32, #tpu.memory_space<vmem>>[vector<16xi32>, vector<16xi32>], vector<16xf32>,
      tpu.vector_store_idx %arg9[%add3A_211, %add3A_11], %gather3A_214 : memref<64x128xf32, #tpu.memory_space<vmem>>[vector<16xi32>, vector<16xi32>], vector<16xf32>,
      %gather3A_215 = tpu.vector_load_idx %arg7[%add3A_14, %add3A_211] : memref<128x128xf32, #tpu.memory_space<vmem>>[vector<16xi32>, vector<16xi32>], vector<16xf32>,
      tpu.vector_store_idx %arg9[%add3A_211, %add3A_14], %gather3A_215 : memref<64x128xf32, #tpu.memory_space<vmem>>[vector<16xi32>, vector<16xi32>], vector<16xf32>,
      %gather3A_216 = tpu.vector_load_idx %arg7[%add3A_17, %add3A_211] : memref<128x128xf32, #tpu.memory_space<vmem>>[vector<16xi32>, vector<16xi32>], vector<16xf32>,
      tpu.vector_store_idx %arg9[%add3A_211, %add3A_17], %gather3A_216 : memref<64x128xf32, #tpu.memory_space<vmem>>[vector<16xi32>, vector<16xi32>], vector<16xf32>,
      %gather3A_217 = tpu.vector_load_idx %arg7[%add3A_20, %add3A_211] : memref<128x128xf32, #tpu.memory_space<vmem>>[vector<16xi32>, vector<16xi32>], vector<16xf32>,
      tpu.vector_store_idx %arg9[%add3A_211, %add3A_20], %gather3A_217 : memref<64x128xf32, #tpu.memory_space<vmem>>[vector<16xi32>, vector<16xi32>], vector<16xf32>,
      %gather3A_218 = tpu.vector_load_idx %arg7[%add3A_23, %add3A_211] : memref<128x128xf32, #tpu.memory_space<vmem>>[vector<16xi32>, vector<16xi32>], vector<16xf32>,
      tpu.vector_store_idx %arg9[%add3A_211, %add3A_23], %gather3A_218 : memref<64x128xf32, #tpu.memory_space<vmem>>[vector<16xi32>, vector<16xi32>], vector<16xf32>,
      %gather3A_219 = tpu.vector_load_idx %arg7[%add3A_26, %add3A_211] : memref<128x128xf32, #tpu.memory_space<vmem>>[vector<16xi32>, vector<16xi32>], vector<16xf32>,
      tpu.vector_store_idx %arg9[%add3A_211, %add3A_26], %gather3A_219 : memref<64x128xf32, #tpu.memory_space<vmem>>[vector<16xi32>, vector<16xi32>], vector<16xf32>,
      %scan3A_220 = arith.constant 0 : i32
      scf.yield %scan3A_220 : i32
    }
    %scan3A_149 = arith.constant 16 : i32
    %dma_start3A_150 = arith.constant 199 : i32
    %dma_start3A_151 = arith.constant 0 : i32
    %dma_start3A_152 = tpu.memref_slice %arg4[%dma_start3A_150, %dma_start3A_151, %mul3A_2] : memref<200x64x4096xf32, #tpu.memory_space<hbm>> -> memref<1x64x128xf32, #tpu.memory_space<hbm>>
    %dma_start3A_153 = tpu.memref_squeeze %dma_start3A_152 : memref<1x64x128xf32, #tpu.memory_space<hbm>> -> memref<64x128xf32, #tpu.memory_space<hbm>>
    %dma_start3A_154 = arith.constant 0 : i32
    %dma_start3A_155 = tpu.memref_slice %arg4[%dma_start3A_150, %dma_start3A_154, %mul3A_2] : memref<200x64x4096xf32, #tpu.memory_space<hbm>> -> memref<1x64x128xf32, #tpu.memory_space<hbm>>
    %dma_start3A_156 = tpu.memref_squeeze %dma_start3A_155 : memref<1x64x128xf32, #tpu.memory_space<hbm>> -> memref<64x128xf32, #tpu.memory_space<hbm>>
    tpu.enqueue_dma source(%arg9 : memref<64x128xf32, #tpu.memory_space<vmem>>) target(%dma_start3A_156 : memref<64x128xf32, #tpu.memory_space<hbm>>) target_semaphore(%arg13 : memref<!tpu.dma_semaphore, #tpu.memory_space<semaphore_mem>>)
    %dma_wait3A_157 = arith.constant 198 : i32
    %dma_wait3A_158 = arith.constant 0 : i32
    %dma_wait3A_159 = tpu.memref_slice %arg4[%dma_wait3A_157, %dma_wait3A_158, %mul3A_2] : memref<200x64x4096xf32, #tpu.memory_space<hbm>> -> memref<1x64x128xf32, #tpu.memory_space<hbm>>
    %dma_wait3A_160 = tpu.memref_squeeze %dma_wait3A_159 : memref<1x64x128xf32, #tpu.memory_space<hbm>> -> memref<64x128xf32, #tpu.memory_space<hbm>>
    %dma_wait3A_161 = arith.constant 0 : i32
    %dma_wait3A_162 = tpu.memref_slice %arg4[%dma_wait3A_157, %dma_wait3A_161, %mul3A_2] : memref<200x64x4096xf32, #tpu.memory_space<hbm>> -> memref<1x64x128xf32, #tpu.memory_space<hbm>>
    %dma_wait3A_163 = tpu.memref_squeeze %dma_wait3A_162 : memref<1x64x128xf32, #tpu.memory_space<hbm>> -> memref<64x128xf32, #tpu.memory_space<hbm>>
    tpu.wait_dma2 semaphore(%arg12 : memref<!tpu.dma_semaphore, #tpu.memory_space<semaphore_mem>>) src(%arg8 : memref<64x128xf32, #tpu.memory_space<vmem>>) dst(%dma_wait3A_163 : memref<64x128xf32, #tpu.memory_space<hbm>>)
    %dma_wait3A_164 = arith.constant 199 : i32
    %dma_wait3A_165 = arith.constant 0 : i32
    %dma_wait3A_166 = tpu.memref_slice %arg4[%dma_wait3A_164, %dma_wait3A_165, %mul3A_2] : memref<200x64x4096xf32, #tpu.memory_space<hbm>> -> memref<1x64x128xf32, #tpu.memory_space<hbm>>
    %dma_wait3A_167 = tpu.memref_squeeze %dma_wait3A_166 : memref<1x64x128xf32, #tpu.memory_space<hbm>> -> memref<64x128xf32, #tpu.memory_space<hbm>>
    %dma_wait3A_168 = arith.constant 0 : i32
    %dma_wait3A_169 = tpu.memref_slice %arg4[%dma_wait3A_164, %dma_wait3A_168, %mul3A_2] : memref<200x64x4096xf32, #tpu.memory_space<hbm>> -> memref<1x64x128xf32, #tpu.memory_space<hbm>>
    %dma_wait3A_170 = tpu.memref_squeeze %dma_wait3A_169 : memref<1x64x128xf32, #tpu.memory_space<hbm>> -> memref<64x128xf32, #tpu.memory_space<hbm>>
    tpu.wait_dma2 semaphore(%arg13 : memref<!tpu.dma_semaphore, #tpu.memory_space<semaphore_mem>>) src(%arg9 : memref<64x128xf32, #tpu.memory_space<vmem>>) dst(%dma_wait3A_170 : memref<64x128xf32, #tpu.memory_space<hbm>>)
    return
  }
}

</mosaic_0001>

<sc_bundles>
// kernel: kernel.3.cloned.1.call-start
scs
__scs_entry_jumppad:
0x0: {  	(pc) =	sbr.rel $0x88, $3  }
0x1: {  	(tag) =	ssettag $0x0;
	lr =	simm.s32 $0x1  }
0x2: {  	[smem:$0x3F9F] =	sst lr;
	_ =	strace $0xD0000000  }
0x3: {  	_ = 	snop  }
0x4: {  	_ = 	snop  }
0x5: {  	_ = 	snop  }
0x6: {  	_ = 	snop  }
0x7: {  	_ = 	snop  }
__scs_overlays_trampoline_lowered:
0x8: {  	[smem:$0x3FAE] =	sst s0  }
0x9: {  	[smem:$0x3FAF] =	sst s1  }
0xa: {  	[smem:$0x3FB0] =	sst s2  }
0xb: {  	[smem:$0x3FB1] =	sst s3  }
0xc: {  	[smem:$0x3FB2] =	sst s4  }
0xd: {  	[smem:$0x3FB3] =	sst s5  }
0xe: {  	[smem:$0x3FB4] =	sst s6  }
0xf: {  	[smem:$0x3FB5] =	sst s7  }
0x10: {  	[smem:$0x3FB6] =	sst s8  }
0x11: {  	[smem:$0x3FB7] =	sst s9;
	s0 =	simm.s32 @!p0 $0x0  }
0x12: {  	s1 =	sld [smem:$0x3F9D];
	s0 =	simm.s32 @p0 $0x1  }
0x13: {  	[smem:$0x3FB8] =	sst s0;
	s0 =	simm.s32 @!p1 $0x0  }
0x14: {  	s2 =	sld [smem:$0x3F9C];
	s0 =	simm.s32 @p1 $0x1  }
0x15: {  	[smem:$0x3FB9] =	sst s0;
	s0 =	simm.s32 @!p2 $0x0  }
0x16: {  	s3 =	sld [smem:$0x3FDB];
	s0 =	simm.s32 @p2 $0x1  }
0x17: {  	s4 =	simm.s32 $0x1BF5;
	[smem:$0x3FBB] =	sst s0  }
0x18: {  	s0 =	sld [smem:$0x3F9E];
	_ =	swait.ge [sflag:s4], $0x0  }
0x19: {  	s7 =	sld [smem:$0x3F9F]  }
0x1a: {  	s8 =	sadd.s32 $0xFFFFE003, lr  }
0x1b: {  	s9 =	sadd.s32 $0xFFFFFEF7, lr;
	s5 =	simm.s32 $0xFFFFFFFF;
	p2 =	slt.u32 s8, $0xFFFFF086  }
0x1c: {  	p1 =	slt.u32 s9, $0xF7A;
	s5 =	simm.s32 @!p2 $0x0  }
0x1d: {  	s5 =	simm.s32 @p1 $0x1;
	p0 =	seq.s32 s7, s2  }
0x1e: {  	s7 =	smul.u32 @!p0 $0xF7A, s2;
	p2 =	seq.s32 @!p0 s5, $0x0  }
0x1f: {  	s9 =	smul.u32 $0xF7A, s1;
	s8 =	simm.s32 @!p0 $0x1BF5;
	p2 =	por !p2, p0  }
0x20: {  	[sflag:s8] =	ssyncset.s32 @!p0 $0xFFFFF086;
	s6 =	sadd.s32 @!p0 s3, s7;
	s7 =	simm.s32 @!p0 $0x108  }
0x21: {  	s3 =	sadd.s32 s3, s9;
	s6 =	sadd.s32 @!p0 $0x88, s6;
	s7 =	simm.s32 @p2 $0x1082  }
0x22: {  	[simem:s7], [sflag:s8] =	dma.local @!p0 [hbm:s6], $0xF7A  }
0x23: {  	s9 =	sor.u32 $0xD0000000, s2;
	s6 =	simm.s32 $0x108;
	_ =	swait.ge @!p0 [sflag:s8], $0x0  }
0x24: {  	s3 =	sadd.s32 $0x88, s3;
	s6 =	simm.s32 @!p1 $0x1082;
	[sflag:s4] =	ssyncset.s32 $0xFFFFF086  }
0x25: {  	[simem:s6], [sflag:s4] =	dma.local [hbm:s3], $0xF7A  }
0x26: {  	[smem:$0x3F9F] =	sst s1;
	(tag) =	ssettag s2;
	_ =	strace s9  }
0x27: {  	s1 =	sld [smem:$0x3FAF]  }
0x28: {  	s2 =	sld [smem:$0x3FB0]  }
0x29: {  	s4 =	sld [smem:$0x3FB2]  }
0x2a: {  	p0 =	seq.s32 s5, $0x0;
	s5 =	sld [smem:$0x3FB3]  }
0x2b: {  	s6 =	sld [smem:$0x3FB4]  }
0x2c: {  	s7 =	sld [smem:$0x3FB5]  }
0x2d: {  	s3 =	simm.s32 $0x108;
	s8 =	sld [smem:$0x3FB6]  }
0x2e: {  	s3 =	simm.s32 @!p0 $0x1082;
	s9 =	sld [smem:$0x3FB7]  }
0x2f: {  	lr =	sadd.s32 s0, s3;
	s0 =	sld [smem:$0x3FAE]  }
0x30: {  	s3 =	sld [smem:$0x3FB1]  }
0x31: {  	[smem:$0x3FBA] =	sst s10  }
0x32: {  	s10 =	sld [smem:$0x3FB8];
	_ =	sdelay $0x3  }
0x33: {  	p0 =	seq.s32 s10, $0x1;
	s10 =	sld [smem:$0x3FBA];
	_ =	sdelay $0x3  }
0x34: {  	[smem:$0x3FBA] =	sst s10  }
0x35: {  	s10 =	sld [smem:$0x3FB9];
	_ =	sdelay $0x3  }
0x36: {  	p1 =	seq.s32 s10, $0x1;
	s10 =	sld [smem:$0x3FBA];
	_ =	sdelay $0x3  }
0x37: {  	[smem:$0x3FBA] =	sst s10  }
0x38: {  	s10 =	sld [smem:$0x3FBB]  }
0x39: {  	_ = 	snop;
	(pc) =	sbr.ind lr, $3  }
0x3a: {  	_ = 	snop  }
0x3b: {  	_ = 	snop  }
0x3c: {  	p2 =	seq.s32 s10, $0x1;
	s10 =	sld [smem:$0x3FBA]  }
0x3d: {  	_ =	shalt  }
0x3e: {  	_ =	shalt  }
0x3f: {  	_ =	shalt  }
0x40: {  	_ =	shalt  }
0x41: {  	_ =	shalt  }
0x42: {  	_ =	shalt  }
0x43: {  	_ =	shalt  }
0x44: {  	_ =	shalt  }
0x45: {  	_ =	shalt  }
0x46: {  	_ =	shalt  }
0x47: {  	_ =	shalt  }
0x48: {  	_ =	shalt  }
0x49: {  	_ =	shalt  }
0x4a: {  	_ =	shalt  }
0x4b: {  	_ =	shalt  }
0x4c: {  	_ =	shalt  }
0x4d: {  	_ =	shalt  }
0x4e: {  	_ =	shalt  }
0x4f: {  	_ =	shalt  }
0x50: {  	_ =	shalt  }
0x51: {  	_ =	shalt  }
0x52: {  	_ =	shalt  }
0x53: {  	_ =	shalt  }
0x54: {  	_ =	shalt  }
0x55: {  	_ =	shalt  }
0x56: {  	_ =	shalt  }
0x57: {  	_ =	shalt  }
0x58: {  	_ =	shalt  }
0x59: {  	_ =	shalt  }
0x5a: {  	_ =	shalt  }
0x5b: {  	_ =	shalt  }
0x5c: {  	_ =	shalt  }
0x5d: {  	_ =	shalt  }
0x5e: {  	_ =	shalt  }
0x5f: {  	_ =	shalt  }
0x60: {  	_ =	shalt  }
0x61: {  	_ =	shalt  }
0x62: {  	_ =	shalt  }
0x63: {  	_ =	shalt  }
0x64: {  	_ =	shalt  }
0x65: {  	_ =	shalt  }
0x66: {  	_ =	shalt  }
0x67: {  	_ =	shalt  }
0x68: {  	_ =	shalt  }
0x69: {  	_ =	shalt  }
0x6a: {  	_ =	shalt  }
0x6b: {  	_ =	shalt  }
0x6c: {  	_ =	shalt  }
0x6d: {  	_ =	shalt  }
0x6e: {  	_ =	shalt  }
0x6f: {  	_ =	shalt  }
0x70: {  	_ =	shalt  }
0x71: {  	_ =	shalt  }
0x72: {  	_ =	shalt  }
0x73: {  	_ =	shalt  }
0x74: {  	_ =	shalt  }
0x75: {  	_ =	shalt  }
0x76: {  	_ =	shalt  }
0x77: {  	_ =	shalt  }
0x78: {  	_ =	shalt  }
0x79: {  	_ =	shalt  }
0x7a: {  	_ =	shalt  }
0x7b: {  	_ =	shalt  }
0x7c: {  	_ =	shalt  }
0x7d: {  	_ =	shalt  }
0x7e: {  	_ =	shalt  }
0x7f: {  	_ =	shalt  }
0x80: {  	_ =	shalt  }
0x81: {  	_ =	shalt  }
0x82: {  	_ =	shalt  }
0x83: {  	_ =	shalt  }
0x84: {  	_ =	shalt  }
0x85: {  	_ =	shalt  }
0x86: {  	_ =	shalt  }
0x87: {  	_ =	shalt  }
.Lfunc_end0:
.L_simem_size_0:
called_computation_lowered:
.L_overlay_start_0:
0x88: {  	s2 =	sld [smem:$0x3FD9]  }
0x89: {  	s3 =	sld [smem:$0x3FFE];
	_ =	sdelay $0x1  }
0x8a: {  	s1 =	srdreg.scid  }
0x8b: {  	s0 =	sand.u32 $0x1, s1  }
0x8c: {  	s17 =	sshll.u32 s0, $0xA;
	s2 =	sadd.s32 s3, s2  }
0x8d: {  	s2 =	sadd.s32 s2, s17  }
0x8e: {  	[smem:$0x3FC6] =	sst s2  }
0x8f: {  	_ = 	snop  }
0x90: {  	s2 =	sld [smem:$0x3FC9]  }
0x91: {  	s18 =	sld [smem:$0x3FD0];
	(tm) =	ssettm $0x1  }
0x92: {  	s4 =	sld [smem:$0x3FFB];
	_ =	sdelay $0x3  }
0x93: {  	_ =	strace s4  }
0x94: {  	s4 =	sld [smem:$0x3FFC];
	_ =	sdelay $0x3  }
0x95: {  	_ =	strace s4  }
0x96: {  	s4 =	sld [smem:$0x3FFD];
	_ =	sdelay $0x3  }
0x97: {  	_ =	strace s4  }
0x98: {  	_ =	strace $0x8FFFFFFF  }
0x99: {  	s19 =	sld [smem:$0x3FDB];
	_ =	sdelay $0x1  }
0x9a: {  	s5 =	simm.s32 $_scs_section_size  }
0x9b: {  	s6 =	simm.s32 $_size__tile_overlayer_lowered;
	s7 =	simm.s32 $_tile_overlayer_lowered  }
0x9c: {  	s22 =	simm.s32 $0x1BFF;
	s21 =	sshll.u32 s7, $0x1;
	s4 =	sadd.s32 s5, s19  }
0x9d: {  	s8 =	simm.s32 $0x0;
	s20 =	sshll.u32 s6, $0x1;
	s6 =	sadd.s32 s21, s4  }
0x9e: {  	[timem:s8], [sflag:s22] =	dma.local [hbm:s6], s20  }
0x9f: {  	_ =	swait.ge [sflag:s22], s20  }
0xa0: {  	s5 =	ssub.s32 $0x0, s20;
	[sflag:s22] =	ssyncset.done $0x0  }
0xa1: {  	[sflag:s22] =	ssyncadd.s32 s5;
	_ =	sdelay $0x1  }
0xa2: {  	s23 =	simm.s32 $0x1B8B  }
0xa3: {  	_ =	swait.ge [sflag:s23], $0x1  }
0xa4: {  	[sflag:s23] =	ssyncset.done $0x0  }
0xa5: {  	s25 =	simm.s32 $0x1B8E;
	s24 =	sld [smem:$0x3FFE];
	[sflag:s23] =	ssyncadd.s32 $0xFFFFFFFF  }
0xa6: {  	s26 =	simm.s32 $execute0_lowered;
	[smem:$0x3FD2] =	sst s25  }
0xa7: {  	s6 =	sshll.u32 s26, $0x1;
	_ =	strace $0x80000046;
	[dreg:$0x1] =	wrdreg $0xFFFFFFFF  }
0xa8: {  	s28 =	simm.s32 $_size_execute0_lowered;
	s4 =	sadd.s32 s4, s6;
	[dreg:$0x0] =	wrdreg $0x0  }
0xa9: {  	s6 =	sshll.u32 s28, $0x1;
	[dreg:$0x2] =	wrdreg s4  }
0xaa: {  	[dreg:$0x3] =	wrdreg s6  }
0xab: {  	[dreg:$0x4] =	wrdreg $0xC0  }
0xac: {  	_ =	task [dreg:s8], $0x5FFFF  }
0xad: {  	[dreg:$0x1] =	wrdreg $0xFFFFFFFF  }
0xae: {  	[dreg:$0x0] =	wrdreg $0x60  }
0xaf: {  	[dreg:$0x2] =	wrdreg s2  }
0xb0: {  	[dreg:$0x3] =	wrdreg s24  }
0xb1: {  	[dreg:$0x4] =	wrdreg s18  }
0xb2: {  	[dreg:$0x5] =	wrdreg $0x9  }
0xb3: {  	_ =	task.clear_ibuf [dreg:s8], $0x6FFFF;
	_ =	strace $0x90000046  }
0xb4: {  	s29 =	simm.s32 $0x9;
	_ =	strace $0x80000048  }
0xb5: {  	_ =	swait.ge [sflag:s29], $0x1  }
0xb6: {  	[sflag:s29] =	ssyncadd.s32 $0xFFFFFFFF  }
0xb7: {  	_ =	strace $0x90000048  }
0xb8: {  	_ =	sfence  }
0xb9: {  	s30 =	sld [smem:$0x0];
	_ =	sdelay $0x2  }
0xba: {  	s31 =	sshll.u32 s1, $0xD;
	s1 =	sshrl.u32 s1, $0x2  }
0xbb: {  	s3 =	sand.u32 $0x4000, s31;
	s1 =	sadd.s32 s1, s30  }
0xbc: {  	s0 =	sor.u32 s3, s0;
	s1 =	sshll.u32 s1, $0x11  }
0xbd: {  	s0 =	sor.u32 s1, s0  }
0xbe: {  	s0 =	sadd.s32 $0x8F2B, s0  }
0xbf: {  	[sflag:s0] =	ssyncadd.remote.s32 $0x1  }
0xc0: {  	_ =	sfence.sel $0xFFFF  }
0xc1: {  	[dreg:$0x0] =	wrdreg $0xFFFFFFFF;
	(pc) =	sbr.abs _section_cstart, $3  }
0xc2: {  	[dreg:$0x1] =	wrdreg $0xFFFFFFFF  }
0xc3: {  	_ =	task.clear_ibuf [dreg:s8], $0x2FFFF;
	_ =	strace $0x9FFFFFFF  }
0xc4: {  	(tm) =	ssettm $0x7FFFFFFF  }
0xc5: {  	_ =	shalt  }
tec
execute0_lowered:
.L_overlay_start_1:
0x0: {  	(tag) =	ssettag $0x1  }
0x1: {  	v0 =	vlaneseq.u32  }
0x2: {  	v59 =	vor.u32 $0x10, v0  }
0x3: {  	v1 =	vmul.u32 $0x80, v0;
	v61 =	vor.u32 $0x20, v0;
	[tilespmem:$0x1FE10] =	vst v59  }
0x4: {  	v63 =	vor.u32 $0x30, v0;
	[tilespmem:$0x1FE30] =	vst v61  }
0x5: {  	[tilespmem:$0x1FE50] =	vst v63;
	v2 =	vor.u32 $0x800, v1  }
0x6: {  	s0 =	rddreg [dreg:$0x0];
	s3 =	srdreg.scid;
	v60 =	vor.u32 $0x1000, v1;
	[tilespmem:$0x1FE00] =	vst v2  }
0x7: {  	s5 =	rddreg [dreg:$0x1];
	s4 =	sand.u32 $0x1, s3;
	s3 =	simm.s32 $0x0;
	v62 =	vor.u32 $0x1800, v1;
	[tilespmem:$0x1FE20] =	vst v60  }
0x8: {  	v15 =	vor.u32 $0x40, v0;
	[smem:$0x7FF] =	sst s3;
	[tilespmem:$0x1FE40] =	vst v62  }
0x9: {  	s1 =	rddreg [dreg:$0x2];
	v17 =	vor.u32 $0x50, v0;
	_ =	strace $0x80000047;
	[tilespmem:$0x1FE60] =	vst v15  }
0xa: {  	v19 =	vor.u32 $0x60, v0;
	[tilespmem:$0x1FE70] =	vst v17  }
0xb: {  	v21 =	vor.u32 $0x70, v0;
	[tilespmem:$0x1FE80] =	vst v19  }
0xc: {  	v23 =	vor.u32 $0x800, v0;
	[tilespmem:$0x1FE90] =	vst v21  }
0xd: {  	v25 =	vor.u32 $0x810, v0;
	[tilespmem:$0x1FEA0] =	vst v23  }
0xe: {  	v27 =	vor.u32 $0x820, v0;
	[tilespmem:$0x1FEB0] =	vst v25  }
0xf: {  	v29 =	vor.u32 $0x830, v0;
	[tilespmem:$0x1FEC0] =	vst v27  }
0x10: {  	v8 =	vor.u32 $0x840, v0;
	[tilespmem:$0x1FED0] =	vst v29  }
0x11: {  	v31 =	vor.u32 $0x850, v0;
	[tilespmem:$0x1FEE0] =	vst v8  }
0x12: {  	v32 =	vor.u32 $0x860, v0;
	[tilespmem:$0x1FEF0] =	vst v31  }
0x13: {  	v33 =	vor.u32 $0x870, v0;
	[tilespmem:$0x1FF00] =	vst v32  }
0x14: {  	v13 =	vor.u32 $0x1000, v0;
	v35 =	vor.u32 $0x1010, v0;
	v14 =	vor.u32 $0x2000, v1;
	[tilespmem:$0x1FF10] =	vst v33  }
0x15: {  	v37 =	vor.u32 $0x1020, v0;
	v39 =	vor.u32 $0x1030, v0;
	v16 =	vor.u32 $0x2800, v1;
	[tilespmem:$0x1FF20] =	vst v14  }
0x16: {  	v41 =	vor.u32 $0x1040, v0;
	v43 =	vor.u32 $0x1050, v0;
	v18 =	vor.u32 $0x3000, v1;
	[tilespmem:$0x1FF30] =	vst v16  }
0x17: {  	v45 =	vor.u32 $0x1060, v0;
	v47 =	vor.u32 $0x1070, v0;
	v20 =	vor.u32 $0x3800, v1;
	[tilespmem:$0x1FF40] =	vst v18  }
0x18: {  	s2 =	stileid.u32;
	s13 =	simm.s32 $0x400;
	v49 =	vor.u32 $0x1800, v0;
	v51 =	vor.u32 $0x1810, v0;
	v22 =	vor.u32 $0x10, v1;
	[tilespmem:$0x1FF50] =	vst v20  }
0x19: {  	s14 =	simm.s32 $0x8000;
	s15 =	simm.s32 $0x5;
	s16 =	simm.s32 $0x80;
	v53 =	vor.u32 $0x1820, v0;
	v55 =	vor.u32 $0x1830, v0;
	v24 =	vor.u32 $0x810, v1;
	[tilespmem:$0x1FF60] =	vst v22  }
0x1a: {  	s17 =	simm.s32 $0x6400;
	s18 =	simm.s32 $0xA400;
	s19 =	simm.s32 $0x1;
	v57 =	vor.u32 $0x1840, v0;
	v59 =	vor.u32 $0x1850, v0;
	v26 =	vor.u32 $0x1010, v1;
	[tilespmem:$0x1FF70] =	vst v24  }
0x1b: {  	s20 =	simm.s32 $0xE400;
	s21 =	simm.s32 $0x100;
	s22 =	simm.s32 $0x2;
	v61 =	vor.u32 $0x1860, v0;
	v63 =	vor.u32 $0x1870, v0;
	v28 =	vor.u32 $0x1810, v1;
	[tilespmem:$0x1FF80] =	vst v26  }
0x1c: {  	s23 =	simm.s32 $0x10400;
	s24 =	simm.s32 $0x180;
	s25 =	simm.s32 $0x3;
	v30 =	vor.u32 $0x2010, v1;
	v9 =	vor.u32 $0x2810, v1;
	v10 =	vor.u32 $0x3010, v1;
	[tilespmem:$0x1FF90] =	vst v28  }
0x1d: {  	s26 =	simm.s32 $0x4;
	s28 =	simm.s32 $0x0;
	s6 =	sshll.u32 s2, $0xB;
	v11 =	vor.u32 $0x3810, v1;
	v12 =	vor.u32 $0x20, v1;
	v34 =	vor.u32 $0x820, v1;
	[tilespmem:$0x1FFA0] =	vst v30  }
0x1e: {  	s5 =	sadd.s32 $0x400, s5;
	s7 =	sshll.u32 s4, $0xA;
	s8 =	ssub.s32 $0x2, s4;
	v36 =	vor.u32 $0x1020, v1;
	v38 =	vor.u32 $0x1820, v1;
	v40 =	vor.u32 $0x2020, v1;
	[tilespmem:$0x1FFB0] =	vst v9  }
0x1f: {  	s2 =	simm.s32 $0x0;
	s4 =	sor.u32 s7, s6;
	s31 =	sshrl.u32 s8, $0x1;
	v42 =	vor.u32 $0x2820, v1;
	v44 =	vor.u32 $0x3020, v1;
	v46 =	vor.u32 $0x3820, v1;
	[tilespmem:$0x1FFC0] =	vst v10  }
0x20: {  	v48 =	vor.u32 $0x30, v1;
	v50 =	vor.u32 $0x830, v1;
	v52 =	vor.u32 $0x1030, v1;
	s7 =	sshrl.u32 s4, $0x3;
	s12 =	ssub.s32 s8, s31;
	s10 =	sor.u32 $0xC0000, s4;
	[tilespmem:$0x1FFD0] =	vst v11  }
0x21: {  	v54 =	vor.u32 $0x1830, v1;
	v56 =	vor.u32 $0x2030, v1;
	v58 =	vor.u32 $0x2830, v1;
	s6 =	sadd.s32 s1, s7;
	s7 =	sadd.s32 s0, s7;
	s12 =	smax.u32 s12, $0x1;
	[tilespmem:$0x1FFE0] =	vst v12  }
0x22: {  	v7 =	vmov v1;
	v60 =	vor.u32 $0x3030, v1;
	v62 =	vor.u32 $0x3830, v1;
	[tilespmem:$0x1FFF0] =	vst v1;
	s8 =	sadd.s32 $0x8000, s6;
	s9 =	sadd.s32 $0x10000, s6;
	s11 =	sadd.s32 $0x638000, s6  }
.LBB2_1:
0x23: {  	[tilespmem:s3], [sflag:$0x5] =	stream.strided.gather [hbm4b:s7+s13], $0x6400, s14, s13, $0x38;
	[tilespmem:$0x12400] =	vst v63  }
0x24: {  	_ =	swait.ge [sflag:s15], $0x6400  }
0x25: {  	v4 =	vlaneseq.u32;
	[sflag:s15] =	ssyncset.done $0x0  }
0x26: {  	v0 =	vadd.s32 s3, v4;
	[sflag:s15] =	ssyncadd.s32 $0xFFFF9C00  }
0x27: {  	v2 =	vand.u32 $0xF, v0;
	[tilespmem:s17], [sflag:$0x1] =	stream.indirect.gather [hbm4b:s5+s16], $0x80, s3, s16, $0xb8;
	[tilespmem:$0x12400] =	vst v63  }
0x28: {  	v3 =	vor.u32 v7, v2  }
0x29: {  	[tilespmem:s18], [sflag:$0x2] =	stream.indirect.gather [hbm4b:s5+s16], $0x80, s16, s16, $0xb8;
	[tilespmem:$0x12400] =	vst v63  }
0x2a: {  	_ =	swait.ge [sflag:s19], $0x4000  }
0x2b: {  	[sflag:s19] =	ssyncset.done $0x0;
	v5 =	vld [tilespmem:$0x1FE00]  }
0x2c: {  	v1 =	vshll.u32 v2, $0x7;
	[sflag:s19] =	ssyncadd.s32 $0xFFFFC000  }
0x2d: {  	v6 =	vld.idx.msk [tilespmem:v3+s17+$0x0], $0xffff;
	v3 =	vor.u32 v4, v1;
	_ =	sdelay $0x2  }
0x2e: {  	v5 =	vor.u32 v5, v2;
	_ =	sdelay $0x1  }
0x2f: {  	[tilespmem:v3+s20+$0x0] =	vst.idx.msk $0xffff, v6;
	v3 =	vld [tilespmem:$0x1FE10];
	_ =	sdelay $0x2  }
0x30: {  	v6 =	vld.idx.msk [tilespmem:v5+s17+$0x0], $0xffff  }
0x31: {  	v5 =	vld [tilespmem:$0x1FE20]  }
0x32: {  	v3 =	vor.u32 v3, v1;
	_ =	sdelay $0x3  }
0x33: {  	v5 =	vor.u32 v5, v2  }
0x34: {  	[tilespmem:v3+s20+$0x0] =	vst.idx.msk $0xffff, v6;
	v3 =	vld [tilespmem:$0x1FE30];
	_ =	sdelay $0x3  }
0x35: {  	v6 =	vld.idx.msk [tilespmem:v5+s17+$0x0], $0xffff  }
0x36: {  	v5 =	vld [tilespmem:$0x1FE40];
	v3 =	vor.u32 v3, v1;
	_ =	sdelay $0x4  }
0x37: {  	v5 =	vor.u32 v5, v2;
	[tilespmem:v3+s20+$0x0] =	vst.idx.msk $0xffff, v6;
	v3 =	vld [tilespmem:$0x1FE50];
	_ =	sdelay $0x4  }
0x38: {  	v5 =	vld.idx.msk [tilespmem:v5+s17+$0x0], $0xffff;
	v3 =	vor.u32 v3, v1  }
0x39: {  	v6 =	vor.u32 v14, v2;
	_ =	sdelay $0x3  }
0x3a: {  	[tilespmem:v3+s20+$0x0] =	vst.idx.msk $0xffff, v5  }
0x3b: {  	v3 =	vor.u32 v15, v1;
	v5 =	vld.idx.msk [tilespmem:v6+s17+$0x0], $0xffff  }
0x3c: {  	v6 =	vor.u32 v16, v2;
	_ =	sdelay $0x3  }
0x3d: {  	[tilespmem:v3+s20+$0x0] =	vst.idx.msk $0xffff, v5  }
0x3e: {  	v3 =	vor.u32 v17, v1;
	v5 =	vld.idx.msk [tilespmem:v6+s17+$0x0], $0xffff  }
0x3f: {  	v6 =	vor.u32 v18, v2;
	_ =	sdelay $0x3  }
0x40: {  	[tilespmem:v3+s20+$0x0] =	vst.idx.msk $0xffff, v5  }
0x41: {  	v3 =	vor.u32 v19, v1;
	v5 =	vld.idx.msk [tilespmem:v6+s17+$0x0], $0xffff  }
0x42: {  	v6 =	vor.u32 v20, v2;
	_ =	sdelay $0x3  }
0x43: {  	[tilespmem:v3+s20+$0x0] =	vst.idx.msk $0xffff, v5  }
0x44: {  	v3 =	vor.u32 v21, v1;
	v5 =	vld.idx.msk [tilespmem:v6+s17+$0x0], $0xffff  }
0x45: {  	v6 =	vor.u32 v22, v0;
	_ =	sdelay $0x3  }
0x46: {  	[tilespmem:v3+s20+$0x0] =	vst.idx.msk $0xffff, v5  }
0x47: {  	v3 =	vor.u32 v23, v1;
	v5 =	vld.idx.msk [tilespmem:v6+s17+$0x0], $0xffff  }
0x48: {  	v6 =	vor.u32 v24, v0;
	_ =	sdelay $0x3  }
0x49: {  	[tilespmem:v3+s20+$0x0] =	vst.idx.msk $0xffff, v5  }
0x4a: {  	v3 =	vor.u32 v25, v1;
	v5 =	vld.idx.msk [tilespmem:v6+s17+$0x0], $0xffff  }
0x4b: {  	v6 =	vor.u32 v26, v0;
	_ =	sdelay $0x3  }
0x4c: {  	[tilespmem:v3+s20+$0x0] =	vst.idx.msk $0xffff, v5  }
0x4d: {  	v3 =	vor.u32 v27, v1;
	v5 =	vld.idx.msk [tilespmem:v6+s17+$0x0], $0xffff  }
0x4e: {  	v6 =	vor.u32 v28, v0;
	_ =	sdelay $0x3  }
0x4f: {  	[tilespmem:v3+s20+$0x0] =	vst.idx.msk $0xffff, v5  }
0x50: {  	v3 =	vor.u32 v29, v1;
	v5 =	vld.idx.msk [tilespmem:v6+s17+$0x0], $0xffff  }
0x51: {  	v6 =	vor.u32 v30, v0;
	_ =	sdelay $0x3  }
0x52: {  	[tilespmem:v3+s20+$0x0] =	vst.idx.msk $0xffff, v5  }
0x53: {  	v3 =	vor.u32 v8, v1;
	v5 =	vld.idx.msk [tilespmem:v6+s17+$0x0], $0xffff  }
0x54: {  	v6 =	vor.u32 v9, v0;
	_ =	sdelay $0x3  }
0x55: {  	[tilespmem:v3+s20+$0x0] =	vst.idx.msk $0xffff, v5  }
0x56: {  	v3 =	vor.u32 v31, v1;
	v5 =	vld.idx.msk [tilespmem:v6+s17+$0x0], $0xffff  }
0x57: {  	v6 =	vor.u32 v10, v0;
	_ =	sdelay $0x3  }
0x58: {  	[tilespmem:v3+s20+$0x0] =	vst.idx.msk $0xffff, v5  }
0x59: {  	v3 =	vor.u32 v32, v1;
	v5 =	vld.idx.msk [tilespmem:v6+s17+$0x0], $0xffff  }
0x5a: {  	v6 =	vor.u32 v11, v0;
	_ =	sdelay $0x3  }
0x5b: {  	[tilespmem:v3+s20+$0x0] =	vst.idx.msk $0xffff, v5  }
0x5c: {  	v3 =	vor.u32 v33, v1;
	v5 =	vld.idx.msk [tilespmem:v6+s17+$0x0], $0xffff  }
0x5d: {  	v6 =	vor.u32 v12, v2;
	_ =	sdelay $0x3  }
0x5e: {  	[tilespmem:v3+s20+$0x0] =	vst.idx.msk $0xffff, v5  }
0x5f: {  	v3 =	vor.u32 v13, v1;
	v5 =	vld.idx.msk [tilespmem:v6+s17+$0x0], $0xffff  }
0x60: {  	v6 =	vor.u32 v34, v2;
	_ =	sdelay $0x3  }
0x61: {  	[tilespmem:v3+s20+$0x0] =	vst.idx.msk $0xffff, v5  }
0x62: {  	v3 =	vor.u32 v35, v1;
	v5 =	vld.idx.msk [tilespmem:v6+s17+$0x0], $0xffff  }
0x63: {  	v6 =	vor.u32 v36, v2;
	_ =	sdelay $0x3  }
0x64: {  	[tilespmem:v3+s20+$0x0] =	vst.idx.msk $0xffff, v5  }
0x65: {  	v3 =	vor.u32 v37, v1;
	v5 =	vld.idx.msk [tilespmem:v6+s17+$0x0], $0xffff  }
0x66: {  	v6 =	vor.u32 v38, v2;
	_ =	sdelay $0x3  }
0x67: {  	[tilespmem:v3+s20+$0x0] =	vst.idx.msk $0xffff, v5  }
0x68: {  	v3 =	vor.u32 v39, v1;
	v5 =	vld.idx.msk [tilespmem:v6+s17+$0x0], $0xffff  }
0x69: {  	v6 =	vor.u32 v40, v2;
	_ =	sdelay $0x3  }
0x6a: {  	[tilespmem:v3+s20+$0x0] =	vst.idx.msk $0xffff, v5  }
0x6b: {  	v3 =	vor.u32 v41, v1;
	v5 =	vld.idx.msk [tilespmem:v6+s17+$0x0], $0xffff  }
0x6c: {  	v6 =	vor.u32 v42, v2;
	_ =	sdelay $0x3  }
0x6d: {  	[tilespmem:v3+s20+$0x0] =	vst.idx.msk $0xffff, v5  }
0x6e: {  	v3 =	vor.u32 v43, v1;
	v5 =	vld.idx.msk [tilespmem:v6+s17+$0x0], $0xffff  }
0x6f: {  	v6 =	vor.u32 v44, v2;
	_ =	sdelay $0x3  }
0x70: {  	[tilespmem:v3+s20+$0x0] =	vst.idx.msk $0xffff, v5  }
0x71: {  	v3 =	vor.u32 v45, v1;
	v5 =	vld.idx.msk [tilespmem:v6+s17+$0x0], $0xffff  }
0x72: {  	v2 =	vor.u32 v46, v2;
	_ =	sdelay $0x3  }
0x73: {  	[tilespmem:v3+s20+$0x0] =	vst.idx.msk $0xffff, v5  }
0x74: {  	v3 =	vor.u32 v47, v1;
	v5 =	vld.idx.msk [tilespmem:v2+s17+$0x0], $0xffff  }
0x75: {  	v2 =	vor.u32 v48, v0;
	_ =	sdelay $0x3  }
0x76: {  	[tilespmem:v3+s20+$0x0] =	vst.idx.msk $0xffff, v5  }
0x77: {  	v3 =	vor.u32 v49, v1;
	v5 =	vld.idx.msk [tilespmem:v2+s17+$0x0], $0xffff  }
0x78: {  	v2 =	vor.u32 v50, v0;
	_ =	sdelay $0x3  }
0x79: {  	[tilespmem:v3+s20+$0x0] =	vst.idx.msk $0xffff, v5  }
0x7a: {  	v3 =	vor.u32 v51, v1;
	v5 =	vld.idx.msk [tilespmem:v2+s17+$0x0], $0xffff  }
0x7b: {  	v2 =	vor.u32 v52, v0;
	_ =	sdelay $0x3  }
0x7c: {  	[tilespmem:v3+s20+$0x0] =	vst.idx.msk $0xffff, v5  }
0x7d: {  	v3 =	vor.u32 v53, v1;
	v5 =	vld.idx.msk [tilespmem:v2+s17+$0x0], $0xffff  }
0x7e: {  	v2 =	vor.u32 v54, v0;
	_ =	sdelay $0x3  }
0x7f: {  	[tilespmem:v3+s20+$0x0] =	vst.idx.msk $0xffff, v5  }
0x80: {  	v3 =	vor.u32 v55, v1;
	v5 =	vld.idx.msk [tilespmem:v2+s17+$0x0], $0xffff  }
0x81: {  	v2 =	vor.u32 v56, v0;
	_ =	sdelay $0x3  }
0x82: {  	[tilespmem:v3+s20+$0x0] =	vst.idx.msk $0xffff, v5  }
0x83: {  	v3 =	vor.u32 v57, v1;
	v5 =	vld.idx.msk [tilespmem:v2+s17+$0x0], $0xffff  }
0x84: {  	v2 =	vor.u32 v58, v0;
	_ =	sdelay $0x3  }
0x85: {  	[tilespmem:v3+s20+$0x0] =	vst.idx.msk $0xffff, v5  }
0x86: {  	v3 =	vor.u32 v59, v1;
	v5 =	vld.idx.msk [tilespmem:v2+s17+$0x0], $0xffff  }
0x87: {  	v2 =	vor.u32 v60, v0;
	_ =	sdelay $0x3  }
0x88: {  	[tilespmem:v3+s20+$0x0] =	vst.idx.msk $0xffff, v5  }
0x89: {  	v3 =	vor.u32 v61, v1;
	v2 =	vld.idx.msk [tilespmem:v2+s17+$0x0], $0xffff  }
0x8a: {  	v5 =	vor.u32 v62, v0;
	_ =	sdelay $0x3  }
0x8b: {  	s0 =	simm.s32 $0x1;
	[tilespmem:v3+s20+$0x0] =	vst.idx.msk $0xffff, v2  }
0x8c: {  	s29 =	simm.s32 $0x2;
	v0 =	vadd.s32 s0, v4;
	v3 =	vld.idx.msk [tilespmem:v5+s17+$0x0], $0xffff  }
.LBB2_2:
0x8d: {  	v2 =	vand.u32 $0xF, v0;
	v1 =	vor.u32 v63, v1  }
0x8e: {  	v4 =	vor.u32 v7, v2;
	_ =	sdelay $0x2  }
0x8f: {  	v5 =	vld [tilespmem:$0x1FE00]  }
0x90: {  	v6 =	vlaneseq.u32;
	[tilespmem:v1+s20+$0x0] =	vst.idx.msk $0xffff, v3;
	v1 =	vshll.u32 v2, $0x7  }
0x91: {  	v3 =	vld.idx.msk [tilespmem:v4+s17+$0x0], $0xffff;
	v4 =	vor.u32 v6, v1;
	_ =	sdelay $0x2  }
0x92: {  	v5 =	vor.u32 v5, v2;
	_ =	sdelay $0x1  }
0x93: {  	[tilespmem:v4+s20+$0x0] =	vst.idx.msk $0xffff, v3;
	v4 =	vld [tilespmem:$0x1FE10];
	_ =	sdelay $0x2  }
0x94: {  	v3 =	vld.idx.msk [tilespmem:v5+s17+$0x0], $0xffff  }
0x95: {  	v5 =	vld [tilespmem:$0x1FE20]  }
0x96: {  	v4 =	vor.u32 v4, v1;
	_ =	sdelay $0x3  }
0x97: {  	v5 =	vor.u32 v5, v2  }
0x98: {  	[tilespmem:v4+s20+$0x0] =	vst.idx.msk $0xffff, v3;
	v4 =	vld [tilespmem:$0x1FE30];
	_ =	sdelay $0x3  }
0x99: {  	v3 =	vld.idx.msk [tilespmem:v5+s17+$0x0], $0xffff  }
0x9a: {  	v5 =	vld [tilespmem:$0x1FE40];
	v4 =	vor.u32 v4, v1;
	_ =	sdelay $0x4  }
0x9b: {  	v5 =	vor.u32 v5, v2;
	[tilespmem:v4+s20+$0x0] =	vst.idx.msk $0xffff, v3;
	v4 =	vld [tilespmem:$0x1FE50];
	_ =	sdelay $0x4  }
0x9c: {  	v3 =	vld.idx.msk [tilespmem:v5+s17+$0x0], $0xffff;
	v4 =	vor.u32 v4, v1  }
0x9d: {  	v5 =	vor.u32 v14, v2;
	_ =	sdelay $0x3  }
0x9e: {  	[tilespmem:v4+s20+$0x0] =	vst.idx.msk $0xffff, v3  }
0x9f: {  	v4 =	vor.u32 v15, v1;
	v3 =	vld.idx.msk [tilespmem:v5+s17+$0x0], $0xffff  }
0xa0: {  	v5 =	vor.u32 v16, v2;
	_ =	sdelay $0x3  }
0xa1: {  	[tilespmem:v4+s20+$0x0] =	vst.idx.msk $0xffff, v3  }
0xa2: {  	v4 =	vor.u32 v17, v1;
	v3 =	vld.idx.msk [tilespmem:v5+s17+$0x0], $0xffff  }
0xa3: {  	v5 =	vor.u32 v18, v2;
	_ =	sdelay $0x3  }
0xa4: {  	[tilespmem:v4+s20+$0x0] =	vst.idx.msk $0xffff, v3  }
0xa5: {  	v4 =	vor.u32 v19, v1;
	v3 =	vld.idx.msk [tilespmem:v5+s17+$0x0], $0xffff  }
0xa6: {  	v5 =	vor.u32 v20, v2;
	_ =	sdelay $0x3  }
0xa7: {  	[tilespmem:v4+s20+$0x0] =	vst.idx.msk $0xffff, v3  }
0xa8: {  	v4 =	vor.u32 v21, v1;
	v3 =	vld.idx.msk [tilespmem:v5+s17+$0x0], $0xffff  }
0xa9: {  	v5 =	vor.u32 v22, v0;
	_ =	sdelay $0x3  }
0xaa: {  	[tilespmem:v4+s20+$0x0] =	vst.idx.msk $0xffff, v3  }
0xab: {  	v4 =	vor.u32 v23, v1;
	v3 =	vld.idx.msk [tilespmem:v5+s17+$0x0], $0xffff  }
0xac: {  	v5 =	vor.u32 v24, v0;
	_ =	sdelay $0x3  }
0xad: {  	[tilespmem:v4+s20+$0x0] =	vst.idx.msk $0xffff, v3  }
0xae: {  	v4 =	vor.u32 v25, v1;
	v3 =	vld.idx.msk [tilespmem:v5+s17+$0x0], $0xffff  }
0xaf: {  	v5 =	vor.u32 v26, v0;
	_ =	sdelay $0x3  }
0xb0: {  	[tilespmem:v4+s20+$0x0] =	vst.idx.msk $0xffff, v3  }
0xb1: {  	v4 =	vor.u32 v27, v1;
	v3 =	vld.idx.msk [tilespmem:v5+s17+$0x0], $0xffff  }
0xb2: {  	v5 =	vor.u32 v28, v0;
	_ =	sdelay $0x3  }
0xb3: {  	[tilespmem:v4+s20+$0x0] =	vst.idx.msk $0xffff, v3  }
0xb4: {  	v4 =	vor.u32 v29, v1;
	v3 =	vld.idx.msk [tilespmem:v5+s17+$0x0], $0xffff  }
0xb5: {  	v5 =	vor.u32 v30, v0;
	_ =	sdelay $0x3  }
0xb6: {  	[tilespmem:v4+s20+$0x0] =	vst.idx.msk $0xffff, v3  }
0xb7: {  	v4 =	vor.u32 v8, v1;
	v3 =	vld.idx.msk [tilespmem:v5+s17+$0x0], $0xffff  }
0xb8: {  	v5 =	vor.u32 v9, v0;
	_ =	sdelay $0x3  }
0xb9: {  	[tilespmem:v4+s20+$0x0] =	vst.idx.msk $0xffff, v3  }
0xba: {  	v4 =	vor.u32 v31, v1;
	v3 =	vld.idx.msk [tilespmem:v5+s17+$0x0], $0xffff  }
0xbb: {  	v5 =	vor.u32 v10, v0;
	_ =	sdelay $0x3  }
0xbc: {  	[tilespmem:v4+s20+$0x0] =	vst.idx.msk $0xffff, v3  }
0xbd: {  	v4 =	vor.u32 v32, v1;
	v3 =	vld.idx.msk [tilespmem:v5+s17+$0x0], $0xffff  }
0xbe: {  	v5 =	vor.u32 v11, v0;
	_ =	sdelay $0x3  }
0xbf: {  	[tilespmem:v4+s20+$0x0] =	vst.idx.msk $0xffff, v3  }
0xc0: {  	v4 =	vor.u32 v33, v1;
	v3 =	vld.idx.msk [tilespmem:v5+s17+$0x0], $0xffff  }
0xc1: {  	v5 =	vor.u32 v12, v2;
	_ =	sdelay $0x3  }
0xc2: {  	[tilespmem:v4+s20+$0x0] =	vst.idx.msk $0xffff, v3  }
0xc3: {  	v4 =	vor.u32 v13, v1;
	v3 =	vld.idx.msk [tilespmem:v5+s17+$0x0], $0xffff  }
0xc4: {  	v5 =	vor.u32 v34, v2;
	_ =	sdelay $0x3  }
0xc5: {  	[tilespmem:v4+s20+$0x0] =	vst.idx.msk $0xffff, v3  }
0xc6: {  	v4 =	vor.u32 v35, v1;
	v3 =	vld.idx.msk [tilespmem:v5+s17+$0x0], $0xffff  }
0xc7: {  	v5 =	vor.u32 v36, v2;
	_ =	sdelay $0x3  }
0xc8: {  	[tilespmem:v4+s20+$0x0] =	vst.idx.msk $0xffff, v3  }
0xc9: {  	v4 =	vor.u32 v37, v1;
	v3 =	vld.idx.msk [tilespmem:v5+s17+$0x0], $0xffff  }
0xca: {  	v5 =	vor.u32 v38, v2;
	_ =	sdelay $0x3  }
0xcb: {  	[tilespmem:v4+s20+$0x0] =	vst.idx.msk $0xffff, v3  }
0xcc: {  	v4 =	vor.u32 v39, v1;
	v3 =	vld.idx.msk [tilespmem:v5+s17+$0x0], $0xffff  }
0xcd: {  	v5 =	vor.u32 v40, v2;
	_ =	sdelay $0x3  }
0xce: {  	[tilespmem:v4+s20+$0x0] =	vst.idx.msk $0xffff, v3  }
0xcf: {  	v4 =	vor.u32 v41, v1;
	v3 =	vld.idx.msk [tilespmem:v5+s17+$0x0], $0xffff  }
0xd0: {  	v5 =	vor.u32 v42, v2;
	_ =	sdelay $0x3  }
0xd1: {  	[tilespmem:v4+s20+$0x0] =	vst.idx.msk $0xffff, v3  }
0xd2: {  	v4 =	vor.u32 v43, v1;
	v3 =	vld.idx.msk [tilespmem:v5+s17+$0x0], $0xffff  }
0xd3: {  	v5 =	vor.u32 v44, v2;
	_ =	sdelay $0x3  }
0xd4: {  	[tilespmem:v4+s20+$0x0] =	vst.idx.msk $0xffff, v3  }
0xd5: {  	v4 =	vor.u32 v45, v1;
	v3 =	vld.idx.msk [tilespmem:v5+s17+$0x0], $0xffff  }
0xd6: {  	v2 =	vor.u32 v46, v2;
	_ =	sdelay $0x3  }
0xd7: {  	[tilespmem:v4+s20+$0x0] =	vst.idx.msk $0xffff, v3  }
0xd8: {  	v3 =	vor.u32 v47, v1;
	v2 =	vld.idx.msk [tilespmem:v2+s17+$0x0], $0xffff  }
0xd9: {  	v4 =	vor.u32 v48, v0;
	_ =	sdelay $0x3  }
0xda: {  	[tilespmem:v3+s20+$0x0] =	vst.idx.msk $0xffff, v2  }
0xdb: {  	v3 =	vor.u32 v49, v1;
	v2 =	vld.idx.msk [tilespmem:v4+s17+$0x0], $0xffff  }
0xdc: {  	v4 =	vor.u32 v50, v0;
	_ =	sdelay $0x3  }
0xdd: {  	[tilespmem:v3+s20+$0x0] =	vst.idx.msk $0xffff, v2  }
0xde: {  	v3 =	vor.u32 v51, v1;
	v2 =	vld.idx.msk [tilespmem:v4+s17+$0x0], $0xffff  }
0xdf: {  	v4 =	vor.u32 v52, v0;
	_ =	sdelay $0x3  }
0xe0: {  	[tilespmem:v3+s20+$0x0] =	vst.idx.msk $0xffff, v2  }
0xe1: {  	v3 =	vor.u32 v53, v1;
	v2 =	vld.idx.msk [tilespmem:v4+s17+$0x0], $0xffff  }
0xe2: {  	v4 =	vor.u32 v54, v0;
	_ =	sdelay $0x3  }
0xe3: {  	[tilespmem:v3+s20+$0x0] =	vst.idx.msk $0xffff, v2  }
0xe4: {  	v3 =	vor.u32 v55, v1;
	v2 =	vld.idx.msk [tilespmem:v4+s17+$0x0], $0xffff  }
0xe5: {  	v4 =	vor.u32 v56, v0;
	_ =	sdelay $0x3  }
0xe6: {  	[tilespmem:v3+s20+$0x0] =	vst.idx.msk $0xffff, v2  }
0xe7: {  	v3 =	vor.u32 v57, v1;
	v2 =	vld.idx.msk [tilespmem:v4+s17+$0x0], $0xffff  }
0xe8: {  	v4 =	vor.u32 v58, v0;
	_ =	sdelay $0x3  }
0xe9: {  	[tilespmem:v3+s20+$0x0] =	vst.idx.msk $0xffff, v2  }
0xea: {  	v3 =	vor.u32 v59, v1;
	v2 =	vld.idx.msk [tilespmem:v4+s17+$0x0], $0xffff  }
0xeb: {  	v4 =	vor.u32 v60, v0;
	_ =	sdelay $0x3  }
0xec: {  	[tilespmem:v3+s20+$0x0] =	vst.idx.msk $0xffff, v2  }
0xed: {  	v3 =	vor.u32 v61, v1;
	v2 =	vld.idx.msk [tilespmem:v4+s17+$0x0], $0xffff  }
0xee: {  	p0 =	sne.s32 s29, $0xF;
	v4 =	vor.u32 v62, v0  }
.Ltmp0:
0xef: {  	_ = 	snop;
	(pc) =	sbr.rel @p0 .LBB2_2-.Ltmp0, $3  }
0xf0: {  	_ =	sdelay $0x1  }
0xf1: {  	[tilespmem:v3+s20+$0x0] =	vst.idx.msk $0xffff, v2  }
0xf2: {  	v0 =	vadd.s32 s29, v6;
	s29 =	sadd.s32 $0x1, s29;
	v3 =	vld.idx.msk [tilespmem:v4+s17+$0x0], $0xffff  }
0xf3: {  	v2 =	vand.u32 $0xF, v0;
	v1 =	vor.u32 v63, v1  }
0xf4: {  	v4 =	vor.u32 v7, v2;
	_ =	sdelay $0x3  }
0xf5: {  	[tilespmem:v1+s20+$0x0] =	vst.idx.msk $0xffff, v3  }
0xf6: {  	v1 =	vshll.u32 v2, $0x7;
	v6 =	vld.idx.msk [tilespmem:v4+s17+$0x0], $0xffff;
	v4 =	vlaneseq.u32  }
0xf7: {  	v3 =	vld [tilespmem:$0x1FE00];
	v4 =	vor.u32 v4, v1;
	_ =	sdelay $0x4  }
0xf8: {  	v5 =	vor.u32 v3, v2;
	[tilespmem:v4+s20+$0x0] =	vst.idx.msk $0xffff, v6;
	v4 =	vld [tilespmem:$0x1FE10];
	_ =	sdelay $0x4  }
0xf9: {  	v3 =	vld.idx.msk [tilespmem:v5+s17+$0x0], $0xffff;
	v4 =	vor.u32 v4, v1;
	_ =	sdelay $0x3  }
0xfa: {  	v5 =	vld [tilespmem:$0x1FE20]  }
0xfb: {  	[tilespmem:v4+s20+$0x0] =	vst.idx.msk $0xffff, v3;
	v3 =	vld [tilespmem:$0x1FE30];
	_ =	sdelay $0x3  }
0xfc: {  	v5 =	vor.u32 v5, v2  }
0xfd: {  	v4 =	vor.u32 v3, v1;
	v3 =	vld [tilespmem:$0x1FE40];
	_ =	sdelay $0x3  }
0xfe: {  	v6 =	vld.idx.msk [tilespmem:v5+s17+$0x0], $0xffff  }
0xff: {  	v5 =	vor.u32 v3, v2;
	v3 =	vld [tilespmem:$0x1FE50];
	_ =	sdelay $0x3  }
0x100: {  	[tilespmem:v4+s20+$0x0] =	vst.idx.msk $0xffff, v6  }
0x101: {  	v6 =	vld.idx.msk [tilespmem:v5+s17+$0x0], $0xffff;
	v4 =	vor.u32 v3, v1  }
0x102: {  	v5 =	vor.u32 v14, v2;
	_ =	sdelay $0x3  }
0x103: {  	[tilespmem:v4+s20+$0x0] =	vst.idx.msk $0xffff, v6  }
0x104: {  	v4 =	vor.u32 v15, v1;
	v6 =	vld.idx.msk [tilespmem:v5+s17+$0x0], $0xffff  }
0x105: {  	v5 =	vor.u32 v16, v2;
	_ =	sdelay $0x3  }
0x106: {  	[tilespmem:v4+s20+$0x0] =	vst.idx.msk $0xffff, v6  }
0x107: {  	v4 =	vor.u32 v17, v1;
	v6 =	vld.idx.msk [tilespmem:v5+s17+$0x0], $0xffff  }
0x108: {  	v5 =	vor.u32 v18, v2;
	_ =	sdelay $0x3  }
0x109: {  	[tilespmem:v4+s20+$0x0] =	vst.idx.msk $0xffff, v6  }
0x10a: {  	v4 =	vor.u32 v19, v1;
	v6 =	vld.idx.msk [tilespmem:v5+s17+$0x0], $0xffff  }
0x10b: {  	v5 =	vor.u32 v20, v2;
	_ =	sdelay $0x3  }
0x10c: {  	[tilespmem:v4+s20+$0x0] =	vst.idx.msk $0xffff, v6  }
0x10d: {  	v4 =	vor.u32 v21, v1;
	v6 =	vld.idx.msk [tilespmem:v5+s17+$0x0], $0xffff  }
0x10e: {  	v5 =	vor.u32 v22, v0;
	_ =	sdelay $0x3  }
0x10f: {  	[tilespmem:v4+s20+$0x0] =	vst.idx.msk $0xffff, v6  }
0x110: {  	v4 =	vor.u32 v23, v1;
	v6 =	vld.idx.msk [tilespmem:v5+s17+$0x0], $0xffff  }
0x111: {  	v5 =	vor.u32 v24, v0;
	_ =	sdelay $0x3  }
0x112: {  	[tilespmem:v4+s20+$0x0] =	vst.idx.msk $0xffff, v6  }
0x113: {  	v4 =	vor.u32 v25, v1;
	v6 =	vld.idx.msk [tilespmem:v5+s17+$0x0], $0xffff  }
0x114: {  	v5 =	vor.u32 v26, v0;
	_ =	sdelay $0x3  }
0x115: {  	[tilespmem:v4+s20+$0x0] =	vst.idx.msk $0xffff, v6  }
0x116: {  	v4 =	vor.u32 v27, v1;
	v6 =	vld.idx.msk [tilespmem:v5+s17+$0x0], $0xffff  }
0x117: {  	v5 =	vor.u32 v28, v0;
	_ =	sdelay $0x3  }
0x118: {  	[tilespmem:v4+s20+$0x0] =	vst.idx.msk $0xffff, v6  }
0x119: {  	v4 =	vor.u32 v29, v1;
	v6 =	vld.idx.msk [tilespmem:v5+s17+$0x0], $0xffff  }
0x11a: {  	v5 =	vor.u32 v30, v0;
	_ =	sdelay $0x3  }
0x11b: {  	[tilespmem:v4+s20+$0x0] =	vst.idx.msk $0xffff, v6  }
0x11c: {  	v4 =	vor.u32 v8, v1;
	v6 =	vld.idx.msk [tilespmem:v5+s17+$0x0], $0xffff  }
0x11d: {  	v5 =	vor.u32 v9, v0;
	_ =	sdelay $0x3  }
0x11e: {  	[tilespmem:v4+s20+$0x0] =	vst.idx.msk $0xffff, v6  }
0x11f: {  	v4 =	vor.u32 v31, v1;
	v6 =	vld.idx.msk [tilespmem:v5+s17+$0x0], $0xffff  }
0x120: {  	v5 =	vor.u32 v10, v0;
	_ =	sdelay $0x3  }
0x121: {  	[tilespmem:v4+s20+$0x0] =	vst.idx.msk $0xffff, v6  }
0x122: {  	v4 =	vor.u32 v32, v1;
	v6 =	vld.idx.msk [tilespmem:v5+s17+$0x0], $0xffff  }
0x123: {  	v5 =	vor.u32 v11, v0;
	_ =	sdelay $0x3  }
0x124: {  	[tilespmem:v4+s20+$0x0] =	vst.idx.msk $0xffff, v6  }
0x125: {  	v4 =	vor.u32 v33, v1;
	v6 =	vld.idx.msk [tilespmem:v5+s17+$0x0], $0xffff  }
0x126: {  	v5 =	vor.u32 v12, v2;
	_ =	sdelay $0x3  }
0x127: {  	[tilespmem:v4+s20+$0x0] =	vst.idx.msk $0xffff, v6  }
0x128: {  	v4 =	vor.u32 v13, v1;
	v3 =	vld.idx.msk [tilespmem:v5+s17+$0x0], $0xffff  }
0x129: {  	v5 =	vor.u32 v34, v2;
	_ =	sdelay $0x3  }
0x12a: {  	[tilespmem:v4+s20+$0x0] =	vst.idx.msk $0xffff, v3  }
0x12b: {  	v4 =	vor.u32 v35, v1;
	v3 =	vld.idx.msk [tilespmem:v5+s17+$0x0], $0xffff  }
0x12c: {  	v5 =	vor.u32 v36, v2;
	_ =	sdelay $0x3  }
0x12d: {  	[tilespmem:v4+s20+$0x0] =	vst.idx.msk $0xffff, v3  }
0x12e: {  	v4 =	vor.u32 v37, v1;
	v3 =	vld.idx.msk [tilespmem:v5+s17+$0x0], $0xffff  }
0x12f: {  	v5 =	vor.u32 v38, v2;
	_ =	sdelay $0x3  }
0x130: {  	[tilespmem:v4+s20+$0x0] =	vst.idx.msk $0xffff, v3  }
0x131: {  	v4 =	vor.u32 v39, v1;
	v3 =	vld.idx.msk [tilespmem:v5+s17+$0x0], $0xffff  }
0x132: {  	v5 =	vor.u32 v40, v2;
	_ =	sdelay $0x3  }
0x133: {  	[tilespmem:v4+s20+$0x0] =	vst.idx.msk $0xffff, v3  }
0x134: {  	v4 =	vor.u32 v41, v1;
	v3 =	vld.idx.msk [tilespmem:v5+s17+$0x0], $0xffff  }
0x135: {  	v5 =	vor.u32 v42, v2;
	_ =	sdelay $0x3  }
0x136: {  	[tilespmem:v4+s20+$0x0] =	vst.idx.msk $0xffff, v3  }
0x137: {  	v4 =	vor.u32 v43, v1;
	v3 =	vld.idx.msk [tilespmem:v5+s17+$0x0], $0xffff  }
0x138: {  	v5 =	vor.u32 v44, v2;
	_ =	sdelay $0x3  }
0x139: {  	[tilespmem:v4+s20+$0x0] =	vst.idx.msk $0xffff, v3  }
0x13a: {  	v4 =	vor.u32 v45, v1;
	v3 =	vld.idx.msk [tilespmem:v5+s17+$0x0], $0xffff  }
0x13b: {  	v2 =	vor.u32 v46, v2;
	_ =	sdelay $0x3  }
0x13c: {  	[tilespmem:v4+s20+$0x0] =	vst.idx.msk $0xffff, v3  }
0x13d: {  	v3 =	vor.u32 v47, v1;
	v2 =	vld.idx.msk [tilespmem:v2+s17+$0x0], $0xffff  }
0x13e: {  	v4 =	vor.u32 v48, v0;
	_ =	sdelay $0x3  }
0x13f: {  	[tilespmem:v3+s20+$0x0] =	vst.idx.msk $0xffff, v2  }
0x140: {  	v3 =	vor.u32 v49, v1;
	v2 =	vld.idx.msk [tilespmem:v4+s17+$0x0], $0xffff  }
0x141: {  	v4 =	vor.u32 v50, v0;
	_ =	sdelay $0x3  }
0x142: {  	[tilespmem:v3+s20+$0x0] =	vst.idx.msk $0xffff, v2  }
0x143: {  	v3 =	vor.u32 v51, v1;
	v2 =	vld.idx.msk [tilespmem:v4+s17+$0x0], $0xffff  }
0x144: {  	v4 =	vor.u32 v52, v0;
	_ =	sdelay $0x3  }
0x145: {  	[tilespmem:v3+s20+$0x0] =	vst.idx.msk $0xffff, v2  }
0x146: {  	v3 =	vor.u32 v53, v1;
	v2 =	vld.idx.msk [tilespmem:v4+s17+$0x0], $0xffff  }
0x147: {  	v4 =	vor.u32 v54, v0;
	_ =	sdelay $0x3  }
0x148: {  	[tilespmem:v3+s20+$0x0] =	vst.idx.msk $0xffff, v2  }
0x149: {  	v3 =	vor.u32 v55, v1;
	v2 =	vld.idx.msk [tilespmem:v4+s17+$0x0], $0xffff  }
0x14a: {  	v4 =	vor.u32 v56, v0;
	_ =	sdelay $0x3  }
0x14b: {  	[tilespmem:v3+s20+$0x0] =	vst.idx.msk $0xffff, v2  }
0x14c: {  	v3 =	vor.u32 v57, v1;
	v2 =	vld.idx.msk [tilespmem:v4+s17+$0x0], $0xffff  }
0x14d: {  	v4 =	vor.u32 v58, v0;
	_ =	sdelay $0x3  }
0x14e: {  	[tilespmem:v3+s20+$0x0] =	vst.idx.msk $0xffff, v2  }
0x14f: {  	v3 =	vor.u32 v59, v1;
	v2 =	vld.idx.msk [tilespmem:v4+s17+$0x0], $0xffff  }
0x150: {  	v4 =	vor.u32 v60, v0;
	_ =	sdelay $0x3  }
0x151: {  	[tilespmem:v3+s20+$0x0] =	vst.idx.msk $0xffff, v2  }
0x152: {  	v3 =	vor.u32 v61, v1;
	v2 =	vld.idx.msk [tilespmem:v4+s17+$0x0], $0xffff  }
0x153: {  	v0 =	vor.u32 v62, v0;
	_ =	sdelay $0x3  }
0x154: {  	[tilespmem:v3+s20+$0x0] =	vst.idx.msk $0xffff, v2  }
0x155: {  	v1 =	vor.u32 v63, v1;
	v0 =	vld.idx.msk [tilespmem:v0+s17+$0x0], $0xffff;
	_ =	sdelay $0x4  }
0x156: {  	[tilespmem:v1+s20+$0x0] =	vst.idx.msk $0xffff, v0;
	v1 =	vld [tilespmem:$0x1FFF0]  }
0x157: {  	s0 =	simm.s32 $0x0  }
0x158: {  	v4 =	vlaneseq.u32;
	[hbm4b:s6+s13] =	stream.strided.scatter [tilespmem:s20], [sflag:$0x3], $0x2000, s14, s13, $0x38;
	[tilespmem:$0x12400] =	vst v63  }
0x159: {  	v0 =	vadd.s32 s0, v4  }
0x15a: {  	v2 =	vand.u32 $0xF, v0;
	[tilespmem:s17], [sflag:$0x1] =	stream.indirect.gather [hbm4b:s5+s16], $0x80, s21, s16, $0xb8;
	[tilespmem:$0x12400] =	vst v63  }
0x15b: {  	_ =	swait.ge [sflag:s22], $0x4000;
	v3 =	vor.u32 v1, v2  }
0x15c: {  	v5 =	vld [tilespmem:$0x1FE00];
	_ =	sdelay $0x1  }
0x15d: {  	[sflag:s22] =	ssyncset.done $0x0  }
0x15e: {  	v1 =	vshll.u32 v2, $0x7;
	[sflag:s22] =	ssyncadd.s32 $0xFFFFC000  }
0x15f: {  	v4 =	vor.u32 v4, v1;
	v3 =	vld.idx.msk [tilespmem:v3+s18+$0x0], $0xffff  }
0x160: {  	v5 =	vor.u32 v5, v2;
	_ =	sdelay $0x3  }
0x161: {  	[tilespmem:v4+s23+$0x0] =	vst.idx.msk $0xffff, v3;
	v4 =	vld [tilespmem:$0x1FE10]  }
0x162: {  	v3 =	vld.idx.msk [tilespmem:v5+s18+$0x0], $0xffff  }
0x163: {  	v5 =	vld [tilespmem:$0x1FE20];
	_ =	sdelay $0x3  }
0x164: {  	v4 =	vor.u32 v4, v1  }
0x165: {  	v5 =	vor.u32 v5, v2;
	_ =	sdelay $0x3  }
0x166: {  	[tilespmem:v4+s23+$0x0] =	vst.idx.msk $0xffff, v3;
	v4 =	vld [tilespmem:$0x1FE30]  }
0x167: {  	v3 =	vld.idx.msk [tilespmem:v5+s18+$0x0], $0xffff  }
0x168: {  	v5 =	vld [tilespmem:$0x1FE40];
	_ =	sdelay $0x3  }
0x169: {  	v4 =	vor.u32 v4, v1  }
0x16a: {  	v5 =	vor.u32 v5, v2;
	_ =	sdelay $0x3  }
0x16b: {  	[tilespmem:v4+s23+$0x0] =	vst.idx.msk $0xffff, v3;
	v4 =	vld [tilespmem:$0x1FE50]  }
0x16c: {  	v3 =	vld.idx.msk [tilespmem:v5+s18+$0x0], $0xffff  }
0x16d: {  	v5 =	vld [tilespmem:$0x1FF20];
	_ =	sdelay $0x3  }
0x16e: {  	v4 =	vor.u32 v4, v1  }
0x16f: {  	v5 =	vor.u32 v5, v2;
	_ =	sdelay $0x3  }
0x170: {  	[tilespmem:v4+s23+$0x0] =	vst.idx.msk $0xffff, v3;
	v4 =	vld [tilespmem:$0x1FE60]  }
0x171: {  	v3 =	vld.idx.msk [tilespmem:v5+s18+$0x0], $0xffff  }
0x172: {  	v5 =	vld [tilespmem:$0x1FF30];
	_ =	sdelay $0x3  }
0x173: {  	v4 =	vor.u32 v4, v1  }
0x174: {  	v5 =	vor.u32 v5, v2;
	_ =	sdelay $0x3  }
0x175: {  	[tilespmem:v4+s23+$0x0] =	vst.idx.msk $0xffff, v3;
	v4 =	vld [tilespmem:$0x1FE70]  }
0x176: {  	v3 =	vld.idx.msk [tilespmem:v5+s18+$0x0], $0xffff  }
0x177: {  	v5 =	vld [tilespmem:$0x1FF40];
	_ =	sdelay $0x3  }
0x178: {  	v4 =	vor.u32 v4, v1  }
0x179: {  	v5 =	vor.u32 v5, v2;
	_ =	sdelay $0x3  }
0x17a: {  	[tilespmem:v4+s23+$0x0] =	vst.idx.msk $0xffff, v3;
	v4 =	vld [tilespmem:$0x1FE80]  }
0x17b: {  	v3 =	vld.idx.msk [tilespmem:v5+s18+$0x0], $0xffff  }
0x17c: {  	v5 =	vld [tilespmem:$0x1FF50];
	_ =	sdelay $0x3  }
0x17d: {  	v4 =	vor.u32 v4, v1  }
0x17e: {  	v5 =	vor.u32 v5, v2;
	_ =	sdelay $0x3  }
0x17f: {  	[tilespmem:v4+s23+$0x0] =	vst.idx.msk $0xffff, v3;
	v4 =	vld [tilespmem:$0x1FE90]  }
0x180: {  	v3 =	vld.idx.msk [tilespmem:v5+s18+$0x0], $0xffff  }
0x181: {  	v5 =	vld [tilespmem:$0x1FF60];
	_ =	sdelay $0x3  }
0x182: {  	v4 =	vor.u32 v4, v1  }
0x183: {  	v5 =	vor.u32 v5, v0;
	_ =	sdelay $0x3  }
0x184: {  	[tilespmem:v4+s23+$0x0] =	vst.idx.msk $0xffff, v3;
	v4 =	vld [tilespmem:$0x1FEA0]  }
0x185: {  	v3 =	vld.idx.msk [tilespmem:v5+s18+$0x0], $0xffff  }
0x186: {  	v5 =	vld [tilespmem:$0x1FF70];
	_ =	sdelay $0x3  }
0x187: {  	v4 =	vor.u32 v4, v1  }
0x188: {  	v5 =	vor.u32 v5, v0;
	_ =	sdelay $0x3  }
0x189: {  	[tilespmem:v4+s23+$0x0] =	vst.idx.msk $0xffff, v3;
	v4 =	vld [tilespmem:$0x1FEB0]  }
0x18a: {  	v3 =	vld.idx.msk [tilespmem:v5+s18+$0x0], $0xffff  }
0x18b: {  	v5 =	vld [tilespmem:$0x1FF80];
	_ =	sdelay $0x3  }
0x18c: {  	v4 =	vor.u32 v4, v1  }
0x18d: {  	v5 =	vor.u32 v5, v0;
	_ =	sdelay $0x3  }
0x18e: {  	[tilespmem:v4+s23+$0x0] =	vst.idx.msk $0xffff, v3;
	v4 =	vld [tilespmem:$0x1FEC0]  }
0x18f: {  	v3 =	vld.idx.msk [tilespmem:v5+s18+$0x0], $0xffff  }
0x190: {  	v5 =	vld [tilespmem:$0x1FF90];
	_ =	sdelay $0x3  }
0x191: {  	v4 =	vor.u32 v4, v1  }
0x192: {  	v5 =	vor.u32 v5, v0;
	_ =	sdelay $0x3  }
0x193: {  	[tilespmem:v4+s23+$0x0] =	vst.idx.msk $0xffff, v3;
	v4 =	vld [tilespmem:$0x1FED0]  }
0x194: {  	v3 =	vld.idx.msk [tilespmem:v5+s18+$0x0], $0xffff  }
0x195: {  	v5 =	vld [tilespmem:$0x1FFA0];
	_ =	sdelay $0x3  }
0x196: {  	v4 =	vor.u32 v4, v1  }
0x197: {  	v5 =	vor.u32 v5, v0;
	_ =	sdelay $0x3  }
0x198: {  	[tilespmem:v4+s23+$0x0] =	vst.idx.msk $0xffff, v3;
	v4 =	vld [tilespmem:$0x1FEE0]  }
0x199: {  	v3 =	vld.idx.msk [tilespmem:v5+s18+$0x0], $0xffff  }
0x19a: {  	v5 =	vld [tilespmem:$0x1FFB0];
	_ =	sdelay $0x3  }
0x19b: {  	v4 =	vor.u32 v4, v1  }
0x19c: {  	v5 =	vor.u32 v5, v0;
	_ =	sdelay $0x3  }
0x19d: {  	[tilespmem:v4+s23+$0x0] =	vst.idx.msk $0xffff, v3;
	v4 =	vld [tilespmem:$0x1FEF0]  }
0x19e: {  	v3 =	vld.idx.msk [tilespmem:v5+s18+$0x0], $0xffff  }
0x19f: {  	v5 =	vld [tilespmem:$0x1FFC0];
	_ =	sdelay $0x3  }
0x1a0: {  	v4 =	vor.u32 v4, v1  }
0x1a1: {  	v5 =	vor.u32 v5, v0;
	_ =	sdelay $0x3  }
0x1a2: {  	[tilespmem:v4+s23+$0x0] =	vst.idx.msk $0xffff, v3;
	v4 =	vld [tilespmem:$0x1FF00]  }
0x1a3: {  	v3 =	vld.idx.msk [tilespmem:v5+s18+$0x0], $0xffff  }
0x1a4: {  	v5 =	vld [tilespmem:$0x1FFD0];
	_ =	sdelay $0x3  }
0x1a5: {  	v4 =	vor.u32 v4, v1  }
0x1a6: {  	v5 =	vor.u32 v5, v0;
	_ =	sdelay $0x3  }
0x1a7: {  	[tilespmem:v4+s23+$0x0] =	vst.idx.msk $0xffff, v3;
	v4 =	vld [tilespmem:$0x1FF10]  }
0x1a8: {  	v3 =	vld.idx.msk [tilespmem:v5+s18+$0x0], $0xffff  }
0x1a9: {  	v5 =	vld [tilespmem:$0x1FFE0];
	_ =	sdelay $0x3  }
0x1aa: {  	v4 =	vor.u32 v4, v1  }
0x1ab: {  	v5 =	vor.u32 v5, v2;
	_ =	sdelay $0x3  }
0x1ac: {  	[tilespmem:v4+s23+$0x0] =	vst.idx.msk $0xffff, v3  }
0x1ad: {  	v4 =	vor.u32 v13, v1;
	v3 =	vld.idx.msk [tilespmem:v5+s18+$0x0], $0xffff  }
0x1ae: {  	v5 =	vor.u32 v34, v2;
	_ =	sdelay $0x3  }
0x1af: {  	[tilespmem:v4+s23+$0x0] =	vst.idx.msk $0xffff, v3  }
0x1b0: {  	v4 =	vor.u32 v35, v1;
	v3 =	vld.idx.msk [tilespmem:v5+s18+$0x0], $0xffff  }
0x1b1: {  	v5 =	vor.u32 v36, v2;
	_ =	sdelay $0x3  }
0x1b2: {  	[tilespmem:v4+s23+$0x0] =	vst.idx.msk $0xffff, v3  }
0x1b3: {  	v4 =	vor.u32 v37, v1;
	v3 =	vld.idx.msk [tilespmem:v5+s18+$0x0], $0xffff  }
0x1b4: {  	v5 =	vor.u32 v38, v2;
	_ =	sdelay $0x3  }
0x1b5: {  	[tilespmem:v4+s23+$0x0] =	vst.idx.msk $0xffff, v3  }
0x1b6: {  	v4 =	vor.u32 v39, v1;
	v3 =	vld.idx.msk [tilespmem:v5+s18+$0x0], $0xffff  }
0x1b7: {  	v5 =	vor.u32 v40, v2;
	_ =	sdelay $0x3  }
0x1b8: {  	[tilespmem:v4+s23+$0x0] =	vst.idx.msk $0xffff, v3  }
0x1b9: {  	v4 =	vor.u32 v41, v1;
	v3 =	vld.idx.msk [tilespmem:v5+s18+$0x0], $0xffff  }
0x1ba: {  	v5 =	vor.u32 v42, v2;
	_ =	sdelay $0x3  }
0x1bb: {  	[tilespmem:v4+s23+$0x0] =	vst.idx.msk $0xffff, v3  }
0x1bc: {  	v4 =	vor.u32 v43, v1;
	v3 =	vld.idx.msk [tilespmem:v5+s18+$0x0], $0xffff  }
0x1bd: {  	v5 =	vor.u32 v44, v2;
	_ =	sdelay $0x3  }
0x1be: {  	[tilespmem:v4+s23+$0x0] =	vst.idx.msk $0xffff, v3  }
0x1bf: {  	v4 =	vor.u32 v45, v1;
	v3 =	vld.idx.msk [tilespmem:v5+s18+$0x0], $0xffff  }
0x1c0: {  	v2 =	vor.u32 v46, v2;
	_ =	sdelay $0x3  }
0x1c1: {  	[tilespmem:v4+s23+$0x0] =	vst.idx.msk $0xffff, v3  }
0x1c2: {  	v3 =	vor.u32 v47, v1;
	v2 =	vld.idx.msk [tilespmem:v2+s18+$0x0], $0xffff  }
0x1c3: {  	v4 =	vor.u32 v48, v0;
	_ =	sdelay $0x3  }
0x1c4: {  	[tilespmem:v3+s23+$0x0] =	vst.idx.msk $0xffff, v2  }
0x1c5: {  	v3 =	vor.u32 v49, v1;
	v2 =	vld.idx.msk [tilespmem:v4+s18+$0x0], $0xffff  }
0x1c6: {  	v4 =	vor.u32 v50, v0;
	_ =	sdelay $0x3  }
0x1c7: {  	[tilespmem:v3+s23+$0x0] =	vst.idx.msk $0xffff, v2  }
0x1c8: {  	v3 =	vor.u32 v51, v1;
	v2 =	vld.idx.msk [tilespmem:v4+s18+$0x0], $0xffff  }
0x1c9: {  	v4 =	vor.u32 v52, v0;
	_ =	sdelay $0x3  }
0x1ca: {  	[tilespmem:v3+s23+$0x0] =	vst.idx.msk $0xffff, v2  }
0x1cb: {  	v3 =	vor.u32 v53, v1;
	v2 =	vld.idx.msk [tilespmem:v4+s18+$0x0], $0xffff  }
0x1cc: {  	v4 =	vor.u32 v54, v0;
	_ =	sdelay $0x3  }
0x1cd: {  	[tilespmem:v3+s23+$0x0] =	vst.idx.msk $0xffff, v2  }
0x1ce: {  	v3 =	vor.u32 v55, v1;
	v2 =	vld.idx.msk [tilespmem:v4+s18+$0x0], $0xffff  }
0x1cf: {  	v4 =	vor.u32 v56, v0;
	_ =	sdelay $0x3  }
0x1d0: {  	[tilespmem:v3+s23+$0x0] =	vst.idx.msk $0xffff, v2  }
0x1d1: {  	v3 =	vor.u32 v57, v1;
	v2 =	vld.idx.msk [tilespmem:v4+s18+$0x0], $0xffff  }
0x1d2: {  	v4 =	vor.u32 v58, v0;
	_ =	sdelay $0x3  }
0x1d3: {  	[tilespmem:v3+s23+$0x0] =	vst.idx.msk $0xffff, v2  }
0x1d4: {  	v3 =	vor.u32 v59, v1;
	v2 =	vld.idx.msk [tilespmem:v4+s18+$0x0], $0xffff  }
0x1d5: {  	v4 =	vor.u32 v60, v0;
	_ =	sdelay $0x3  }
0x1d6: {  	[tilespmem:v3+s23+$0x0] =	vst.idx.msk $0xffff, v2  }
0x1d7: {  	v3 =	vor.u32 v61, v1;
	v2 =	vld.idx.msk [tilespmem:v4+s18+$0x0], $0xffff  }
0x1d8: {  	v4 =	vor.u32 v62, v0;
	_ =	sdelay $0x3  }
0x1d9: {  	s31 =	simm.s32 $0x1;
	v0 =	vlaneseq.u32;
	[tilespmem:v3+s23+$0x0] =	vst.idx.msk $0xffff, v2  }
0x1da: {  	s29 =	simm.s32 $0x2;
	v0 =	vadd.s32 s31, v0;
	v3 =	vld.idx.msk [tilespmem:v4+s18+$0x0], $0xffff  }
.LBB2_4:
0x1db: {  	v2 =	vand.u32 $0xF, v0;
	v1 =	vor.u32 v63, v1  }
0x1dc: {  	v4 =	vor.u32 v7, v2;
	_ =	sdelay $0x2  }
0x1dd: {  	v5 =	vld [tilespmem:$0x1FE00]  }
0x1de: {  	v6 =	vlaneseq.u32;
	[tilespmem:v1+s23+$0x0] =	vst.idx.msk $0xffff, v3;
	v1 =	vshll.u32 v2, $0x7  }
0x1df: {  	v3 =	vld.idx.msk [tilespmem:v4+s18+$0x0], $0xffff;
	v4 =	vor.u32 v6, v1;
	_ =	sdelay $0x2  }
0x1e0: {  	v5 =	vor.u32 v5, v2;
	_ =	sdelay $0x1  }
0x1e1: {  	[tilespmem:v4+s23+$0x0] =	vst.idx.msk $0xffff, v3;
	v4 =	vld [tilespmem:$0x1FE10];
	_ =	sdelay $0x2  }
0x1e2: {  	v3 =	vld.idx.msk [tilespmem:v5+s18+$0x0], $0xffff  }
0x1e3: {  	v5 =	vld [tilespmem:$0x1FE20]  }
0x1e4: {  	v4 =	vor.u32 v4, v1;
	_ =	sdelay $0x3  }
0x1e5: {  	v5 =	vor.u32 v5, v2  }
0x1e6: {  	[tilespmem:v4+s23+$0x0] =	vst.idx.msk $0xffff, v3;
	v4 =	vld [tilespmem:$0x1FE30];
	_ =	sdelay $0x3  }
0x1e7: {  	v3 =	vld.idx.msk [tilespmem:v5+s18+$0x0], $0xffff  }
0x1e8: {  	v5 =	vld [tilespmem:$0x1FE40];
	v4 =	vor.u32 v4, v1;
	_ =	sdelay $0x4  }
0x1e9: {  	v5 =	vor.u32 v5, v2;
	[tilespmem:v4+s23+$0x0] =	vst.idx.msk $0xffff, v3;
	v4 =	vld [tilespmem:$0x1FE50];
	_ =	sdelay $0x4  }
0x1ea: {  	v3 =	vld.idx.msk [tilespmem:v5+s18+$0x0], $0xffff;
	v4 =	vor.u32 v4, v1  }
0x1eb: {  	v5 =	vor.u32 v14, v2;
	_ =	sdelay $0x3  }
0x1ec: {  	[tilespmem:v4+s23+$0x0] =	vst.idx.msk $0xffff, v3  }
0x1ed: {  	v4 =	vor.u32 v15, v1;
	v3 =	vld.idx.msk [tilespmem:v5+s18+$0x0], $0xffff  }
0x1ee: {  	v5 =	vor.u32 v16, v2;
	_ =	sdelay $0x3  }
0x1ef: {  	[tilespmem:v4+s23+$0x0] =	vst.idx.msk $0xffff, v3  }
0x1f0: {  	v4 =	vor.u32 v17, v1;
	v3 =	vld.idx.msk [tilespmem:v5+s18+$0x0], $0xffff  }
0x1f1: {  	v5 =	vor.u32 v18, v2;
	_ =	sdelay $0x3  }
0x1f2: {  	[tilespmem:v4+s23+$0x0] =	vst.idx.msk $0xffff, v3  }
0x1f3: {  	v4 =	vor.u32 v19, v1;
	v3 =	vld.idx.msk [tilespmem:v5+s18+$0x0], $0xffff  }
0x1f4: {  	v5 =	vor.u32 v20, v2;
	_ =	sdelay $0x3  }
0x1f5: {  	[tilespmem:v4+s23+$0x0] =	vst.idx.msk $0xffff, v3  }
0x1f6: {  	v4 =	vor.u32 v21, v1;
	v3 =	vld.idx.msk [tilespmem:v5+s18+$0x0], $0xffff  }
0x1f7: {  	v5 =	vor.u32 v22, v0;
	_ =	sdelay $0x3  }
0x1f8: {  	[tilespmem:v4+s23+$0x0] =	vst.idx.msk $0xffff, v3  }
0x1f9: {  	v4 =	vor.u32 v23, v1;
	v3 =	vld.idx.msk [tilespmem:v5+s18+$0x0], $0xffff  }
0x1fa: {  	v5 =	vor.u32 v24, v0;
	_ =	sdelay $0x3  }
0x1fb: {  	[tilespmem:v4+s23+$0x0] =	vst.idx.msk $0xffff, v3  }
0x1fc: {  	v4 =	vor.u32 v25, v1;
	v3 =	vld.idx.msk [tilespmem:v5+s18+$0x0], $0xffff  }
0x1fd: {  	v5 =	vor.u32 v26, v0;
	_ =	sdelay $0x3  }
0x1fe: {  	[tilespmem:v4+s23+$0x0] =	vst.idx.msk $0xffff, v3  }
0x1ff: {  	v4 =	vor.u32 v27, v1;
	v3 =	vld.idx.msk [tilespmem:v5+s18+$0x0], $0xffff  }
0x200: {  	v5 =	vor.u32 v28, v0;
	_ =	sdelay $0x3  }
0x201: {  	[tilespmem:v4+s23+$0x0] =	vst.idx.msk $0xffff, v3  }
0x202: {  	v4 =	vor.u32 v29, v1;
	v3 =	vld.idx.msk [tilespmem:v5+s18+$0x0], $0xffff  }
0x203: {  	v5 =	vor.u32 v30, v0;
	_ =	sdelay $0x3  }
0x204: {  	[tilespmem:v4+s23+$0x0] =	vst.idx.msk $0xffff, v3  }
0x205: {  	v4 =	vor.u32 v8, v1;
	v3 =	vld.idx.msk [tilespmem:v5+s18+$0x0], $0xffff  }
0x206: {  	v5 =	vor.u32 v9, v0;
	_ =	sdelay $0x3  }
0x207: {  	[tilespmem:v4+s23+$0x0] =	vst.idx.msk $0xffff, v3  }
0x208: {  	v4 =	vor.u32 v31, v1;
	v3 =	vld.idx.msk [tilespmem:v5+s18+$0x0], $0xffff  }
0x209: {  	v5 =	vor.u32 v10, v0;
	_ =	sdelay $0x3  }
0x20a: {  	[tilespmem:v4+s23+$0x0] =	vst.idx.msk $0xffff, v3  }
0x20b: {  	v4 =	vor.u32 v32, v1;
	v3 =	vld.idx.msk [tilespmem:v5+s18+$0x0], $0xffff  }
0x20c: {  	v5 =	vor.u32 v11, v0;
	_ =	sdelay $0x3  }
0x20d: {  	[tilespmem:v4+s23+$0x0] =	vst.idx.msk $0xffff, v3  }
0x20e: {  	v4 =	vor.u32 v33, v1;
	v3 =	vld.idx.msk [tilespmem:v5+s18+$0x0], $0xffff  }
0x20f: {  	v5 =	vor.u32 v12, v2;
	_ =	sdelay $0x3  }
0x210: {  	[tilespmem:v4+s23+$0x0] =	vst.idx.msk $0xffff, v3  }
0x211: {  	v4 =	vor.u32 v13, v1;
	v3 =	vld.idx.msk [tilespmem:v5+s18+$0x0], $0xffff  }
0x212: {  	v5 =	vor.u32 v34, v2;
	_ =	sdelay $0x3  }
0x213: {  	[tilespmem:v4+s23+$0x0] =	vst.idx.msk $0xffff, v3  }
0x214: {  	v4 =	vor.u32 v35, v1;
	v3 =	vld.idx.msk [tilespmem:v5+s18+$0x0], $0xffff  }
0x215: {  	v5 =	vor.u32 v36, v2;
	_ =	sdelay $0x3  }
0x216: {  	[tilespmem:v4+s23+$0x0] =	vst.idx.msk $0xffff, v3  }
0x217: {  	v4 =	vor.u32 v37, v1;
	v3 =	vld.idx.msk [tilespmem:v5+s18+$0x0], $0xffff  }
0x218: {  	v5 =	vor.u32 v38, v2;
	_ =	sdelay $0x3  }
0x219: {  	[tilespmem:v4+s23+$0x0] =	vst.idx.msk $0xffff, v3  }
0x21a: {  	v4 =	vor.u32 v39, v1;
	v3 =	vld.idx.msk [tilespmem:v5+s18+$0x0], $0xffff  }
0x21b: {  	v5 =	vor.u32 v40, v2;
	_ =	sdelay $0x3  }
0x21c: {  	[tilespmem:v4+s23+$0x0] =	vst.idx.msk $0xffff, v3  }
0x21d: {  	v4 =	vor.u32 v41, v1;
	v3 =	vld.idx.msk [tilespmem:v5+s18+$0x0], $0xffff  }
0x21e: {  	v5 =	vor.u32 v42, v2;
	_ =	sdelay $0x3  }
0x21f: {  	[tilespmem:v4+s23+$0x0] =	vst.idx.msk $0xffff, v3  }
0x220: {  	v4 =	vor.u32 v43, v1;
	v3 =	vld.idx.msk [tilespmem:v5+s18+$0x0], $0xffff  }
0x221: {  	v5 =	vor.u32 v44, v2;
	_ =	sdelay $0x3  }
0x222: {  	[tilespmem:v4+s23+$0x0] =	vst.idx.msk $0xffff, v3  }
0x223: {  	v4 =	vor.u32 v45, v1;
	v3 =	vld.idx.msk [tilespmem:v5+s18+$0x0], $0xffff  }
0x224: {  	v2 =	vor.u32 v46, v2;
	_ =	sdelay $0x3  }
0x225: {  	[tilespmem:v4+s23+$0x0] =	vst.idx.msk $0xffff, v3  }
0x226: {  	v3 =	vor.u32 v47, v1;
	v2 =	vld.idx.msk [tilespmem:v2+s18+$0x0], $0xffff  }
0x227: {  	v4 =	vor.u32 v48, v0;
	_ =	sdelay $0x3  }
0x228: {  	[tilespmem:v3+s23+$0x0] =	vst.idx.msk $0xffff, v2  }
0x229: {  	v3 =	vor.u32 v49, v1;
	v2 =	vld.idx.msk [tilespmem:v4+s18+$0x0], $0xffff  }
0x22a: {  	v4 =	vor.u32 v50, v0;
	_ =	sdelay $0x3  }
0x22b: {  	[tilespmem:v3+s23+$0x0] =	vst.idx.msk $0xffff, v2  }
0x22c: {  	v3 =	vor.u32 v51, v1;
	v2 =	vld.idx.msk [tilespmem:v4+s18+$0x0], $0xffff  }
0x22d: {  	v4 =	vor.u32 v52, v0;
	_ =	sdelay $0x3  }
0x22e: {  	[tilespmem:v3+s23+$0x0] =	vst.idx.msk $0xffff, v2  }
0x22f: {  	v3 =	vor.u32 v53, v1;
	v2 =	vld.idx.msk [tilespmem:v4+s18+$0x0], $0xffff  }
0x230: {  	v4 =	vor.u32 v54, v0;
	_ =	sdelay $0x3  }
0x231: {  	[tilespmem:v3+s23+$0x0] =	vst.idx.msk $0xffff, v2  }
0x232: {  	v3 =	vor.u32 v55, v1;
	v2 =	vld.idx.msk [tilespmem:v4+s18+$0x0], $0xffff  }
0x233: {  	v4 =	vor.u32 v56, v0;
	_ =	sdelay $0x3  }
0x234: {  	[tilespmem:v3+s23+$0x0] =	vst.idx.msk $0xffff, v2  }
0x235: {  	v3 =	vor.u32 v57, v1;
	v2 =	vld.idx.msk [tilespmem:v4+s18+$0x0], $0xffff  }
0x236: {  	v4 =	vor.u32 v58, v0;
	_ =	sdelay $0x3  }
0x237: {  	[tilespmem:v3+s23+$0x0] =	vst.idx.msk $0xffff, v2  }
0x238: {  	v3 =	vor.u32 v59, v1;
	v2 =	vld.idx.msk [tilespmem:v4+s18+$0x0], $0xffff  }
0x239: {  	v4 =	vor.u32 v60, v0;
	_ =	sdelay $0x3  }
0x23a: {  	[tilespmem:v3+s23+$0x0] =	vst.idx.msk $0xffff, v2  }
0x23b: {  	v3 =	vor.u32 v61, v1;
	v2 =	vld.idx.msk [tilespmem:v4+s18+$0x0], $0xffff  }
0x23c: {  	p0 =	sne.s32 s29, $0xF;
	v4 =	vor.u32 v62, v0  }
.Ltmp1:
0x23d: {  	_ = 	snop;
	(pc) =	sbr.rel @p0 .LBB2_4-.Ltmp1, $3  }
0x23e: {  	_ =	sdelay $0x1  }
0x23f: {  	[tilespmem:v3+s23+$0x0] =	vst.idx.msk $0xffff, v2  }
0x240: {  	v0 =	vadd.s32 s29, v6;
	s29 =	sadd.s32 $0x1, s29;
	v3 =	vld.idx.msk [tilespmem:v4+s18+$0x0], $0xffff  }
0x241: {  	v2 =	vand.u32 $0xF, v0;
	v1 =	vor.u32 v63, v1  }
0x242: {  	v4 =	vor.u32 v7, v2;
	_ =	sdelay $0x3  }
0x243: {  	[tilespmem:v1+s23+$0x0] =	vst.idx.msk $0xffff, v3  }
0x244: {  	v1 =	vshll.u32 v2, $0x7;
	v6 =	vld.idx.msk [tilespmem:v4+s18+$0x0], $0xffff;
	v4 =	vlaneseq.u32  }
0x245: {  	v3 =	vld [tilespmem:$0x1FE00];
	v4 =	vor.u32 v4, v1;
	_ =	sdelay $0x4  }
0x246: {  	v5 =	vor.u32 v3, v2;
	[tilespmem:v4+s23+$0x0] =	vst.idx.msk $0xffff, v6;
	v4 =	vld [tilespmem:$0x1FE10];
	_ =	sdelay $0x4  }
0x247: {  	v3 =	vld.idx.msk [tilespmem:v5+s18+$0x0], $0xffff;
	v4 =	vor.u32 v4, v1;
	_ =	sdelay $0x3  }
0x248: {  	v5 =	vld [tilespmem:$0x1FE20]  }
0x249: {  	[tilespmem:v4+s23+$0x0] =	vst.idx.msk $0xffff, v3;
	v3 =	vld [tilespmem:$0x1FE30];
	_ =	sdelay $0x3  }
0x24a: {  	v5 =	vor.u32 v5, v2  }
0x24b: {  	v4 =	vor.u32 v3, v1;
	v3 =	vld [tilespmem:$0x1FE40];
	_ =	sdelay $0x3  }
0x24c: {  	v6 =	vld.idx.msk [tilespmem:v5+s18+$0x0], $0xffff  }
0x24d: {  	v5 =	vor.u32 v3, v2;
	v3 =	vld [tilespmem:$0x1FE50];
	_ =	sdelay $0x3  }
0x24e: {  	[tilespmem:v4+s23+$0x0] =	vst.idx.msk $0xffff, v6  }
0x24f: {  	v6 =	vld.idx.msk [tilespmem:v5+s18+$0x0], $0xffff;
	v4 =	vor.u32 v3, v1  }
0x250: {  	v5 =	vor.u32 v14, v2;
	_ =	sdelay $0x3  }
0x251: {  	[tilespmem:v4+s23+$0x0] =	vst.idx.msk $0xffff, v6  }
0x252: {  	v4 =	vor.u32 v15, v1;
	v6 =	vld.idx.msk [tilespmem:v5+s18+$0x0], $0xffff  }
0x253: {  	v5 =	vor.u32 v16, v2;
	_ =	sdelay $0x3  }
0x254: {  	[tilespmem:v4+s23+$0x0] =	vst.idx.msk $0xffff, v6  }
0x255: {  	v4 =	vor.u32 v17, v1;
	v6 =	vld.idx.msk [tilespmem:v5+s18+$0x0], $0xffff  }
0x256: {  	v5 =	vor.u32 v18, v2;
	_ =	sdelay $0x3  }
0x257: {  	[tilespmem:v4+s23+$0x0] =	vst.idx.msk $0xffff, v6  }
0x258: {  	v4 =	vor.u32 v19, v1;
	v6 =	vld.idx.msk [tilespmem:v5+s18+$0x0], $0xffff  }
0x259: {  	v5 =	vor.u32 v20, v2;
	_ =	sdelay $0x3  }
0x25a: {  	[tilespmem:v4+s23+$0x0] =	vst.idx.msk $0xffff, v6  }
0x25b: {  	v4 =	vor.u32 v21, v1;
	v6 =	vld.idx.msk [tilespmem:v5+s18+$0x0], $0xffff  }
0x25c: {  	v5 =	vor.u32 v22, v0;
	_ =	sdelay $0x3  }
0x25d: {  	[tilespmem:v4+s23+$0x0] =	vst.idx.msk $0xffff, v6  }
0x25e: {  	v4 =	vor.u32 v23, v1;
	v6 =	vld.idx.msk [tilespmem:v5+s18+$0x0], $0xffff  }
0x25f: {  	v5 =	vor.u32 v24, v0;
	_ =	sdelay $0x3  }
0x260: {  	[tilespmem:v4+s23+$0x0] =	vst.idx.msk $0xffff, v6  }
0x261: {  	v4 =	vor.u32 v25, v1;
	v6 =	vld.idx.msk [tilespmem:v5+s18+$0x0], $0xffff  }
0x262: {  	v5 =	vor.u32 v26, v0;
	_ =	sdelay $0x3  }
0x263: {  	[tilespmem:v4+s23+$0x0] =	vst.idx.msk $0xffff, v6  }
0x264: {  	v4 =	vor.u32 v27, v1;
	v6 =	vld.idx.msk [tilespmem:v5+s18+$0x0], $0xffff  }
0x265: {  	v5 =	vor.u32 v28, v0;
	_ =	sdelay $0x3  }
0x266: {  	[tilespmem:v4+s23+$0x0] =	vst.idx.msk $0xffff, v6  }
0x267: {  	v4 =	vor.u32 v29, v1;
	v6 =	vld.idx.msk [tilespmem:v5+s18+$0x0], $0xffff  }
0x268: {  	v5 =	vor.u32 v30, v0;
	_ =	sdelay $0x3  }
0x269: {  	[tilespmem:v4+s23+$0x0] =	vst.idx.msk $0xffff, v6  }
0x26a: {  	v4 =	vor.u32 v8, v1;
	v6 =	vld.idx.msk [tilespmem:v5+s18+$0x0], $0xffff  }
0x26b: {  	v5 =	vor.u32 v9, v0;
	_ =	sdelay $0x3  }
0x26c: {  	[tilespmem:v4+s23+$0x0] =	vst.idx.msk $0xffff, v6  }
0x26d: {  	v4 =	vor.u32 v31, v1;
	v6 =	vld.idx.msk [tilespmem:v5+s18+$0x0], $0xffff  }
0x26e: {  	v5 =	vor.u32 v10, v0;
	_ =	sdelay $0x3  }
0x26f: {  	[tilespmem:v4+s23+$0x0] =	vst.idx.msk $0xffff, v6  }
0x270: {  	v4 =	vor.u32 v32, v1;
	v6 =	vld.idx.msk [tilespmem:v5+s18+$0x0], $0xffff  }
0x271: {  	v5 =	vor.u32 v11, v0;
	_ =	sdelay $0x3  }
0x272: {  	[tilespmem:v4+s23+$0x0] =	vst.idx.msk $0xffff, v6  }
0x273: {  	v4 =	vor.u32 v33, v1;
	v6 =	vld.idx.msk [tilespmem:v5+s18+$0x0], $0xffff  }
0x274: {  	v5 =	vor.u32 v12, v2;
	_ =	sdelay $0x3  }
0x275: {  	[tilespmem:v4+s23+$0x0] =	vst.idx.msk $0xffff, v6  }
0x276: {  	v4 =	vor.u32 v13, v1;
	v3 =	vld.idx.msk [tilespmem:v5+s18+$0x0], $0xffff  }
0x277: {  	v5 =	vor.u32 v34, v2;
	_ =	sdelay $0x3  }
0x278: {  	[tilespmem:v4+s23+$0x0] =	vst.idx.msk $0xffff, v3  }
0x279: {  	v4 =	vor.u32 v35, v1;
	v3 =	vld.idx.msk [tilespmem:v5+s18+$0x0], $0xffff  }
0x27a: {  	v5 =	vor.u32 v36, v2;
	_ =	sdelay $0x3  }
0x27b: {  	[tilespmem:v4+s23+$0x0] =	vst.idx.msk $0xffff, v3  }
0x27c: {  	v4 =	vor.u32 v37, v1;
	v3 =	vld.idx.msk [tilespmem:v5+s18+$0x0], $0xffff  }
0x27d: {  	v5 =	vor.u32 v38, v2;
	_ =	sdelay $0x3  }
0x27e: {  	[tilespmem:v4+s23+$0x0] =	vst.idx.msk $0xffff, v3  }
0x27f: {  	v4 =	vor.u32 v39, v1;
	v3 =	vld.idx.msk [tilespmem:v5+s18+$0x0], $0xffff  }
0x280: {  	v5 =	vor.u32 v40, v2;
	_ =	sdelay $0x3  }
0x281: {  	[tilespmem:v4+s23+$0x0] =	vst.idx.msk $0xffff, v3  }
0x282: {  	v4 =	vor.u32 v41, v1;
	v3 =	vld.idx.msk [tilespmem:v5+s18+$0x0], $0xffff  }
0x283: {  	v5 =	vor.u32 v42, v2;
	_ =	sdelay $0x3  }
0x284: {  	[tilespmem:v4+s23+$0x0] =	vst.idx.msk $0xffff, v3  }
0x285: {  	v4 =	vor.u32 v43, v1;
	v3 =	vld.idx.msk [tilespmem:v5+s18+$0x0], $0xffff  }
0x286: {  	v5 =	vor.u32 v44, v2;
	_ =	sdelay $0x3  }
0x287: {  	[tilespmem:v4+s23+$0x0] =	vst.idx.msk $0xffff, v3  }
0x288: {  	v4 =	vor.u32 v45, v1;
	v3 =	vld.idx.msk [tilespmem:v5+s18+$0x0], $0xffff  }
0x289: {  	v2 =	vor.u32 v46, v2;
	_ =	sdelay $0x3  }
0x28a: {  	[tilespmem:v4+s23+$0x0] =	vst.idx.msk $0xffff, v3  }
0x28b: {  	v3 =	vor.u32 v47, v1;
	v2 =	vld.idx.msk [tilespmem:v2+s18+$0x0], $0xffff  }
0x28c: {  	v4 =	vor.u32 v48, v0;
	_ =	sdelay $0x3  }
0x28d: {  	[tilespmem:v3+s23+$0x0] =	vst.idx.msk $0xffff, v2  }
0x28e: {  	v3 =	vor.u32 v49, v1;
	v2 =	vld.idx.msk [tilespmem:v4+s18+$0x0], $0xffff  }
0x28f: {  	v4 =	vor.u32 v50, v0;
	_ =	sdelay $0x3  }
0x290: {  	[tilespmem:v3+s23+$0x0] =	vst.idx.msk $0xffff, v2  }
0x291: {  	v3 =	vor.u32 v51, v1;
	v2 =	vld.idx.msk [tilespmem:v4+s18+$0x0], $0xffff  }
0x292: {  	v4 =	vor.u32 v52, v0;
	_ =	sdelay $0x3  }
0x293: {  	[tilespmem:v3+s23+$0x0] =	vst.idx.msk $0xffff, v2  }
0x294: {  	v3 =	vor.u32 v53, v1;
	v2 =	vld.idx.msk [tilespmem:v4+s18+$0x0], $0xffff  }
0x295: {  	v4 =	vor.u32 v54, v0;
	_ =	sdelay $0x3  }
0x296: {  	[tilespmem:v3+s23+$0x0] =	vst.idx.msk $0xffff, v2  }
0x297: {  	v3 =	vor.u32 v55, v1;
	v2 =	vld.idx.msk [tilespmem:v4+s18+$0x0], $0xffff  }
0x298: {  	v4 =	vor.u32 v56, v0;
	_ =	sdelay $0x3  }
0x299: {  	[tilespmem:v3+s23+$0x0] =	vst.idx.msk $0xffff, v2  }
0x29a: {  	v3 =	vor.u32 v57, v1;
	v2 =	vld.idx.msk [tilespmem:v4+s18+$0x0], $0xffff  }
0x29b: {  	v4 =	vor.u32 v58, v0;
	_ =	sdelay $0x3  }
0x29c: {  	[tilespmem:v3+s23+$0x0] =	vst.idx.msk $0xffff, v2  }
0x29d: {  	v3 =	vor.u32 v59, v1;
	v2 =	vld.idx.msk [tilespmem:v4+s18+$0x0], $0xffff  }
0x29e: {  	v4 =	vor.u32 v60, v0;
	_ =	sdelay $0x3  }
0x29f: {  	[tilespmem:v3+s23+$0x0] =	vst.idx.msk $0xffff, v2  }
0x2a0: {  	v3 =	vor.u32 v61, v1;
	v2 =	vld.idx.msk [tilespmem:v4+s18+$0x0], $0xffff  }
0x2a1: {  	v0 =	vor.u32 v62, v0;
	_ =	sdelay $0x3  }
0x2a2: {  	[tilespmem:v3+s23+$0x0] =	vst.idx.msk $0xffff, v2  }
0x2a3: {  	v1 =	vor.u32 v63, v1;
	v0 =	vld.idx.msk [tilespmem:v0+s18+$0x0], $0xffff;
	_ =	sdelay $0x4  }
0x2a4: {  	[tilespmem:v1+s23+$0x0] =	vst.idx.msk $0xffff, v0  }
0x2a5: {  	[hbm4b:s8+s13] =	stream.strided.scatter [tilespmem:s23], [sflag:$0x4], $0x2000, s14, s13, $0x38;
	[tilespmem:$0x12400] =	vst v63  }
0x2a6: {  	_ = 	snop  }
0x2a7: {  	[tilespmem:s18], [sflag:$0x2] =	stream.indirect.gather [hbm4b:s5+s16], $0x80, s24, s16, $0xb8;
	[tilespmem:$0x12400] =	vst v63  }
0x2a8: {  	_ =	swait.ge [sflag:s25], $0x2000  }
0x2a9: {  	v1 =	vld [tilespmem:$0x1FFF0];
	_ =	sdelay $0x1  }
0x2aa: {  	s0 =	simm.s32 $0x0;
	v4 =	vlaneseq.u32  }
0x2ab: {  	v0 =	vadd.s32 s0, v4;
	[sflag:s25] =	ssyncset.done $0x0  }
0x2ac: {  	v2 =	vand.u32 $0xF, v0;
	[sflag:s25] =	ssyncadd.s32 $0xFFFFE000  }
0x2ad: {  	_ =	swait.ge [sflag:s19], $0x4000;
	v3 =	vor.u32 v1, v2  }
0x2ae: {  	v5 =	vld [tilespmem:$0x1FE00];
	_ =	sdelay $0x1  }
0x2af: {  	[sflag:s19] =	ssyncset.done $0x0  }
0x2b0: {  	[sflag:s19] =	ssyncadd.s32 $0xFFFFC000;
	v1 =	vshll.u32 v2, $0x7  }
0x2b1: {  	v4 =	vor.u32 v4, v1;
	v3 =	vld.idx.msk [tilespmem:v3+s17+$0x0], $0xffff  }
0x2b2: {  	v5 =	vor.u32 v5, v2;
	_ =	sdelay $0x3  }
0x2b3: {  	[tilespmem:v4+s20+$0x0] =	vst.idx.msk $0xffff, v3;
	v4 =	vld [tilespmem:$0x1FE10]  }
0x2b4: {  	v3 =	vld.idx.msk [tilespmem:v5+s17+$0x0], $0xffff  }
0x2b5: {  	v5 =	vld [tilespmem:$0x1FE20];
	_ =	sdelay $0x3  }
0x2b6: {  	v4 =	vor.u32 v4, v1  }
0x2b7: {  	v5 =	vor.u32 v5, v2;
	_ =	sdelay $0x3  }
0x2b8: {  	[tilespmem:v4+s20+$0x0] =	vst.idx.msk $0xffff, v3;
	v4 =	vld [tilespmem:$0x1FE30]  }
0x2b9: {  	v3 =	vld.idx.msk [tilespmem:v5+s17+$0x0], $0xffff  }
0x2ba: {  	v5 =	vld [tilespmem:$0x1FE40];
	_ =	sdelay $0x3  }
0x2bb: {  	v4 =	vor.u32 v4, v1  }
0x2bc: {  	v5 =	vor.u32 v5, v2;
	_ =	sdelay $0x3  }
0x2bd: {  	[tilespmem:v4+s20+$0x0] =	vst.idx.msk $0xffff, v3;
	v4 =	vld [tilespmem:$0x1FE50]  }
0x2be: {  	v3 =	vld.idx.msk [tilespmem:v5+s17+$0x0], $0xffff  }
0x2bf: {  	v5 =	vld [tilespmem:$0x1FF20];
	_ =	sdelay $0x3  }
0x2c0: {  	v4 =	vor.u32 v4, v1  }
0x2c1: {  	v5 =	vor.u32 v5, v2;
	_ =	sdelay $0x3  }
0x2c2: {  	[tilespmem:v4+s20+$0x0] =	vst.idx.msk $0xffff, v3;
	v4 =	vld [tilespmem:$0x1FE60]  }
0x2c3: {  	v3 =	vld.idx.msk [tilespmem:v5+s17+$0x0], $0xffff  }
0x2c4: {  	v5 =	vld [tilespmem:$0x1FF30];
	_ =	sdelay $0x3  }
0x2c5: {  	v4 =	vor.u32 v4, v1  }
0x2c6: {  	v5 =	vor.u32 v5, v2;
	_ =	sdelay $0x3  }
0x2c7: {  	[tilespmem:v4+s20+$0x0] =	vst.idx.msk $0xffff, v3;
	v4 =	vld [tilespmem:$0x1FE70]  }
0x2c8: {  	v3 =	vld.idx.msk [tilespmem:v5+s17+$0x0], $0xffff  }
0x2c9: {  	v5 =	vld [tilespmem:$0x1FF40];
	_ =	sdelay $0x3  }
0x2ca: {  	v4 =	vor.u32 v4, v1  }
0x2cb: {  	v5 =	vor.u32 v5, v2;
	_ =	sdelay $0x3  }
0x2cc: {  	[tilespmem:v4+s20+$0x0] =	vst.idx.msk $0xffff, v3;
	v4 =	vld [tilespmem:$0x1FE80]  }
0x2cd: {  	v3 =	vld.idx.msk [tilespmem:v5+s17+$0x0], $0xffff  }
0x2ce: {  	v5 =	vld [tilespmem:$0x1FF50];
	_ =	sdelay $0x3  }
0x2cf: {  	v4 =	vor.u32 v4, v1  }
0x2d0: {  	v5 =	vor.u32 v5, v2;
	_ =	sdelay $0x3  }
0x2d1: {  	[tilespmem:v4+s20+$0x0] =	vst.idx.msk $0xffff, v3;
	v4 =	vld [tilespmem:$0x1FE90]  }
0x2d2: {  	v3 =	vld.idx.msk [tilespmem:v5+s17+$0x0], $0xffff  }
0x2d3: {  	v5 =	vld [tilespmem:$0x1FF60];
	_ =	sdelay $0x3  }
0x2d4: {  	v4 =	vor.u32 v4, v1  }
0x2d5: {  	v5 =	vor.u32 v5, v0;
	_ =	sdelay $0x3  }
0x2d6: {  	[tilespmem:v4+s20+$0x0] =	vst.idx.msk $0xffff, v3;
	v4 =	vld [tilespmem:$0x1FEA0]  }
0x2d7: {  	v3 =	vld.idx.msk [tilespmem:v5+s17+$0x0], $0xffff  }
0x2d8: {  	v5 =	vld [tilespmem:$0x1FF70];
	_ =	sdelay $0x3  }
0x2d9: {  	v4 =	vor.u32 v4, v1  }
0x2da: {  	v5 =	vor.u32 v5, v0;
	_ =	sdelay $0x3  }
0x2db: {  	[tilespmem:v4+s20+$0x0] =	vst.idx.msk $0xffff, v3;
	v4 =	vld [tilespmem:$0x1FEB0]  }
0x2dc: {  	v3 =	vld.idx.msk [tilespmem:v5+s17+$0x0], $0xffff  }
0x2dd: {  	v5 =	vld [tilespmem:$0x1FF80];
	_ =	sdelay $0x3  }
0x2de: {  	v4 =	vor.u32 v4, v1  }
0x2df: {  	v5 =	vor.u32 v5, v0;
	_ =	sdelay $0x3  }
0x2e0: {  	[tilespmem:v4+s20+$0x0] =	vst.idx.msk $0xffff, v3;
	v4 =	vld [tilespmem:$0x1FEC0]  }
0x2e1: {  	v3 =	vld.idx.msk [tilespmem:v5+s17+$0x0], $0xffff  }
0x2e2: {  	v5 =	vld [tilespmem:$0x1FF90];
	_ =	sdelay $0x3  }
0x2e3: {  	v4 =	vor.u32 v4, v1  }
0x2e4: {  	v5 =	vor.u32 v5, v0;
	_ =	sdelay $0x3  }
0x2e5: {  	[tilespmem:v4+s20+$0x0] =	vst.idx.msk $0xffff, v3;
	v4 =	vld [tilespmem:$0x1FED0]  }
0x2e6: {  	v3 =	vld.idx.msk [tilespmem:v5+s17+$0x0], $0xffff  }
0x2e7: {  	v5 =	vld [tilespmem:$0x1FFA0];
	_ =	sdelay $0x3  }
0x2e8: {  	v4 =	vor.u32 v4, v1  }
0x2e9: {  	v5 =	vor.u32 v5, v0;
	_ =	sdelay $0x3  }
0x2ea: {  	[tilespmem:v4+s20+$0x0] =	vst.idx.msk $0xffff, v3;
	v4 =	vld [tilespmem:$0x1FEE0]  }
0x2eb: {  	v3 =	vld.idx.msk [tilespmem:v5+s17+$0x0], $0xffff  }
0x2ec: {  	v5 =	vld [tilespmem:$0x1FFB0];
	_ =	sdelay $0x3  }
0x2ed: {  	v4 =	vor.u32 v4, v1  }
0x2ee: {  	v5 =	vor.u32 v5, v0;
	_ =	sdelay $0x3  }
0x2ef: {  	[tilespmem:v4+s20+$0x0] =	vst.idx.msk $0xffff, v3;
	v4 =	vld [tilespmem:$0x1FEF0]  }
0x2f0: {  	v3 =	vld.idx.msk [tilespmem:v5+s17+$0x0], $0xffff  }
0x2f1: {  	v5 =	vld [tilespmem:$0x1FFC0];
	_ =	sdelay $0x3  }
0x2f2: {  	v4 =	vor.u32 v4, v1  }
0x2f3: {  	v5 =	vor.u32 v5, v0;
	_ =	sdelay $0x3  }
0x2f4: {  	[tilespmem:v4+s20+$0x0] =	vst.idx.msk $0xffff, v3;
	v4 =	vld [tilespmem:$0x1FF00]  }
0x2f5: {  	v3 =	vld.idx.msk [tilespmem:v5+s17+$0x0], $0xffff  }
0x2f6: {  	v5 =	vld [tilespmem:$0x1FFD0];
	_ =	sdelay $0x3  }
0x2f7: {  	v4 =	vor.u32 v4, v1  }
0x2f8: {  	v5 =	vor.u32 v5, v0;
	_ =	sdelay $0x3  }
0x2f9: {  	[tilespmem:v4+s20+$0x0] =	vst.idx.msk $0xffff, v3;
	v4 =	vld [tilespmem:$0x1FF10]  }
0x2fa: {  	v3 =	vld.idx.msk [tilespmem:v5+s17+$0x0], $0xffff  }
0x2fb: {  	v5 =	vld [tilespmem:$0x1FFE0];
	_ =	sdelay $0x3  }
0x2fc: {  	v4 =	vor.u32 v4, v1  }
0x2fd: {  	v5 =	vor.u32 v5, v2;
	_ =	sdelay $0x3  }
0x2fe: {  	[tilespmem:v4+s20+$0x0] =	vst.idx.msk $0xffff, v3  }
0x2ff: {  	v4 =	vor.u32 v13, v1;
	v3 =	vld.idx.msk [tilespmem:v5+s17+$0x0], $0xffff  }
0x300: {  	v5 =	vor.u32 v34, v2;
	_ =	sdelay $0x3  }
0x301: {  	[tilespmem:v4+s20+$0x0] =	vst.idx.msk $0xffff, v3  }
0x302: {  	v4 =	vor.u32 v35, v1;
	v3 =	vld.idx.msk [tilespmem:v5+s17+$0x0], $0xffff  }
0x303: {  	v5 =	vor.u32 v36, v2;
	_ =	sdelay $0x3  }
0x304: {  	[tilespmem:v4+s20+$0x0] =	vst.idx.msk $0xffff, v3  }
0x305: {  	v4 =	vor.u32 v37, v1;
	v3 =	vld.idx.msk [tilespmem:v5+s17+$0x0], $0xffff  }
0x306: {  	v5 =	vor.u32 v38, v2;
	_ =	sdelay $0x3  }
0x307: {  	[tilespmem:v4+s20+$0x0] =	vst.idx.msk $0xffff, v3  }
0x308: {  	v4 =	vor.u32 v39, v1;
	v3 =	vld.idx.msk [tilespmem:v5+s17+$0x0], $0xffff  }
0x309: {  	v5 =	vor.u32 v40, v2;
	_ =	sdelay $0x3  }
0x30a: {  	[tilespmem:v4+s20+$0x0] =	vst.idx.msk $0xffff, v3  }
0x30b: {  	v4 =	vor.u32 v41, v1;
	v3 =	vld.idx.msk [tilespmem:v5+s17+$0x0], $0xffff  }
0x30c: {  	v5 =	vor.u32 v42, v2;
	_ =	sdelay $0x3  }
0x30d: {  	[tilespmem:v4+s20+$0x0] =	vst.idx.msk $0xffff, v3  }
0x30e: {  	v4 =	vor.u32 v43, v1;
	v3 =	vld.idx.msk [tilespmem:v5+s17+$0x0], $0xffff  }
0x30f: {  	v5 =	vor.u32 v44, v2;
	_ =	sdelay $0x3  }
0x310: {  	[tilespmem:v4+s20+$0x0] =	vst.idx.msk $0xffff, v3  }
0x311: {  	v4 =	vor.u32 v45, v1;
	v3 =	vld.idx.msk [tilespmem:v5+s17+$0x0], $0xffff  }
0x312: {  	v2 =	vor.u32 v46, v2;
	_ =	sdelay $0x3  }
0x313: {  	[tilespmem:v4+s20+$0x0] =	vst.idx.msk $0xffff, v3  }
0x314: {  	v3 =	vor.u32 v47, v1;
	v2 =	vld.idx.msk [tilespmem:v2+s17+$0x0], $0xffff  }
0x315: {  	v4 =	vor.u32 v48, v0;
	_ =	sdelay $0x3  }
0x316: {  	[tilespmem:v3+s20+$0x0] =	vst.idx.msk $0xffff, v2  }
0x317: {  	v3 =	vor.u32 v49, v1;
	v2 =	vld.idx.msk [tilespmem:v4+s17+$0x0], $0xffff  }
0x318: {  	v4 =	vor.u32 v50, v0;
	_ =	sdelay $0x3  }
0x319: {  	[tilespmem:v3+s20+$0x0] =	vst.idx.msk $0xffff, v2  }
0x31a: {  	v3 =	vor.u32 v51, v1;
	v2 =	vld.idx.msk [tilespmem:v4+s17+$0x0], $0xffff  }
0x31b: {  	v4 =	vor.u32 v52, v0;
	_ =	sdelay $0x3  }
0x31c: {  	[tilespmem:v3+s20+$0x0] =	vst.idx.msk $0xffff, v2  }
0x31d: {  	v3 =	vor.u32 v53, v1;
	v2 =	vld.idx.msk [tilespmem:v4+s17+$0x0], $0xffff  }
0x31e: {  	v4 =	vor.u32 v54, v0;
	_ =	sdelay $0x3  }
0x31f: {  	[tilespmem:v3+s20+$0x0] =	vst.idx.msk $0xffff, v2  }
0x320: {  	v3 =	vor.u32 v55, v1;
	v2 =	vld.idx.msk [tilespmem:v4+s17+$0x0], $0xffff  }
0x321: {  	v4 =	vor.u32 v56, v0;
	_ =	sdelay $0x3  }
0x322: {  	[tilespmem:v3+s20+$0x0] =	vst.idx.msk $0xffff, v2  }
0x323: {  	v3 =	vor.u32 v57, v1;
	v2 =	vld.idx.msk [tilespmem:v4+s17+$0x0], $0xffff  }
0x324: {  	v4 =	vor.u32 v58, v0;
	_ =	sdelay $0x3  }
0x325: {  	[tilespmem:v3+s20+$0x0] =	vst.idx.msk $0xffff, v2  }
0x326: {  	v3 =	vor.u32 v59, v1;
	v2 =	vld.idx.msk [tilespmem:v4+s17+$0x0], $0xffff  }
0x327: {  	v4 =	vor.u32 v60, v0;
	_ =	sdelay $0x3  }
0x328: {  	[tilespmem:v3+s20+$0x0] =	vst.idx.msk $0xffff, v2  }
0x329: {  	v3 =	vor.u32 v61, v1;
	v2 =	vld.idx.msk [tilespmem:v4+s17+$0x0], $0xffff  }
0x32a: {  	v4 =	vor.u32 v62, v0;
	_ =	sdelay $0x3  }
0x32b: {  	s31 =	simm.s32 $0x1;
	v0 =	vlaneseq.u32;
	[tilespmem:v3+s20+$0x0] =	vst.idx.msk $0xffff, v2  }
0x32c: {  	s29 =	simm.s32 $0x2;
	v0 =	vadd.s32 s31, v0;
	v3 =	vld.idx.msk [tilespmem:v4+s17+$0x0], $0xffff  }
.LBB2_6:
0x32d: {  	v2 =	vand.u32 $0xF, v0;
	v1 =	vor.u32 v63, v1  }
0x32e: {  	v4 =	vor.u32 v7, v2;
	_ =	sdelay $0x2  }
0x32f: {  	v5 =	vld [tilespmem:$0x1FE00]  }
0x330: {  	v6 =	vlaneseq.u32;
	[tilespmem:v1+s20+$0x0] =	vst.idx.msk $0xffff, v3;
	v1 =	vshll.u32 v2, $0x7  }
0x331: {  	v3 =	vld.idx.msk [tilespmem:v4+s17+$0x0], $0xffff;
	v4 =	vor.u32 v6, v1;
	_ =	sdelay $0x2  }
0x332: {  	v5 =	vor.u32 v5, v2;
	_ =	sdelay $0x1  }
0x333: {  	[tilespmem:v4+s20+$0x0] =	vst.idx.msk $0xffff, v3;
	v4 =	vld [tilespmem:$0x1FE10];
	_ =	sdelay $0x2  }
0x334: {  	v3 =	vld.idx.msk [tilespmem:v5+s17+$0x0], $0xffff  }
0x335: {  	v5 =	vld [tilespmem:$0x1FE20]  }
0x336: {  	v4 =	vor.u32 v4, v1;
	_ =	sdelay $0x3  }
0x337: {  	v5 =	vor.u32 v5, v2  }
0x338: {  	[tilespmem:v4+s20+$0x0] =	vst.idx.msk $0xffff, v3;
	v4 =	vld [tilespmem:$0x1FE30];
	_ =	sdelay $0x3  }
0x339: {  	v3 =	vld.idx.msk [tilespmem:v5+s17+$0x0], $0xffff  }
0x33a: {  	v5 =	vld [tilespmem:$0x1FE40];
	v4 =	vor.u32 v4, v1;
	_ =	sdelay $0x4  }
0x33b: {  	v5 =	vor.u32 v5, v2;
	[tilespmem:v4+s20+$0x0] =	vst.idx.msk $0xffff, v3;
	v4 =	vld [tilespmem:$0x1FE50];
	_ =	sdelay $0x4  }
0x33c: {  	v3 =	vld.idx.msk [tilespmem:v5+s17+$0x0], $0xffff;
	v4 =	vor.u32 v4, v1  }
0x33d: {  	v5 =	vor.u32 v14, v2;
	_ =	sdelay $0x3  }
0x33e: {  	[tilespmem:v4+s20+$0x0] =	vst.idx.msk $0xffff, v3  }
0x33f: {  	v4 =	vor.u32 v15, v1;
	v3 =	vld.idx.msk [tilespmem:v5+s17+$0x0], $0xffff  }
0x340: {  	v5 =	vor.u32 v16, v2;
	_ =	sdelay $0x3  }
0x341: {  	[tilespmem:v4+s20+$0x0] =	vst.idx.msk $0xffff, v3  }
0x342: {  	v4 =	vor.u32 v17, v1;
	v3 =	vld.idx.msk [tilespmem:v5+s17+$0x0], $0xffff  }
0x343: {  	v5 =	vor.u32 v18, v2;
	_ =	sdelay $0x3  }
0x344: {  	[tilespmem:v4+s20+$0x0] =	vst.idx.msk $0xffff, v3  }
0x345: {  	v4 =	vor.u32 v19, v1;
	v3 =	vld.idx.msk [tilespmem:v5+s17+$0x0], $0xffff  }
0x346: {  	v5 =	vor.u32 v20, v2;
	_ =	sdelay $0x3  }
0x347: {  	[tilespmem:v4+s20+$0x0] =	vst.idx.msk $0xffff, v3  }
0x348: {  	v4 =	vor.u32 v21, v1;
	v3 =	vld.idx.msk [tilespmem:v5+s17+$0x0], $0xffff  }
0x349: {  	v5 =	vor.u32 v22, v0;
	_ =	sdelay $0x3  }
0x34a: {  	[tilespmem:v4+s20+$0x0] =	vst.idx.msk $0xffff, v3  }
0x34b: {  	v4 =	vor.u32 v23, v1;
	v3 =	vld.idx.msk [tilespmem:v5+s17+$0x0], $0xffff  }
0x34c: {  	v5 =	vor.u32 v24, v0;
	_ =	sdelay $0x3  }
0x34d: {  	[tilespmem:v4+s20+$0x0] =	vst.idx.msk $0xffff, v3  }
0x34e: {  	v4 =	vor.u32 v25, v1;
	v3 =	vld.idx.msk [tilespmem:v5+s17+$0x0], $0xffff  }
0x34f: {  	v5 =	vor.u32 v26, v0;
	_ =	sdelay $0x3  }
0x350: {  	[tilespmem:v4+s20+$0x0] =	vst.idx.msk $0xffff, v3  }
0x351: {  	v4 =	vor.u32 v27, v1;
	v3 =	vld.idx.msk [tilespmem:v5+s17+$0x0], $0xffff  }
0x352: {  	v5 =	vor.u32 v28, v0;
	_ =	sdelay $0x3  }
0x353: {  	[tilespmem:v4+s20+$0x0] =	vst.idx.msk $0xffff, v3  }
0x354: {  	v4 =	vor.u32 v29, v1;
	v3 =	vld.idx.msk [tilespmem:v5+s17+$0x0], $0xffff  }
0x355: {  	v5 =	vor.u32 v30, v0;
	_ =	sdelay $0x3  }
0x356: {  	[tilespmem:v4+s20+$0x0] =	vst.idx.msk $0xffff, v3  }
0x357: {  	v4 =	vor.u32 v8, v1;
	v3 =	vld.idx.msk [tilespmem:v5+s17+$0x0], $0xffff  }
0x358: {  	v5 =	vor.u32 v9, v0;
	_ =	sdelay $0x3  }
0x359: {  	[tilespmem:v4+s20+$0x0] =	vst.idx.msk $0xffff, v3  }
0x35a: {  	v4 =	vor.u32 v31, v1;
	v3 =	vld.idx.msk [tilespmem:v5+s17+$0x0], $0xffff  }
0x35b: {  	v5 =	vor.u32 v10, v0;
	_ =	sdelay $0x3  }
0x35c: {  	[tilespmem:v4+s20+$0x0] =	vst.idx.msk $0xffff, v3  }
0x35d: {  	v4 =	vor.u32 v32, v1;
	v3 =	vld.idx.msk [tilespmem:v5+s17+$0x0], $0xffff  }
0x35e: {  	v5 =	vor.u32 v11, v0;
	_ =	sdelay $0x3  }
0x35f: {  	[tilespmem:v4+s20+$0x0] =	vst.idx.msk $0xffff, v3  }
0x360: {  	v4 =	vor.u32 v33, v1;
	v3 =	vld.idx.msk [tilespmem:v5+s17+$0x0], $0xffff  }
0x361: {  	v5 =	vor.u32 v12, v2;
	_ =	sdelay $0x3  }
0x362: {  	[tilespmem:v4+s20+$0x0] =	vst.idx.msk $0xffff, v3  }
0x363: {  	v4 =	vor.u32 v13, v1;
	v3 =	vld.idx.msk [tilespmem:v5+s17+$0x0], $0xffff  }
0x364: {  	v5 =	vor.u32 v34, v2;
	_ =	sdelay $0x3  }
0x365: {  	[tilespmem:v4+s20+$0x0] =	vst.idx.msk $0xffff, v3  }
0x366: {  	v4 =	vor.u32 v35, v1;
	v3 =	vld.idx.msk [tilespmem:v5+s17+$0x0], $0xffff  }
0x367: {  	v5 =	vor.u32 v36, v2;
	_ =	sdelay $0x3  }
0x368: {  	[tilespmem:v4+s20+$0x0] =	vst.idx.msk $0xffff, v3  }
0x369: {  	v4 =	vor.u32 v37, v1;
	v3 =	vld.idx.msk [tilespmem:v5+s17+$0x0], $0xffff  }
0x36a: {  	v5 =	vor.u32 v38, v2;
	_ =	sdelay $0x3  }
0x36b: {  	[tilespmem:v4+s20+$0x0] =	vst.idx.msk $0xffff, v3  }
0x36c: {  	v4 =	vor.u32 v39, v1;
	v3 =	vld.idx.msk [tilespmem:v5+s17+$0x0], $0xffff  }
0x36d: {  	v5 =	vor.u32 v40, v2;
	_ =	sdelay $0x3  }
0x36e: {  	[tilespmem:v4+s20+$0x0] =	vst.idx.msk $0xffff, v3  }
0x36f: {  	v4 =	vor.u32 v41, v1;
	v3 =	vld.idx.msk [tilespmem:v5+s17+$0x0], $0xffff  }
0x370: {  	v5 =	vor.u32 v42, v2;
	_ =	sdelay $0x3  }
0x371: {  	[tilespmem:v4+s20+$0x0] =	vst.idx.msk $0xffff, v3  }
0x372: {  	v4 =	vor.u32 v43, v1;
	v3 =	vld.idx.msk [tilespmem:v5+s17+$0x0], $0xffff  }
0x373: {  	v5 =	vor.u32 v44, v2;
	_ =	sdelay $0x3  }
0x374: {  	[tilespmem:v4+s20+$0x0] =	vst.idx.msk $0xffff, v3  }
0x375: {  	v4 =	vor.u32 v45, v1;
	v3 =	vld.idx.msk [tilespmem:v5+s17+$0x0], $0xffff  }
0x376: {  	v2 =	vor.u32 v46, v2;
	_ =	sdelay $0x3  }
0x377: {  	[tilespmem:v4+s20+$0x0] =	vst.idx.msk $0xffff, v3  }
0x378: {  	v3 =	vor.u32 v47, v1;
	v2 =	vld.idx.msk [tilespmem:v2+s17+$0x0], $0xffff  }
0x379: {  	v4 =	vor.u32 v48, v0;
	_ =	sdelay $0x3  }
0x37a: {  	[tilespmem:v3+s20+$0x0] =	vst.idx.msk $0xffff, v2  }
0x37b: {  	v3 =	vor.u32 v49, v1;
	v2 =	vld.idx.msk [tilespmem:v4+s17+$0x0], $0xffff  }
0x37c: {  	v4 =	vor.u32 v50, v0;
	_ =	sdelay $0x3  }
0x37d: {  	[tilespmem:v3+s20+$0x0] =	vst.idx.msk $0xffff, v2  }
0x37e: {  	v3 =	vor.u32 v51, v1;
	v2 =	vld.idx.msk [tilespmem:v4+s17+$0x0], $0xffff  }
0x37f: {  	v4 =	vor.u32 v52, v0;
	_ =	sdelay $0x3  }
0x380: {  	[tilespmem:v3+s20+$0x0] =	vst.idx.msk $0xffff, v2  }
0x381: {  	v3 =	vor.u32 v53, v1;
	v2 =	vld.idx.msk [tilespmem:v4+s17+$0x0], $0xffff  }
0x382: {  	v4 =	vor.u32 v54, v0;
	_ =	sdelay $0x3  }
0x383: {  	[tilespmem:v3+s20+$0x0] =	vst.idx.msk $0xffff, v2  }
0x384: {  	v3 =	vor.u32 v55, v1;
	v2 =	vld.idx.msk [tilespmem:v4+s17+$0x0], $0xffff  }
0x385: {  	v4 =	vor.u32 v56, v0;
	_ =	sdelay $0x3  }
0x386: {  	[tilespmem:v3+s20+$0x0] =	vst.idx.msk $0xffff, v2  }
0x387: {  	v3 =	vor.u32 v57, v1;
	v2 =	vld.idx.msk [tilespmem:v4+s17+$0x0], $0xffff  }
0x388: {  	v4 =	vor.u32 v58, v0;
	_ =	sdelay $0x3  }
0x389: {  	[tilespmem:v3+s20+$0x0] =	vst.idx.msk $0xffff, v2  }
0x38a: {  	v3 =	vor.u32 v59, v1;
	v2 =	vld.idx.msk [tilespmem:v4+s17+$0x0], $0xffff  }
0x38b: {  	v4 =	vor.u32 v60, v0;
	_ =	sdelay $0x3  }
0x38c: {  	[tilespmem:v3+s20+$0x0] =	vst.idx.msk $0xffff, v2  }
0x38d: {  	v3 =	vor.u32 v61, v1;
	v2 =	vld.idx.msk [tilespmem:v4+s17+$0x0], $0xffff  }
0x38e: {  	p0 =	sne.s32 s29, $0xF;
	v4 =	vor.u32 v62, v0  }
.Ltmp2:
0x38f: {  	_ = 	snop;
	(pc) =	sbr.rel @p0 .LBB2_6-.Ltmp2, $3  }
0x390: {  	_ =	sdelay $0x1  }
0x391: {  	[tilespmem:v3+s20+$0x0] =	vst.idx.msk $0xffff, v2  }
0x392: {  	v5 =	vlaneseq.u32;
	v0 =	vadd.s32 s29, v6;
	s29 =	sadd.s32 $0x1, s29;
	v3 =	vld.idx.msk [tilespmem:v4+s17+$0x0], $0xffff  }
0x393: {  	v2 =	vand.u32 $0xF, v0;
	v1 =	vor.u32 v63, v1  }
0x394: {  	v4 =	vor.u32 v7, v2;
	_ =	sdelay $0x3  }
0x395: {  	[tilespmem:v1+s20+$0x0] =	vst.idx.msk $0xffff, v3  }
0x396: {  	v1 =	vshll.u32 v2, $0x7;
	v3 =	vld.idx.msk [tilespmem:v4+s17+$0x0], $0xffff  }
0x397: {  	v4 =	vor.u32 v5, v1;
	v5 =	vld [tilespmem:$0x1FE00];
	_ =	sdelay $0x4  }
0x398: {  	v5 =	vor.u32 v5, v2;
	_ =	sdelay $0x1  }
0x399: {  	[tilespmem:v4+s20+$0x0] =	vst.idx.msk $0xffff, v3;
	v4 =	vld [tilespmem:$0x1FE10];
	_ =	sdelay $0x2  }
0x39a: {  	v3 =	vld.idx.msk [tilespmem:v5+s17+$0x0], $0xffff  }
0x39b: {  	v5 =	vld [tilespmem:$0x1FE20]  }
0x39c: {  	v4 =	vor.u32 v4, v1;
	_ =	sdelay $0x3  }
0x39d: {  	v5 =	vor.u32 v5, v2  }
0x39e: {  	[tilespmem:v4+s20+$0x0] =	vst.idx.msk $0xffff, v3;
	v4 =	vld [tilespmem:$0x1FE30];
	_ =	sdelay $0x3  }
0x39f: {  	v3 =	vld.idx.msk [tilespmem:v5+s17+$0x0], $0xffff  }
0x3a0: {  	v4 =	vor.u32 v4, v1;
	v5 =	vld [tilespmem:$0x1FE40];
	_ =	sdelay $0x4  }
0x3a1: {  	v5 =	vor.u32 v5, v2;
	[tilespmem:v4+s20+$0x0] =	vst.idx.msk $0xffff, v3;
	v4 =	vld [tilespmem:$0x1FE50];
	_ =	sdelay $0x4  }
0x3a2: {  	v3 =	vld.idx.msk [tilespmem:v5+s17+$0x0], $0xffff;
	v4 =	vor.u32 v4, v1  }
0x3a3: {  	v5 =	vor.u32 v14, v2;
	_ =	sdelay $0x3  }
0x3a4: {  	[tilespmem:v4+s20+$0x0] =	vst.idx.msk $0xffff, v3  }
0x3a5: {  	v4 =	vor.u32 v15, v1;
	v3 =	vld.idx.msk [tilespmem:v5+s17+$0x0], $0xffff  }
0x3a6: {  	v5 =	vor.u32 v16, v2;
	_ =	sdelay $0x3  }
0x3a7: {  	[tilespmem:v4+s20+$0x0] =	vst.idx.msk $0xffff, v3  }
0x3a8: {  	v4 =	vor.u32 v17, v1;
	v3 =	vld.idx.msk [tilespmem:v5+s17+$0x0], $0xffff  }
0x3a9: {  	v5 =	vor.u32 v18, v2;
	_ =	sdelay $0x3  }
0x3aa: {  	[tilespmem:v4+s20+$0x0] =	vst.idx.msk $0xffff, v3  }
0x3ab: {  	v4 =	vor.u32 v19, v1;
	v3 =	vld.idx.msk [tilespmem:v5+s17+$0x0], $0xffff  }
0x3ac: {  	v5 =	vor.u32 v20, v2;
	_ =	sdelay $0x3  }
0x3ad: {  	[tilespmem:v4+s20+$0x0] =	vst.idx.msk $0xffff, v3  }
0x3ae: {  	v4 =	vor.u32 v21, v1;
	v3 =	vld.idx.msk [tilespmem:v5+s17+$0x0], $0xffff  }
0x3af: {  	v5 =	vor.u32 v22, v0;
	_ =	sdelay $0x3  }
0x3b0: {  	[tilespmem:v4+s20+$0x0] =	vst.idx.msk $0xffff, v3  }
0x3b1: {  	v4 =	vor.u32 v23, v1;
	v3 =	vld.idx.msk [tilespmem:v5+s17+$0x0], $0xffff  }
0x3b2: {  	v5 =	vor.u32 v24, v0;
	_ =	sdelay $0x3  }
0x3b3: {  	[tilespmem:v4+s20+$0x0] =	vst.idx.msk $0xffff, v3  }
0x3b4: {  	v4 =	vor.u32 v25, v1;
	v3 =	vld.idx.msk [tilespmem:v5+s17+$0x0], $0xffff  }
0x3b5: {  	v5 =	vor.u32 v26, v0;
	_ =	sdelay $0x3  }
0x3b6: {  	[tilespmem:v4+s20+$0x0] =	vst.idx.msk $0xffff, v3  }
0x3b7: {  	v4 =	vor.u32 v27, v1;
	v3 =	vld.idx.msk [tilespmem:v5+s17+$0x0], $0xffff  }
0x3b8: {  	v5 =	vor.u32 v28, v0;
	_ =	sdelay $0x3  }
0x3b9: {  	[tilespmem:v4+s20+$0x0] =	vst.idx.msk $0xffff, v3  }
0x3ba: {  	v4 =	vor.u32 v29, v1;
	v3 =	vld.idx.msk [tilespmem:v5+s17+$0x0], $0xffff  }
0x3bb: {  	v5 =	vor.u32 v30, v0;
	_ =	sdelay $0x3  }
0x3bc: {  	[tilespmem:v4+s20+$0x0] =	vst.idx.msk $0xffff, v3  }
0x3bd: {  	v4 =	vor.u32 v8, v1;
	v3 =	vld.idx.msk [tilespmem:v5+s17+$0x0], $0xffff  }
0x3be: {  	v5 =	vor.u32 v9, v0;
	_ =	sdelay $0x3  }
0x3bf: {  	[tilespmem:v4+s20+$0x0] =	vst.idx.msk $0xffff, v3  }
0x3c0: {  	v4 =	vor.u32 v31, v1;
	v3 =	vld.idx.msk [tilespmem:v5+s17+$0x0], $0xffff  }
0x3c1: {  	v5 =	vor.u32 v10, v0;
	_ =	sdelay $0x3  }
0x3c2: {  	[tilespmem:v4+s20+$0x0] =	vst.idx.msk $0xffff, v3  }
0x3c3: {  	v4 =	vor.u32 v32, v1;
	v3 =	vld.idx.msk [tilespmem:v5+s17+$0x0], $0xffff  }
0x3c4: {  	v5 =	vor.u32 v11, v0;
	_ =	sdelay $0x3  }
0x3c5: {  	[tilespmem:v4+s20+$0x0] =	vst.idx.msk $0xffff, v3  }
0x3c6: {  	v4 =	vor.u32 v33, v1;
	v3 =	vld.idx.msk [tilespmem:v5+s17+$0x0], $0xffff  }
0x3c7: {  	v5 =	vor.u32 v12, v2;
	_ =	sdelay $0x3  }
0x3c8: {  	[tilespmem:v4+s20+$0x0] =	vst.idx.msk $0xffff, v3  }
0x3c9: {  	v4 =	vor.u32 v13, v1;
	v3 =	vld.idx.msk [tilespmem:v5+s17+$0x0], $0xffff  }
0x3ca: {  	v5 =	vor.u32 v34, v2;
	_ =	sdelay $0x3  }
0x3cb: {  	[tilespmem:v4+s20+$0x0] =	vst.idx.msk $0xffff, v3  }
0x3cc: {  	v4 =	vor.u32 v35, v1;
	v3 =	vld.idx.msk [tilespmem:v5+s17+$0x0], $0xffff  }
0x3cd: {  	v5 =	vor.u32 v36, v2;
	_ =	sdelay $0x3  }
0x3ce: {  	[tilespmem:v4+s20+$0x0] =	vst.idx.msk $0xffff, v3  }
0x3cf: {  	v4 =	vor.u32 v37, v1;
	v3 =	vld.idx.msk [tilespmem:v5+s17+$0x0], $0xffff  }
0x3d0: {  	v5 =	vor.u32 v38, v2;
	_ =	sdelay $0x3  }
0x3d1: {  	[tilespmem:v4+s20+$0x0] =	vst.idx.msk $0xffff, v3  }
0x3d2: {  	v4 =	vor.u32 v39, v1;
	v3 =	vld.idx.msk [tilespmem:v5+s17+$0x0], $0xffff  }
0x3d3: {  	v5 =	vor.u32 v40, v2;
	_ =	sdelay $0x3  }
0x3d4: {  	[tilespmem:v4+s20+$0x0] =	vst.idx.msk $0xffff, v3  }
0x3d5: {  	v4 =	vor.u32 v41, v1;
	v3 =	vld.idx.msk [tilespmem:v5+s17+$0x0], $0xffff  }
0x3d6: {  	v5 =	vor.u32 v42, v2;
	_ =	sdelay $0x3  }
0x3d7: {  	[tilespmem:v4+s20+$0x0] =	vst.idx.msk $0xffff, v3  }
0x3d8: {  	v4 =	vor.u32 v43, v1;
	v3 =	vld.idx.msk [tilespmem:v5+s17+$0x0], $0xffff  }
0x3d9: {  	v5 =	vor.u32 v44, v2;
	_ =	sdelay $0x3  }
0x3da: {  	[tilespmem:v4+s20+$0x0] =	vst.idx.msk $0xffff, v3  }
0x3db: {  	v4 =	vor.u32 v45, v1;
	v3 =	vld.idx.msk [tilespmem:v5+s17+$0x0], $0xffff  }
0x3dc: {  	v2 =	vor.u32 v46, v2;
	_ =	sdelay $0x3  }
0x3dd: {  	[tilespmem:v4+s20+$0x0] =	vst.idx.msk $0xffff, v3  }
0x3de: {  	v3 =	vor.u32 v47, v1;
	v2 =	vld.idx.msk [tilespmem:v2+s17+$0x0], $0xffff  }
0x3df: {  	v4 =	vor.u32 v48, v0;
	_ =	sdelay $0x3  }
0x3e0: {  	[tilespmem:v3+s20+$0x0] =	vst.idx.msk $0xffff, v2  }
0x3e1: {  	v3 =	vor.u32 v49, v1;
	v2 =	vld.idx.msk [tilespmem:v4+s17+$0x0], $0xffff  }
0x3e2: {  	v4 =	vor.u32 v50, v0;
	_ =	sdelay $0x3  }
0x3e3: {  	[tilespmem:v3+s20+$0x0] =	vst.idx.msk $0xffff, v2  }
0x3e4: {  	v3 =	vor.u32 v51, v1;
	v2 =	vld.idx.msk [tilespmem:v4+s17+$0x0], $0xffff  }
0x3e5: {  	v4 =	vor.u32 v52, v0;
	_ =	sdelay $0x3  }
0x3e6: {  	[tilespmem:v3+s20+$0x0] =	vst.idx.msk $0xffff, v2  }
0x3e7: {  	v3 =	vor.u32 v53, v1;
	v2 =	vld.idx.msk [tilespmem:v4+s17+$0x0], $0xffff  }
0x3e8: {  	v4 =	vor.u32 v54, v0;
	_ =	sdelay $0x3  }
0x3e9: {  	[tilespmem:v3+s20+$0x0] =	vst.idx.msk $0xffff, v2  }
0x3ea: {  	v3 =	vor.u32 v55, v1;
	v2 =	vld.idx.msk [tilespmem:v4+s17+$0x0], $0xffff  }
0x3eb: {  	v4 =	vor.u32 v56, v0;
	_ =	sdelay $0x3  }
0x3ec: {  	[tilespmem:v3+s20+$0x0] =	vst.idx.msk $0xffff, v2  }
0x3ed: {  	v3 =	vor.u32 v57, v1;
	v2 =	vld.idx.msk [tilespmem:v4+s17+$0x0], $0xffff  }
0x3ee: {  	v4 =	vor.u32 v58, v0;
	_ =	sdelay $0x3  }
0x3ef: {  	[tilespmem:v3+s20+$0x0] =	vst.idx.msk $0xffff, v2  }
0x3f0: {  	v3 =	vor.u32 v59, v1;
	v2 =	vld.idx.msk [tilespmem:v4+s17+$0x0], $0xffff  }
0x3f1: {  	v4 =	vor.u32 v60, v0;
	_ =	sdelay $0x3  }
0x3f2: {  	[tilespmem:v3+s20+$0x0] =	vst.idx.msk $0xffff, v2  }
0x3f3: {  	v3 =	vor.u32 v61, v1;
	v2 =	vld.idx.msk [tilespmem:v4+s17+$0x0], $0xffff  }
0x3f4: {  	v0 =	vor.u32 v62, v0;
	_ =	sdelay $0x3  }
0x3f5: {  	[tilespmem:v3+s20+$0x0] =	vst.idx.msk $0xffff, v2  }
0x3f6: {  	v1 =	vor.u32 v63, v1;
	v0 =	vld.idx.msk [tilespmem:v0+s17+$0x0], $0xffff;
	_ =	sdelay $0x4  }
0x3f7: {  	s29 =	simm.s32 $0x0;
	s30 =	simm.s32 $0x0;
	[tilespmem:v1+s20+$0x0] =	vst.idx.msk $0xffff, v0  }
0x3f8: {  	[hbm4b:s9+s13] =	stream.strided.scatter [tilespmem:s20], [sflag:$0x3], $0x2000, s14, s13, $0x38;
	[tilespmem:$0x12400] =	vst v63  }
.LBB2_8:
0x3f9: {  	s0 =	sshll.u32 s30, $0x1  }
0x3fa: {  	s31 =	sadd.s32 $0x4, s0  }
0x3fb: {  	s0 =	sshll.u32 s31, $0x7  }
0x3fc: {  	v6 =	vlaneseq.u32;
	s0 =	sand.u32 $0x3FFFFF00, s0  }
0x3fd: {  	v0 =	vadd.s32 s29, v6;
	[tilespmem:s17], [sflag:$0x1] =	stream.indirect.gather [hbm4b:s5+s16], $0x80, s0, s16, $0xb8;
	[tilespmem:$0x12400] =	vst v63  }
0x3fe: {  	v2 =	vand.u32 $0xF, v0;
	_ =	swait.ge [sflag:s26], $0x2000  }
0x3ff: {  	v3 =	vor.u32 v7, v2;
	[sflag:s26] =	ssyncset.done $0x0  }
0x400: {  	[sflag:s26] =	ssyncadd.s32 $0xFFFFE000  }
0x401: {  	_ =	swait.ge [sflag:s22], $0x4000  }
0x402: {  	[sflag:s22] =	ssyncset.done $0x0;
	v5 =	vld [tilespmem:$0x1FE00]  }
0x403: {  	v1 =	vshll.u32 v2, $0x7;
	[sflag:s22] =	ssyncadd.s32 $0xFFFFC000  }
0x404: {  	v4 =	vor.u32 v6, v1;
	v3 =	vld.idx.msk [tilespmem:v3+s18+$0x0], $0xffff;
	_ =	sdelay $0x2  }
0x405: {  	v5 =	vor.u32 v5, v2;
	_ =	sdelay $0x1  }
0x406: {  	[tilespmem:v4+s23+$0x0] =	vst.idx.msk $0xffff, v3;
	v4 =	vld [tilespmem:$0x1FE10];
	_ =	sdelay $0x2  }
0x407: {  	v3 =	vld.idx.msk [tilespmem:v5+s18+$0x0], $0xffff  }
0x408: {  	v5 =	vld [tilespmem:$0x1FE20]  }
0x409: {  	v4 =	vor.u32 v4, v1;
	_ =	sdelay $0x3  }
0x40a: {  	v5 =	vor.u32 v5, v2  }
0x40b: {  	[tilespmem:v4+s23+$0x0] =	vst.idx.msk $0xffff, v3;
	v4 =	vld [tilespmem:$0x1FE30];
	_ =	sdelay $0x3  }
0x40c: {  	v3 =	vld.idx.msk [tilespmem:v5+s18+$0x0], $0xffff  }
0x40d: {  	v5 =	vld [tilespmem:$0x1FE40];
	v4 =	vor.u32 v4, v1;
	_ =	sdelay $0x4  }
0x40e: {  	v5 =	vor.u32 v5, v2;
	[tilespmem:v4+s23+$0x0] =	vst.idx.msk $0xffff, v3;
	v4 =	vld [tilespmem:$0x1FE50];
	_ =	sdelay $0x4  }
0x40f: {  	v3 =	vld.idx.msk [tilespmem:v5+s18+$0x0], $0xffff;
	v4 =	vor.u32 v4, v1  }
0x410: {  	v5 =	vor.u32 v14, v2;
	_ =	sdelay $0x3  }
0x411: {  	[tilespmem:v4+s23+$0x0] =	vst.idx.msk $0xffff, v3  }
0x412: {  	v4 =	vor.u32 v15, v1;
	v3 =	vld.idx.msk [tilespmem:v5+s18+$0x0], $0xffff  }
0x413: {  	v5 =	vor.u32 v16, v2;
	_ =	sdelay $0x3  }
0x414: {  	[tilespmem:v4+s23+$0x0] =	vst.idx.msk $0xffff, v3  }
0x415: {  	v4 =	vor.u32 v17, v1;
	v3 =	vld.idx.msk [tilespmem:v5+s18+$0x0], $0xffff  }
0x416: {  	v5 =	vor.u32 v18, v2;
	_ =	sdelay $0x3  }
0x417: {  	[tilespmem:v4+s23+$0x0] =	vst.idx.msk $0xffff, v3  }
0x418: {  	v4 =	vor.u32 v19, v1;
	v3 =	vld.idx.msk [tilespmem:v5+s18+$0x0], $0xffff  }
0x419: {  	v5 =	vor.u32 v20, v2;
	_ =	sdelay $0x3  }
0x41a: {  	[tilespmem:v4+s23+$0x0] =	vst.idx.msk $0xffff, v3  }
0x41b: {  	v4 =	vor.u32 v21, v1;
	v3 =	vld.idx.msk [tilespmem:v5+s18+$0x0], $0xffff  }
0x41c: {  	v5 =	vor.u32 v22, v0;
	_ =	sdelay $0x3  }
0x41d: {  	[tilespmem:v4+s23+$0x0] =	vst.idx.msk $0xffff, v3  }
0x41e: {  	v4 =	vor.u32 v23, v1;
	v3 =	vld.idx.msk [tilespmem:v5+s18+$0x0], $0xffff  }
0x41f: {  	v5 =	vor.u32 v24, v0;
	_ =	sdelay $0x3  }
0x420: {  	[tilespmem:v4+s23+$0x0] =	vst.idx.msk $0xffff, v3  }
0x421: {  	v4 =	vor.u32 v25, v1;
	v3 =	vld.idx.msk [tilespmem:v5+s18+$0x0], $0xffff  }
0x422: {  	v5 =	vor.u32 v26, v0;
	_ =	sdelay $0x3  }
0x423: {  	[tilespmem:v4+s23+$0x0] =	vst.idx.msk $0xffff, v3  }
0x424: {  	v4 =	vor.u32 v27, v1;
	v3 =	vld.idx.msk [tilespmem:v5+s18+$0x0], $0xffff  }
0x425: {  	v5 =	vor.u32 v28, v0;
	_ =	sdelay $0x3  }
0x426: {  	[tilespmem:v4+s23+$0x0] =	vst.idx.msk $0xffff, v3  }
0x427: {  	v4 =	vor.u32 v29, v1;
	v3 =	vld.idx.msk [tilespmem:v5+s18+$0x0], $0xffff  }
0x428: {  	v5 =	vor.u32 v30, v0;
	_ =	sdelay $0x3  }
0x429: {  	[tilespmem:v4+s23+$0x0] =	vst.idx.msk $0xffff, v3  }
0x42a: {  	v4 =	vor.u32 v8, v1;
	v3 =	vld.idx.msk [tilespmem:v5+s18+$0x0], $0xffff  }
0x42b: {  	v5 =	vor.u32 v9, v0;
	_ =	sdelay $0x3  }
0x42c: {  	[tilespmem:v4+s23+$0x0] =	vst.idx.msk $0xffff, v3  }
0x42d: {  	v4 =	vor.u32 v31, v1;
	v3 =	vld.idx.msk [tilespmem:v5+s18+$0x0], $0xffff  }
0x42e: {  	v5 =	vor.u32 v10, v0;
	_ =	sdelay $0x3  }
0x42f: {  	[tilespmem:v4+s23+$0x0] =	vst.idx.msk $0xffff, v3  }
0x430: {  	v4 =	vor.u32 v32, v1;
	v3 =	vld.idx.msk [tilespmem:v5+s18+$0x0], $0xffff  }
0x431: {  	v5 =	vor.u32 v11, v0;
	_ =	sdelay $0x3  }
0x432: {  	[tilespmem:v4+s23+$0x0] =	vst.idx.msk $0xffff, v3  }
0x433: {  	v4 =	vor.u32 v33, v1;
	v3 =	vld.idx.msk [tilespmem:v5+s18+$0x0], $0xffff  }
0x434: {  	v5 =	vor.u32 v12, v2;
	_ =	sdelay $0x3  }
0x435: {  	[tilespmem:v4+s23+$0x0] =	vst.idx.msk $0xffff, v3  }
0x436: {  	v4 =	vor.u32 v13, v1;
	v3 =	vld.idx.msk [tilespmem:v5+s18+$0x0], $0xffff  }
0x437: {  	v5 =	vor.u32 v34, v2;
	_ =	sdelay $0x3  }
0x438: {  	[tilespmem:v4+s23+$0x0] =	vst.idx.msk $0xffff, v3  }
0x439: {  	v4 =	vor.u32 v35, v1;
	v3 =	vld.idx.msk [tilespmem:v5+s18+$0x0], $0xffff  }
0x43a: {  	v5 =	vor.u32 v36, v2;
	_ =	sdelay $0x3  }
0x43b: {  	[tilespmem:v4+s23+$0x0] =	vst.idx.msk $0xffff, v3  }
0x43c: {  	v4 =	vor.u32 v37, v1;
	v3 =	vld.idx.msk [tilespmem:v5+s18+$0x0], $0xffff  }
0x43d: {  	v5 =	vor.u32 v38, v2;
	_ =	sdelay $0x3  }
0x43e: {  	[tilespmem:v4+s23+$0x0] =	vst.idx.msk $0xffff, v3  }
0x43f: {  	v4 =	vor.u32 v39, v1;
	v3 =	vld.idx.msk [tilespmem:v5+s18+$0x0], $0xffff  }
0x440: {  	v5 =	vor.u32 v40, v2;
	_ =	sdelay $0x3  }
0x441: {  	[tilespmem:v4+s23+$0x0] =	vst.idx.msk $0xffff, v3  }
0x442: {  	v4 =	vor.u32 v41, v1;
	v3 =	vld.idx.msk [tilespmem:v5+s18+$0x0], $0xffff  }
0x443: {  	v5 =	vor.u32 v42, v2;
	_ =	sdelay $0x3  }
0x444: {  	[tilespmem:v4+s23+$0x0] =	vst.idx.msk $0xffff, v3  }
0x445: {  	v4 =	vor.u32 v43, v1;
	v3 =	vld.idx.msk [tilespmem:v5+s18+$0x0], $0xffff  }
0x446: {  	v5 =	vor.u32 v44, v2;
	_ =	sdelay $0x3  }
0x447: {  	[tilespmem:v4+s23+$0x0] =	vst.idx.msk $0xffff, v3  }
0x448: {  	v4 =	vor.u32 v45, v1;
	v3 =	vld.idx.msk [tilespmem:v5+s18+$0x0], $0xffff  }
0x449: {  	v2 =	vor.u32 v46, v2;
	_ =	sdelay $0x3  }
0x44a: {  	[tilespmem:v4+s23+$0x0] =	vst.idx.msk $0xffff, v3  }
0x44b: {  	v3 =	vor.u32 v47, v1;
	v2 =	vld.idx.msk [tilespmem:v2+s18+$0x0], $0xffff  }
0x44c: {  	v4 =	vor.u32 v48, v0;
	_ =	sdelay $0x3  }
0x44d: {  	[tilespmem:v3+s23+$0x0] =	vst.idx.msk $0xffff, v2  }
0x44e: {  	v3 =	vor.u32 v49, v1;
	v2 =	vld.idx.msk [tilespmem:v4+s18+$0x0], $0xffff  }
0x44f: {  	v4 =	vor.u32 v50, v0;
	_ =	sdelay $0x3  }
0x450: {  	[tilespmem:v3+s23+$0x0] =	vst.idx.msk $0xffff, v2  }
0x451: {  	v3 =	vor.u32 v51, v1;
	v2 =	vld.idx.msk [tilespmem:v4+s18+$0x0], $0xffff  }
0x452: {  	v4 =	vor.u32 v52, v0;
	_ =	sdelay $0x3  }
0x453: {  	[tilespmem:v3+s23+$0x0] =	vst.idx.msk $0xffff, v2  }
0x454: {  	v3 =	vor.u32 v53, v1;
	v2 =	vld.idx.msk [tilespmem:v4+s18+$0x0], $0xffff  }
0x455: {  	v4 =	vor.u32 v54, v0;
	_ =	sdelay $0x3  }
0x456: {  	[tilespmem:v3+s23+$0x0] =	vst.idx.msk $0xffff, v2  }
0x457: {  	v3 =	vor.u32 v55, v1;
	v2 =	vld.idx.msk [tilespmem:v4+s18+$0x0], $0xffff  }
0x458: {  	v4 =	vor.u32 v56, v0;
	_ =	sdelay $0x3  }
0x459: {  	[tilespmem:v3+s23+$0x0] =	vst.idx.msk $0xffff, v2  }
0x45a: {  	v3 =	vor.u32 v57, v1;
	v2 =	vld.idx.msk [tilespmem:v4+s18+$0x0], $0xffff  }
0x45b: {  	v4 =	vor.u32 v58, v0;
	_ =	sdelay $0x3  }
0x45c: {  	[tilespmem:v3+s23+$0x0] =	vst.idx.msk $0xffff, v2  }
0x45d: {  	v3 =	vor.u32 v59, v1;
	v2 =	vld.idx.msk [tilespmem:v4+s18+$0x0], $0xffff  }
0x45e: {  	v4 =	vor.u32 v60, v0;
	_ =	sdelay $0x3  }
0x45f: {  	[tilespmem:v3+s23+$0x0] =	vst.idx.msk $0xffff, v2  }
0x460: {  	v3 =	vor.u32 v61, v1;
	v2 =	vld.idx.msk [tilespmem:v4+s18+$0x0], $0xffff  }
0x461: {  	v4 =	vor.u32 v62, v0;
	_ =	sdelay $0x3  }
0x462: {  	s0 =	simm.s32 $0x1;
	[tilespmem:v3+s23+$0x0] =	vst.idx.msk $0xffff, v2  }
0x463: {  	v0 =	vadd.s32 s0, v6;
	s0 =	simm.s32 $0x2;
	v3 =	vld.idx.msk [tilespmem:v4+s18+$0x0], $0xffff  }
.LBB2_9:
0x464: {  	v2 =	vand.u32 $0xF, v0;
	v1 =	vor.u32 v63, v1  }
0x465: {  	v4 =	vor.u32 v7, v2;
	_ =	sdelay $0x2  }
0x466: {  	v5 =	vld [tilespmem:$0x1FE00]  }
0x467: {  	v6 =	vlaneseq.u32;
	[tilespmem:v1+s23+$0x0] =	vst.idx.msk $0xffff, v3;
	v1 =	vshll.u32 v2, $0x7  }
0x468: {  	v3 =	vld.idx.msk [tilespmem:v4+s18+$0x0], $0xffff;
	v4 =	vor.u32 v6, v1;
	_ =	sdelay $0x2  }
0x469: {  	v5 =	vor.u32 v5, v2;
	_ =	sdelay $0x1  }
0x46a: {  	[tilespmem:v4+s23+$0x0] =	vst.idx.msk $0xffff, v3;
	v4 =	vld [tilespmem:$0x1FE10];
	_ =	sdelay $0x2  }
0x46b: {  	v3 =	vld.idx.msk [tilespmem:v5+s18+$0x0], $0xffff  }
0x46c: {  	v5 =	vld [tilespmem:$0x1FE20]  }
0x46d: {  	v4 =	vor.u32 v4, v1;
	_ =	sdelay $0x3  }
0x46e: {  	v5 =	vor.u32 v5, v2  }
0x46f: {  	[tilespmem:v4+s23+$0x0] =	vst.idx.msk $0xffff, v3;
	v4 =	vld [tilespmem:$0x1FE30];
	_ =	sdelay $0x3  }
0x470: {  	v3 =	vld.idx.msk [tilespmem:v5+s18+$0x0], $0xffff  }
0x471: {  	v5 =	vld [tilespmem:$0x1FE40];
	v4 =	vor.u32 v4, v1;
	_ =	sdelay $0x4  }
0x472: {  	v5 =	vor.u32 v5, v2;
	[tilespmem:v4+s23+$0x0] =	vst.idx.msk $0xffff, v3;
	v4 =	vld [tilespmem:$0x1FE50];
	_ =	sdelay $0x4  }
0x473: {  	v3 =	vld.idx.msk [tilespmem:v5+s18+$0x0], $0xffff;
	v4 =	vor.u32 v4, v1  }
0x474: {  	v5 =	vor.u32 v14, v2;
	_ =	sdelay $0x3  }
0x475: {  	[tilespmem:v4+s23+$0x0] =	vst.idx.msk $0xffff, v3  }
0x476: {  	v4 =	vor.u32 v15, v1;
	v3 =	vld.idx.msk [tilespmem:v5+s18+$0x0], $0xffff  }
0x477: {  	v5 =	vor.u32 v16, v2;
	_ =	sdelay $0x3  }
0x478: {  	[tilespmem:v4+s23+$0x0] =	vst.idx.msk $0xffff, v3  }
0x479: {  	v4 =	vor.u32 v17, v1;
	v3 =	vld.idx.msk [tilespmem:v5+s18+$0x0], $0xffff  }
0x47a: {  	v5 =	vor.u32 v18, v2;
	_ =	sdelay $0x3  }
0x47b: {  	[tilespmem:v4+s23+$0x0] =	vst.idx.msk $0xffff, v3  }
0x47c: {  	v4 =	vor.u32 v19, v1;
	v3 =	vld.idx.msk [tilespmem:v5+s18+$0x0], $0xffff  }
0x47d: {  	v5 =	vor.u32 v20, v2;
	_ =	sdelay $0x3  }
0x47e: {  	[tilespmem:v4+s23+$0x0] =	vst.idx.msk $0xffff, v3  }
0x47f: {  	v4 =	vor.u32 v21, v1;
	v3 =	vld.idx.msk [tilespmem:v5+s18+$0x0], $0xffff  }
0x480: {  	v5 =	vor.u32 v22, v0;
	_ =	sdelay $0x3  }
0x481: {  	[tilespmem:v4+s23+$0x0] =	vst.idx.msk $0xffff, v3  }
0x482: {  	v4 =	vor.u32 v23, v1;
	v3 =	vld.idx.msk [tilespmem:v5+s18+$0x0], $0xffff  }
0x483: {  	v5 =	vor.u32 v24, v0;
	_ =	sdelay $0x3  }
0x484: {  	[tilespmem:v4+s23+$0x0] =	vst.idx.msk $0xffff, v3  }
0x485: {  	v4 =	vor.u32 v25, v1;
	v3 =	vld.idx.msk [tilespmem:v5+s18+$0x0], $0xffff  }
0x486: {  	v5 =	vor.u32 v26, v0;
	_ =	sdelay $0x3  }
0x487: {  	[tilespmem:v4+s23+$0x0] =	vst.idx.msk $0xffff, v3  }
0x488: {  	v4 =	vor.u32 v27, v1;
	v3 =	vld.idx.msk [tilespmem:v5+s18+$0x0], $0xffff  }
0x489: {  	v5 =	vor.u32 v28, v0;
	_ =	sdelay $0x3  }
0x48a: {  	[tilespmem:v4+s23+$0x0] =	vst.idx.msk $0xffff, v3  }
0x48b: {  	v4 =	vor.u32 v29, v1;
	v3 =	vld.idx.msk [tilespmem:v5+s18+$0x0], $0xffff  }
0x48c: {  	v5 =	vor.u32 v30, v0;
	_ =	sdelay $0x3  }
0x48d: {  	[tilespmem:v4+s23+$0x0] =	vst.idx.msk $0xffff, v3  }
0x48e: {  	v4 =	vor.u32 v8, v1;
	v3 =	vld.idx.msk [tilespmem:v5+s18+$0x0], $0xffff  }
0x48f: {  	v5 =	vor.u32 v9, v0;
	_ =	sdelay $0x3  }
0x490: {  	[tilespmem:v4+s23+$0x0] =	vst.idx.msk $0xffff, v3  }
0x491: {  	v4 =	vor.u32 v31, v1;
	v3 =	vld.idx.msk [tilespmem:v5+s18+$0x0], $0xffff  }
0x492: {  	v5 =	vor.u32 v10, v0;
	_ =	sdelay $0x3  }
0x493: {  	[tilespmem:v4+s23+$0x0] =	vst.idx.msk $0xffff, v3  }
0x494: {  	v4 =	vor.u32 v32, v1;
	v3 =	vld.idx.msk [tilespmem:v5+s18+$0x0], $0xffff  }
0x495: {  	v5 =	vor.u32 v11, v0;
	_ =	sdelay $0x3  }
0x496: {  	[tilespmem:v4+s23+$0x0] =	vst.idx.msk $0xffff, v3  }
0x497: {  	v4 =	vor.u32 v33, v1;
	v3 =	vld.idx.msk [tilespmem:v5+s18+$0x0], $0xffff  }
0x498: {  	v5 =	vor.u32 v12, v2;
	_ =	sdelay $0x3  }
0x499: {  	[tilespmem:v4+s23+$0x0] =	vst.idx.msk $0xffff, v3  }
0x49a: {  	v4 =	vor.u32 v13, v1;
	v3 =	vld.idx.msk [tilespmem:v5+s18+$0x0], $0xffff  }
0x49b: {  	v5 =	vor.u32 v34, v2;
	_ =	sdelay $0x3  }
0x49c: {  	[tilespmem:v4+s23+$0x0] =	vst.idx.msk $0xffff, v3  }
0x49d: {  	v4 =	vor.u32 v35, v1;
	v3 =	vld.idx.msk [tilespmem:v5+s18+$0x0], $0xffff  }
0x49e: {  	v5 =	vor.u32 v36, v2;
	_ =	sdelay $0x3  }
0x49f: {  	[tilespmem:v4+s23+$0x0] =	vst.idx.msk $0xffff, v3  }
0x4a0: {  	v4 =	vor.u32 v37, v1;
	v3 =	vld.idx.msk [tilespmem:v5+s18+$0x0], $0xffff  }
0x4a1: {  	v5 =	vor.u32 v38, v2;
	_ =	sdelay $0x3  }
0x4a2: {  	[tilespmem:v4+s23+$0x0] =	vst.idx.msk $0xffff, v3  }
0x4a3: {  	v4 =	vor.u32 v39, v1;
	v3 =	vld.idx.msk [tilespmem:v5+s18+$0x0], $0xffff  }
0x4a4: {  	v5 =	vor.u32 v40, v2;
	_ =	sdelay $0x3  }
0x4a5: {  	[tilespmem:v4+s23+$0x0] =	vst.idx.msk $0xffff, v3  }
0x4a6: {  	v4 =	vor.u32 v41, v1;
	v3 =	vld.idx.msk [tilespmem:v5+s18+$0x0], $0xffff  }
0x4a7: {  	v5 =	vor.u32 v42, v2;
	_ =	sdelay $0x3  }
0x4a8: {  	[tilespmem:v4+s23+$0x0] =	vst.idx.msk $0xffff, v3  }
0x4a9: {  	v4 =	vor.u32 v43, v1;
	v3 =	vld.idx.msk [tilespmem:v5+s18+$0x0], $0xffff  }
0x4aa: {  	v5 =	vor.u32 v44, v2;
	_ =	sdelay $0x3  }
0x4ab: {  	[tilespmem:v4+s23+$0x0] =	vst.idx.msk $0xffff, v3  }
0x4ac: {  	v4 =	vor.u32 v45, v1;
	v3 =	vld.idx.msk [tilespmem:v5+s18+$0x0], $0xffff  }
0x4ad: {  	v2 =	vor.u32 v46, v2;
	_ =	sdelay $0x3  }
0x4ae: {  	[tilespmem:v4+s23+$0x0] =	vst.idx.msk $0xffff, v3  }
0x4af: {  	v3 =	vor.u32 v47, v1;
	v2 =	vld.idx.msk [tilespmem:v2+s18+$0x0], $0xffff  }
0x4b0: {  	v4 =	vor.u32 v48, v0;
	_ =	sdelay $0x3  }
0x4b1: {  	[tilespmem:v3+s23+$0x0] =	vst.idx.msk $0xffff, v2  }
0x4b2: {  	v3 =	vor.u32 v49, v1;
	v2 =	vld.idx.msk [tilespmem:v4+s18+$0x0], $0xffff  }
0x4b3: {  	v4 =	vor.u32 v50, v0;
	_ =	sdelay $0x3  }
0x4b4: {  	[tilespmem:v3+s23+$0x0] =	vst.idx.msk $0xffff, v2  }
0x4b5: {  	v3 =	vor.u32 v51, v1;
	v2 =	vld.idx.msk [tilespmem:v4+s18+$0x0], $0xffff  }
0x4b6: {  	v4 =	vor.u32 v52, v0;
	_ =	sdelay $0x3  }
0x4b7: {  	[tilespmem:v3+s23+$0x0] =	vst.idx.msk $0xffff, v2  }
0x4b8: {  	v3 =	vor.u32 v53, v1;
	v2 =	vld.idx.msk [tilespmem:v4+s18+$0x0], $0xffff  }
0x4b9: {  	v4 =	vor.u32 v54, v0;
	_ =	sdelay $0x3  }
0x4ba: {  	[tilespmem:v3+s23+$0x0] =	vst.idx.msk $0xffff, v2  }
0x4bb: {  	v3 =	vor.u32 v55, v1;
	v2 =	vld.idx.msk [tilespmem:v4+s18+$0x0], $0xffff  }
0x4bc: {  	v4 =	vor.u32 v56, v0;
	_ =	sdelay $0x3  }
0x4bd: {  	[tilespmem:v3+s23+$0x0] =	vst.idx.msk $0xffff, v2  }
0x4be: {  	v3 =	vor.u32 v57, v1;
	v2 =	vld.idx.msk [tilespmem:v4+s18+$0x0], $0xffff  }
0x4bf: {  	v4 =	vor.u32 v58, v0;
	_ =	sdelay $0x3  }
0x4c0: {  	[tilespmem:v3+s23+$0x0] =	vst.idx.msk $0xffff, v2  }
0x4c1: {  	v3 =	vor.u32 v59, v1;
	v2 =	vld.idx.msk [tilespmem:v4+s18+$0x0], $0xffff  }
0x4c2: {  	v4 =	vor.u32 v60, v0;
	_ =	sdelay $0x3  }
0x4c3: {  	[tilespmem:v3+s23+$0x0] =	vst.idx.msk $0xffff, v2  }
0x4c4: {  	v3 =	vor.u32 v61, v1;
	v2 =	vld.idx.msk [tilespmem:v4+s18+$0x0], $0xffff  }
0x4c5: {  	p0 =	sne.s32 s0, $0xF;
	v4 =	vor.u32 v62, v0  }
.Ltmp3:
0x4c6: {  	_ = 	snop;
	(pc) =	sbr.rel @p0 .LBB2_9-.Ltmp3, $3  }
0x4c7: {  	_ =	sdelay $0x1  }
0x4c8: {  	[tilespmem:v3+s23+$0x0] =	vst.idx.msk $0xffff, v2  }
0x4c9: {  	v0 =	vadd.s32 s0, v6;
	s0 =	sadd.s32 $0x1, s0;
	v3 =	vld.idx.msk [tilespmem:v4+s18+$0x0], $0xffff  }
0x4ca: {  	v2 =	vand.u32 $0xF, v0;
	v1 =	vor.u32 v63, v1  }
0x4cb: {  	v4 =	vor.u32 v7, v2;
	_ =	sdelay $0x3  }
0x4cc: {  	[tilespmem:v1+s23+$0x0] =	vst.idx.msk $0xffff, v3  }
0x4cd: {  	v1 =	vshll.u32 v2, $0x7;
	v6 =	vld.idx.msk [tilespmem:v4+s18+$0x0], $0xffff;
	v4 =	vlaneseq.u32  }
0x4ce: {  	v3 =	vld [tilespmem:$0x1FE00];
	v4 =	vor.u32 v4, v1;
	_ =	sdelay $0x4  }
0x4cf: {  	v5 =	vor.u32 v3, v2;
	[tilespmem:v4+s23+$0x0] =	vst.idx.msk $0xffff, v6;
	v4 =	vld [tilespmem:$0x1FE10];
	_ =	sdelay $0x4  }
0x4d0: {  	v3 =	vld.idx.msk [tilespmem:v5+s18+$0x0], $0xffff;
	v4 =	vor.u32 v4, v1;
	_ =	sdelay $0x3  }
0x4d1: {  	v5 =	vld [tilespmem:$0x1FE20]  }
0x4d2: {  	[tilespmem:v4+s23+$0x0] =	vst.idx.msk $0xffff, v3;
	v3 =	vld [tilespmem:$0x1FE30];
	_ =	sdelay $0x3  }
0x4d3: {  	v5 =	vor.u32 v5, v2  }
0x4d4: {  	v4 =	vor.u32 v3, v1;
	v3 =	vld [tilespmem:$0x1FE40];
	_ =	sdelay $0x3  }
0x4d5: {  	v6 =	vld.idx.msk [tilespmem:v5+s18+$0x0], $0xffff  }
0x4d6: {  	v5 =	vor.u32 v3, v2;
	v3 =	vld [tilespmem:$0x1FE50];
	_ =	sdelay $0x3  }
0x4d7: {  	[tilespmem:v4+s23+$0x0] =	vst.idx.msk $0xffff, v6  }
0x4d8: {  	v6 =	vld.idx.msk [tilespmem:v5+s18+$0x0], $0xffff;
	v4 =	vor.u32 v3, v1  }
0x4d9: {  	v5 =	vor.u32 v14, v2;
	_ =	sdelay $0x3  }
0x4da: {  	[tilespmem:v4+s23+$0x0] =	vst.idx.msk $0xffff, v6  }
0x4db: {  	v4 =	vor.u32 v15, v1;
	v6 =	vld.idx.msk [tilespmem:v5+s18+$0x0], $0xffff  }
0x4dc: {  	v5 =	vor.u32 v16, v2;
	_ =	sdelay $0x3  }
0x4dd: {  	[tilespmem:v4+s23+$0x0] =	vst.idx.msk $0xffff, v6  }
0x4de: {  	v4 =	vor.u32 v17, v1;
	v6 =	vld.idx.msk [tilespmem:v5+s18+$0x0], $0xffff  }
0x4df: {  	v5 =	vor.u32 v18, v2;
	_ =	sdelay $0x3  }
0x4e0: {  	[tilespmem:v4+s23+$0x0] =	vst.idx.msk $0xffff, v6  }
0x4e1: {  	v4 =	vor.u32 v19, v1;
	v6 =	vld.idx.msk [tilespmem:v5+s18+$0x0], $0xffff  }
0x4e2: {  	v5 =	vor.u32 v20, v2;
	_ =	sdelay $0x3  }
0x4e3: {  	[tilespmem:v4+s23+$0x0] =	vst.idx.msk $0xffff, v6  }
0x4e4: {  	v4 =	vor.u32 v21, v1;
	v6 =	vld.idx.msk [tilespmem:v5+s18+$0x0], $0xffff  }
0x4e5: {  	v5 =	vor.u32 v22, v0;
	_ =	sdelay $0x3  }
0x4e6: {  	[tilespmem:v4+s23+$0x0] =	vst.idx.msk $0xffff, v6  }
0x4e7: {  	v4 =	vor.u32 v23, v1;
	v6 =	vld.idx.msk [tilespmem:v5+s18+$0x0], $0xffff  }
0x4e8: {  	v5 =	vor.u32 v24, v0;
	_ =	sdelay $0x3  }
0x4e9: {  	[tilespmem:v4+s23+$0x0] =	vst.idx.msk $0xffff, v6  }
0x4ea: {  	v4 =	vor.u32 v25, v1;
	v6 =	vld.idx.msk [tilespmem:v5+s18+$0x0], $0xffff  }
0x4eb: {  	v5 =	vor.u32 v26, v0;
	_ =	sdelay $0x3  }
0x4ec: {  	[tilespmem:v4+s23+$0x0] =	vst.idx.msk $0xffff, v6  }
0x4ed: {  	v4 =	vor.u32 v27, v1;
	v6 =	vld.idx.msk [tilespmem:v5+s18+$0x0], $0xffff  }
0x4ee: {  	v5 =	vor.u32 v28, v0;
	_ =	sdelay $0x3  }
0x4ef: {  	[tilespmem:v4+s23+$0x0] =	vst.idx.msk $0xffff, v6  }
0x4f0: {  	v4 =	vor.u32 v29, v1;
	v6 =	vld.idx.msk [tilespmem:v5+s18+$0x0], $0xffff  }
0x4f1: {  	v5 =	vor.u32 v30, v0;
	_ =	sdelay $0x3  }
0x4f2: {  	[tilespmem:v4+s23+$0x0] =	vst.idx.msk $0xffff, v6  }
0x4f3: {  	v4 =	vor.u32 v8, v1;
	v6 =	vld.idx.msk [tilespmem:v5+s18+$0x0], $0xffff  }
0x4f4: {  	v5 =	vor.u32 v9, v0;
	_ =	sdelay $0x3  }
0x4f5: {  	[tilespmem:v4+s23+$0x0] =	vst.idx.msk $0xffff, v6  }
0x4f6: {  	v4 =	vor.u32 v31, v1;
	v6 =	vld.idx.msk [tilespmem:v5+s18+$0x0], $0xffff  }
0x4f7: {  	v5 =	vor.u32 v10, v0;
	_ =	sdelay $0x3  }
0x4f8: {  	[tilespmem:v4+s23+$0x0] =	vst.idx.msk $0xffff, v6  }
0x4f9: {  	v4 =	vor.u32 v32, v1;
	v6 =	vld.idx.msk [tilespmem:v5+s18+$0x0], $0xffff  }
0x4fa: {  	v5 =	vor.u32 v11, v0;
	_ =	sdelay $0x3  }
0x4fb: {  	[tilespmem:v4+s23+$0x0] =	vst.idx.msk $0xffff, v6  }
0x4fc: {  	v4 =	vor.u32 v33, v1;
	v6 =	vld.idx.msk [tilespmem:v5+s18+$0x0], $0xffff  }
0x4fd: {  	v5 =	vor.u32 v12, v2;
	_ =	sdelay $0x3  }
0x4fe: {  	[tilespmem:v4+s23+$0x0] =	vst.idx.msk $0xffff, v6  }
0x4ff: {  	v4 =	vor.u32 v13, v1;
	v3 =	vld.idx.msk [tilespmem:v5+s18+$0x0], $0xffff  }
0x500: {  	v5 =	vor.u32 v34, v2;
	_ =	sdelay $0x3  }
0x501: {  	[tilespmem:v4+s23+$0x0] =	vst.idx.msk $0xffff, v3  }
0x502: {  	v4 =	vor.u32 v35, v1;
	v3 =	vld.idx.msk [tilespmem:v5+s18+$0x0], $0xffff  }
0x503: {  	v5 =	vor.u32 v36, v2;
	_ =	sdelay $0x3  }
0x504: {  	[tilespmem:v4+s23+$0x0] =	vst.idx.msk $0xffff, v3  }
0x505: {  	v4 =	vor.u32 v37, v1;
	v3 =	vld.idx.msk [tilespmem:v5+s18+$0x0], $0xffff  }
0x506: {  	v5 =	vor.u32 v38, v2;
	_ =	sdelay $0x3  }
0x507: {  	[tilespmem:v4+s23+$0x0] =	vst.idx.msk $0xffff, v3  }
0x508: {  	v4 =	vor.u32 v39, v1;
	v3 =	vld.idx.msk [tilespmem:v5+s18+$0x0], $0xffff  }
0x509: {  	v5 =	vor.u32 v40, v2;
	_ =	sdelay $0x3  }
0x50a: {  	[tilespmem:v4+s23+$0x0] =	vst.idx.msk $0xffff, v3  }
0x50b: {  	v4 =	vor.u32 v41, v1;
	v3 =	vld.idx.msk [tilespmem:v5+s18+$0x0], $0xffff  }
0x50c: {  	v5 =	vor.u32 v42, v2;
	_ =	sdelay $0x3  }
0x50d: {  	[tilespmem:v4+s23+$0x0] =	vst.idx.msk $0xffff, v3  }
0x50e: {  	v4 =	vor.u32 v43, v1;
	v3 =	vld.idx.msk [tilespmem:v5+s18+$0x0], $0xffff  }
0x50f: {  	v5 =	vor.u32 v44, v2;
	_ =	sdelay $0x3  }
0x510: {  	[tilespmem:v4+s23+$0x0] =	vst.idx.msk $0xffff, v3  }
0x511: {  	v4 =	vor.u32 v45, v1;
	v3 =	vld.idx.msk [tilespmem:v5+s18+$0x0], $0xffff  }
0x512: {  	v2 =	vor.u32 v46, v2;
	_ =	sdelay $0x3  }
0x513: {  	[tilespmem:v4+s23+$0x0] =	vst.idx.msk $0xffff, v3  }
0x514: {  	v3 =	vor.u32 v47, v1;
	v2 =	vld.idx.msk [tilespmem:v2+s18+$0x0], $0xffff  }
0x515: {  	v4 =	vor.u32 v48, v0;
	_ =	sdelay $0x3  }
0x516: {  	[tilespmem:v3+s23+$0x0] =	vst.idx.msk $0xffff, v2  }
0x517: {  	v3 =	vor.u32 v49, v1;
	v2 =	vld.idx.msk [tilespmem:v4+s18+$0x0], $0xffff  }
0x518: {  	v4 =	vor.u32 v50, v0;
	_ =	sdelay $0x3  }
0x519: {  	[tilespmem:v3+s23+$0x0] =	vst.idx.msk $0xffff, v2  }
0x51a: {  	v3 =	vor.u32 v51, v1;
	v2 =	vld.idx.msk [tilespmem:v4+s18+$0x0], $0xffff  }
0x51b: {  	v4 =	vor.u32 v52, v0;
	_ =	sdelay $0x3  }
0x51c: {  	[tilespmem:v3+s23+$0x0] =	vst.idx.msk $0xffff, v2  }
0x51d: {  	v3 =	vor.u32 v53, v1;
	v2 =	vld.idx.msk [tilespmem:v4+s18+$0x0], $0xffff  }
0x51e: {  	v4 =	vor.u32 v54, v0;
	_ =	sdelay $0x3  }
0x51f: {  	[tilespmem:v3+s23+$0x0] =	vst.idx.msk $0xffff, v2  }
0x520: {  	v3 =	vor.u32 v55, v1;
	v2 =	vld.idx.msk [tilespmem:v4+s18+$0x0], $0xffff  }
0x521: {  	v4 =	vor.u32 v56, v0;
	_ =	sdelay $0x3  }
0x522: {  	[tilespmem:v3+s23+$0x0] =	vst.idx.msk $0xffff, v2  }
0x523: {  	v3 =	vor.u32 v57, v1;
	v2 =	vld.idx.msk [tilespmem:v4+s18+$0x0], $0xffff  }
0x524: {  	v4 =	vor.u32 v58, v0;
	_ =	sdelay $0x3  }
0x525: {  	[tilespmem:v3+s23+$0x0] =	vst.idx.msk $0xffff, v2  }
0x526: {  	v3 =	vor.u32 v59, v1;
	v2 =	vld.idx.msk [tilespmem:v4+s18+$0x0], $0xffff  }
0x527: {  	v4 =	vor.u32 v60, v0;
	_ =	sdelay $0x3  }
0x528: {  	[tilespmem:v3+s23+$0x0] =	vst.idx.msk $0xffff, v2  }
0x529: {  	v3 =	vor.u32 v61, v1;
	v2 =	vld.idx.msk [tilespmem:v4+s18+$0x0], $0xffff  }
0x52a: {  	v0 =	vor.u32 v62, v0;
	_ =	sdelay $0x3  }
0x52b: {  	[tilespmem:v3+s23+$0x0] =	vst.idx.msk $0xffff, v2  }
0x52c: {  	v1 =	vor.u32 v63, v1;
	v0 =	vld.idx.msk [tilespmem:v0+s18+$0x0], $0xffff;
	_ =	sdelay $0x1  }
0x52d: {  	s0 =	sshll.u32 s30, $0x13  }
0x52e: {  	s0 =	sadd.s32 s10, s0  }
0x52f: {  	s0 =	sshrl.u32 s0, $0x3  }
0x530: {  	s0 =	sadd.s32 s1, s0;
	[tilespmem:v1+s23+$0x0] =	vst.idx.msk $0xffff, v0  }
0x531: {  	[hbm4b:s0+s13] =	stream.strided.scatter [tilespmem:s23], [sflag:$0x4], $0x2000, s14, s13, $0x38;
	[tilespmem:$0x12400] =	vst v63  }
0x532: {  	s0 =	sshll.u32 s30, $0x8  }
0x533: {  	s0 =	sand.u32 $0x3FFFFF00, s0  }
0x534: {  	s0 =	sadd.s32 $0x280, s0  }
0x535: {  	[tilespmem:s18], [sflag:$0x2] =	stream.indirect.gather [hbm4b:s5+s16], $0x80, s0, s16, $0xb8;
	[tilespmem:$0x12400] =	vst v63  }
0x536: {  	_ =	swait.ge [sflag:s25], $0x2000  }
0x537: {  	v1 =	vld [tilespmem:$0x1FFF0];
	_ =	sdelay $0x1  }
0x538: {  	v4 =	vlaneseq.u32  }
0x539: {  	v0 =	vadd.s32 s2, v4;
	[sflag:s25] =	ssyncset.done $0x0  }
0x53a: {  	v2 =	vand.u32 $0xF, v0;
	[sflag:s25] =	ssyncadd.s32 $0xFFFFE000  }
0x53b: {  	_ =	swait.ge [sflag:s19], $0x4000;
	v3 =	vor.u32 v1, v2  }
0x53c: {  	v5 =	vld [tilespmem:$0x1FE00];
	_ =	sdelay $0x1  }
0x53d: {  	[sflag:s19] =	ssyncset.done $0x0  }
0x53e: {  	[sflag:s19] =	ssyncadd.s32 $0xFFFFC000;
	v1 =	vshll.u32 v2, $0x7  }
0x53f: {  	v4 =	vor.u32 v4, v1;
	v3 =	vld.idx.msk [tilespmem:v3+s17+$0x0], $0xffff  }
0x540: {  	v5 =	vor.u32 v5, v2;
	_ =	sdelay $0x3  }
0x541: {  	[tilespmem:v4+s20+$0x0] =	vst.idx.msk $0xffff, v3;
	v4 =	vld [tilespmem:$0x1FE10]  }
0x542: {  	v3 =	vld.idx.msk [tilespmem:v5+s17+$0x0], $0xffff  }
0x543: {  	v5 =	vld [tilespmem:$0x1FE20];
	_ =	sdelay $0x3  }
0x544: {  	v4 =	vor.u32 v4, v1  }
0x545: {  	v5 =	vor.u32 v5, v2;
	_ =	sdelay $0x3  }
0x546: {  	[tilespmem:v4+s20+$0x0] =	vst.idx.msk $0xffff, v3;
	v4 =	vld [tilespmem:$0x1FE30]  }
0x547: {  	v3 =	vld.idx.msk [tilespmem:v5+s17+$0x0], $0xffff  }
0x548: {  	v5 =	vld [tilespmem:$0x1FE40];
	_ =	sdelay $0x3  }
0x549: {  	v4 =	vor.u32 v4, v1  }
0x54a: {  	v5 =	vor.u32 v5, v2;
	_ =	sdelay $0x3  }
0x54b: {  	[tilespmem:v4+s20+$0x0] =	vst.idx.msk $0xffff, v3;
	v4 =	vld [tilespmem:$0x1FE50]  }
0x54c: {  	v3 =	vld.idx.msk [tilespmem:v5+s17+$0x0], $0xffff  }
0x54d: {  	v5 =	vld [tilespmem:$0x1FF20];
	_ =	sdelay $0x3  }
0x54e: {  	v4 =	vor.u32 v4, v1  }
0x54f: {  	v5 =	vor.u32 v5, v2;
	_ =	sdelay $0x3  }
0x550: {  	[tilespmem:v4+s20+$0x0] =	vst.idx.msk $0xffff, v3;
	v4 =	vld [tilespmem:$0x1FE60]  }
0x551: {  	v3 =	vld.idx.msk [tilespmem:v5+s17+$0x0], $0xffff  }
0x552: {  	v5 =	vld [tilespmem:$0x1FF30];
	_ =	sdelay $0x3  }
0x553: {  	v4 =	vor.u32 v4, v1  }
0x554: {  	v5 =	vor.u32 v5, v2;
	_ =	sdelay $0x3  }
0x555: {  	[tilespmem:v4+s20+$0x0] =	vst.idx.msk $0xffff, v3;
	v4 =	vld [tilespmem:$0x1FE70]  }
0x556: {  	v3 =	vld.idx.msk [tilespmem:v5+s17+$0x0], $0xffff  }
0x557: {  	v5 =	vld [tilespmem:$0x1FF40];
	_ =	sdelay $0x3  }
0x558: {  	v4 =	vor.u32 v4, v1  }
0x559: {  	v5 =	vor.u32 v5, v2;
	_ =	sdelay $0x3  }
0x55a: {  	[tilespmem:v4+s20+$0x0] =	vst.idx.msk $0xffff, v3;
	v4 =	vld [tilespmem:$0x1FE80]  }
0x55b: {  	v3 =	vld.idx.msk [tilespmem:v5+s17+$0x0], $0xffff  }
0x55c: {  	v5 =	vld [tilespmem:$0x1FF50];
	_ =	sdelay $0x3  }
0x55d: {  	v4 =	vor.u32 v4, v1  }
0x55e: {  	v5 =	vor.u32 v5, v2;
	_ =	sdelay $0x3  }
0x55f: {  	[tilespmem:v4+s20+$0x0] =	vst.idx.msk $0xffff, v3;
	v4 =	vld [tilespmem:$0x1FE90]  }
0x560: {  	v3 =	vld.idx.msk [tilespmem:v5+s17+$0x0], $0xffff  }
0x561: {  	v5 =	vld [tilespmem:$0x1FF60];
	_ =	sdelay $0x3  }
0x562: {  	v4 =	vor.u32 v4, v1  }
0x563: {  	v5 =	vor.u32 v5, v0;
	_ =	sdelay $0x3  }
0x564: {  	[tilespmem:v4+s20+$0x0] =	vst.idx.msk $0xffff, v3;
	v4 =	vld [tilespmem:$0x1FEA0]  }
0x565: {  	v3 =	vld.idx.msk [tilespmem:v5+s17+$0x0], $0xffff  }
0x566: {  	v5 =	vld [tilespmem:$0x1FF70];
	_ =	sdelay $0x3  }
0x567: {  	v4 =	vor.u32 v4, v1  }
0x568: {  	v5 =	vor.u32 v5, v0;
	_ =	sdelay $0x3  }
0x569: {  	[tilespmem:v4+s20+$0x0] =	vst.idx.msk $0xffff, v3;
	v4 =	vld [tilespmem:$0x1FEB0]  }
0x56a: {  	v3 =	vld.idx.msk [tilespmem:v5+s17+$0x0], $0xffff  }
0x56b: {  	v5 =	vld [tilespmem:$0x1FF80];
	_ =	sdelay $0x3  }
0x56c: {  	v4 =	vor.u32 v4, v1  }
0x56d: {  	v5 =	vor.u32 v5, v0;
	_ =	sdelay $0x3  }
0x56e: {  	[tilespmem:v4+s20+$0x0] =	vst.idx.msk $0xffff, v3;
	v4 =	vld [tilespmem:$0x1FEC0]  }
0x56f: {  	v3 =	vld.idx.msk [tilespmem:v5+s17+$0x0], $0xffff  }
0x570: {  	v5 =	vld [tilespmem:$0x1FF90];
	_ =	sdelay $0x3  }
0x571: {  	v4 =	vor.u32 v4, v1  }
0x572: {  	v5 =	vor.u32 v5, v0;
	_ =	sdelay $0x3  }
0x573: {  	[tilespmem:v4+s20+$0x0] =	vst.idx.msk $0xffff, v3;
	v4 =	vld [tilespmem:$0x1FED0]  }
0x574: {  	v3 =	vld.idx.msk [tilespmem:v5+s17+$0x0], $0xffff  }
0x575: {  	v5 =	vld [tilespmem:$0x1FFA0];
	_ =	sdelay $0x3  }
0x576: {  	v4 =	vor.u32 v4, v1  }
0x577: {  	v5 =	vor.u32 v5, v0;
	_ =	sdelay $0x3  }
0x578: {  	[tilespmem:v4+s20+$0x0] =	vst.idx.msk $0xffff, v3;
	v4 =	vld [tilespmem:$0x1FEE0]  }
0x579: {  	v3 =	vld.idx.msk [tilespmem:v5+s17+$0x0], $0xffff  }
0x57a: {  	v5 =	vld [tilespmem:$0x1FFB0];
	_ =	sdelay $0x3  }
0x57b: {  	v4 =	vor.u32 v4, v1  }
0x57c: {  	v5 =	vor.u32 v5, v0;
	_ =	sdelay $0x3  }
0x57d: {  	[tilespmem:v4+s20+$0x0] =	vst.idx.msk $0xffff, v3;
	v4 =	vld [tilespmem:$0x1FEF0]  }
0x57e: {  	v3 =	vld.idx.msk [tilespmem:v5+s17+$0x0], $0xffff  }
0x57f: {  	v5 =	vld [tilespmem:$0x1FFC0];
	_ =	sdelay $0x3  }
0x580: {  	v4 =	vor.u32 v4, v1  }
0x581: {  	v5 =	vor.u32 v5, v0;
	_ =	sdelay $0x3  }
0x582: {  	[tilespmem:v4+s20+$0x0] =	vst.idx.msk $0xffff, v3;
	v4 =	vld [tilespmem:$0x1FF00]  }
0x583: {  	v3 =	vld.idx.msk [tilespmem:v5+s17+$0x0], $0xffff  }
0x584: {  	v5 =	vld [tilespmem:$0x1FFD0];
	_ =	sdelay $0x3  }
0x585: {  	v4 =	vor.u32 v4, v1  }
0x586: {  	v5 =	vor.u32 v5, v0;
	_ =	sdelay $0x3  }
0x587: {  	[tilespmem:v4+s20+$0x0] =	vst.idx.msk $0xffff, v3;
	v4 =	vld [tilespmem:$0x1FF10]  }
0x588: {  	v3 =	vld.idx.msk [tilespmem:v5+s17+$0x0], $0xffff  }
0x589: {  	v5 =	vld [tilespmem:$0x1FFE0];
	_ =	sdelay $0x3  }
0x58a: {  	v4 =	vor.u32 v4, v1  }
0x58b: {  	v5 =	vor.u32 v5, v2;
	_ =	sdelay $0x3  }
0x58c: {  	[tilespmem:v4+s20+$0x0] =	vst.idx.msk $0xffff, v3  }
0x58d: {  	v4 =	vor.u32 v13, v1;
	v3 =	vld.idx.msk [tilespmem:v5+s17+$0x0], $0xffff  }
0x58e: {  	v5 =	vor.u32 v34, v2;
	_ =	sdelay $0x3  }
0x58f: {  	[tilespmem:v4+s20+$0x0] =	vst.idx.msk $0xffff, v3  }
0x590: {  	v4 =	vor.u32 v35, v1;
	v3 =	vld.idx.msk [tilespmem:v5+s17+$0x0], $0xffff  }
0x591: {  	v5 =	vor.u32 v36, v2;
	_ =	sdelay $0x3  }
0x592: {  	[tilespmem:v4+s20+$0x0] =	vst.idx.msk $0xffff, v3  }
0x593: {  	v4 =	vor.u32 v37, v1;
	v3 =	vld.idx.msk [tilespmem:v5+s17+$0x0], $0xffff  }
0x594: {  	v5 =	vor.u32 v38, v2;
	_ =	sdelay $0x3  }
0x595: {  	[tilespmem:v4+s20+$0x0] =	vst.idx.msk $0xffff, v3  }
0x596: {  	v4 =	vor.u32 v39, v1;
	v3 =	vld.idx.msk [tilespmem:v5+s17+$0x0], $0xffff  }
0x597: {  	v5 =	vor.u32 v40, v2;
	_ =	sdelay $0x3  }
0x598: {  	[tilespmem:v4+s20+$0x0] =	vst.idx.msk $0xffff, v3  }
0x599: {  	v4 =	vor.u32 v41, v1;
	v3 =	vld.idx.msk [tilespmem:v5+s17+$0x0], $0xffff  }
0x59a: {  	v5 =	vor.u32 v42, v2;
	_ =	sdelay $0x3  }
0x59b: {  	[tilespmem:v4+s20+$0x0] =	vst.idx.msk $0xffff, v3  }
0x59c: {  	v4 =	vor.u32 v43, v1;
	v3 =	vld.idx.msk [tilespmem:v5+s17+$0x0], $0xffff  }
0x59d: {  	v5 =	vor.u32 v44, v2;
	_ =	sdelay $0x3  }
0x59e: {  	[tilespmem:v4+s20+$0x0] =	vst.idx.msk $0xffff, v3  }
0x59f: {  	v4 =	vor.u32 v45, v1;
	v3 =	vld.idx.msk [tilespmem:v5+s17+$0x0], $0xffff  }
0x5a0: {  	v2 =	vor.u32 v46, v2;
	_ =	sdelay $0x3  }
0x5a1: {  	[tilespmem:v4+s20+$0x0] =	vst.idx.msk $0xffff, v3  }
0x5a2: {  	v3 =	vor.u32 v47, v1;
	v2 =	vld.idx.msk [tilespmem:v2+s17+$0x0], $0xffff  }
0x5a3: {  	v4 =	vor.u32 v48, v0;
	_ =	sdelay $0x3  }
0x5a4: {  	[tilespmem:v3+s20+$0x0] =	vst.idx.msk $0xffff, v2  }
0x5a5: {  	v3 =	vor.u32 v49, v1;
	v2 =	vld.idx.msk [tilespmem:v4+s17+$0x0], $0xffff  }
0x5a6: {  	v4 =	vor.u32 v50, v0;
	_ =	sdelay $0x3  }
0x5a7: {  	[tilespmem:v3+s20+$0x0] =	vst.idx.msk $0xffff, v2  }
0x5a8: {  	v3 =	vor.u32 v51, v1;
	v2 =	vld.idx.msk [tilespmem:v4+s17+$0x0], $0xffff  }
0x5a9: {  	v4 =	vor.u32 v52, v0;
	_ =	sdelay $0x3  }
0x5aa: {  	[tilespmem:v3+s20+$0x0] =	vst.idx.msk $0xffff, v2  }
0x5ab: {  	v3 =	vor.u32 v53, v1;
	v2 =	vld.idx.msk [tilespmem:v4+s17+$0x0], $0xffff  }
0x5ac: {  	v4 =	vor.u32 v54, v0;
	_ =	sdelay $0x3  }
0x5ad: {  	[tilespmem:v3+s20+$0x0] =	vst.idx.msk $0xffff, v2  }
0x5ae: {  	v3 =	vor.u32 v55, v1;
	v2 =	vld.idx.msk [tilespmem:v4+s17+$0x0], $0xffff  }
0x5af: {  	v4 =	vor.u32 v56, v0;
	_ =	sdelay $0x3  }
0x5b0: {  	[tilespmem:v3+s20+$0x0] =	vst.idx.msk $0xffff, v2  }
0x5b1: {  	v3 =	vor.u32 v57, v1;
	v2 =	vld.idx.msk [tilespmem:v4+s17+$0x0], $0xffff  }
0x5b2: {  	v4 =	vor.u32 v58, v0;
	_ =	sdelay $0x3  }
0x5b3: {  	[tilespmem:v3+s20+$0x0] =	vst.idx.msk $0xffff, v2  }
0x5b4: {  	v3 =	vor.u32 v59, v1;
	v2 =	vld.idx.msk [tilespmem:v4+s17+$0x0], $0xffff  }
0x5b5: {  	v4 =	vor.u32 v60, v0;
	_ =	sdelay $0x3  }
0x5b6: {  	[tilespmem:v3+s20+$0x0] =	vst.idx.msk $0xffff, v2  }
0x5b7: {  	v3 =	vor.u32 v61, v1;
	v2 =	vld.idx.msk [tilespmem:v4+s17+$0x0], $0xffff  }
0x5b8: {  	v4 =	vor.u32 v62, v0;
	_ =	sdelay $0x3  }
0x5b9: {  	s0 =	simm.s32 $0x1;
	v0 =	vlaneseq.u32;
	[tilespmem:v3+s20+$0x0] =	vst.idx.msk $0xffff, v2  }
0x5ba: {  	v0 =	vadd.s32 s0, v0;
	s0 =	simm.s32 $0x2;
	v3 =	vld.idx.msk [tilespmem:v4+s17+$0x0], $0xffff  }
.LBB2_11:
0x5bb: {  	v2 =	vand.u32 $0xF, v0;
	v1 =	vor.u32 v63, v1  }
0x5bc: {  	v4 =	vor.u32 v7, v2;
	_ =	sdelay $0x2  }
0x5bd: {  	v5 =	vld [tilespmem:$0x1FE00]  }
0x5be: {  	v6 =	vlaneseq.u32;
	[tilespmem:v1+s20+$0x0] =	vst.idx.msk $0xffff, v3;
	v1 =	vshll.u32 v2, $0x7  }
0x5bf: {  	v3 =	vld.idx.msk [tilespmem:v4+s17+$0x0], $0xffff;
	v4 =	vor.u32 v6, v1;
	_ =	sdelay $0x2  }
0x5c0: {  	v5 =	vor.u32 v5, v2;
	_ =	sdelay $0x1  }
0x5c1: {  	[tilespmem:v4+s20+$0x0] =	vst.idx.msk $0xffff, v3;
	v4 =	vld [tilespmem:$0x1FE10];
	_ =	sdelay $0x2  }
0x5c2: {  	v3 =	vld.idx.msk [tilespmem:v5+s17+$0x0], $0xffff  }
0x5c3: {  	v5 =	vld [tilespmem:$0x1FE20]  }
0x5c4: {  	v4 =	vor.u32 v4, v1;
	_ =	sdelay $0x3  }
0x5c5: {  	v5 =	vor.u32 v5, v2  }
0x5c6: {  	[tilespmem:v4+s20+$0x0] =	vst.idx.msk $0xffff, v3;
	v4 =	vld [tilespmem:$0x1FE30];
	_ =	sdelay $0x3  }
0x5c7: {  	v3 =	vld.idx.msk [tilespmem:v5+s17+$0x0], $0xffff  }
0x5c8: {  	v5 =	vld [tilespmem:$0x1FE40];
	v4 =	vor.u32 v4, v1;
	_ =	sdelay $0x4  }
0x5c9: {  	v5 =	vor.u32 v5, v2;
	[tilespmem:v4+s20+$0x0] =	vst.idx.msk $0xffff, v3;
	v4 =	vld [tilespmem:$0x1FE50];
	_ =	sdelay $0x4  }
0x5ca: {  	v3 =	vld.idx.msk [tilespmem:v5+s17+$0x0], $0xffff;
	v4 =	vor.u32 v4, v1  }
0x5cb: {  	v5 =	vor.u32 v14, v2;
	_ =	sdelay $0x3  }
0x5cc: {  	[tilespmem:v4+s20+$0x0] =	vst.idx.msk $0xffff, v3  }
0x5cd: {  	v4 =	vor.u32 v15, v1;
	v3 =	vld.idx.msk [tilespmem:v5+s17+$0x0], $0xffff  }
0x5ce: {  	v5 =	vor.u32 v16, v2;
	_ =	sdelay $0x3  }
0x5cf: {  	[tilespmem:v4+s20+$0x0] =	vst.idx.msk $0xffff, v3  }
0x5d0: {  	v4 =	vor.u32 v17, v1;
	v3 =	vld.idx.msk [tilespmem:v5+s17+$0x0], $0xffff  }
0x5d1: {  	v5 =	vor.u32 v18, v2;
	_ =	sdelay $0x3  }
0x5d2: {  	[tilespmem:v4+s20+$0x0] =	vst.idx.msk $0xffff, v3  }
0x5d3: {  	v4 =	vor.u32 v19, v1;
	v3 =	vld.idx.msk [tilespmem:v5+s17+$0x0], $0xffff  }
0x5d4: {  	v5 =	vor.u32 v20, v2;
	_ =	sdelay $0x3  }
0x5d5: {  	[tilespmem:v4+s20+$0x0] =	vst.idx.msk $0xffff, v3  }
0x5d6: {  	v4 =	vor.u32 v21, v1;
	v3 =	vld.idx.msk [tilespmem:v5+s17+$0x0], $0xffff  }
0x5d7: {  	v5 =	vor.u32 v22, v0;
	_ =	sdelay $0x3  }
0x5d8: {  	[tilespmem:v4+s20+$0x0] =	vst.idx.msk $0xffff, v3  }
0x5d9: {  	v4 =	vor.u32 v23, v1;
	v3 =	vld.idx.msk [tilespmem:v5+s17+$0x0], $0xffff  }
0x5da: {  	v5 =	vor.u32 v24, v0;
	_ =	sdelay $0x3  }
0x5db: {  	[tilespmem:v4+s20+$0x0] =	vst.idx.msk $0xffff, v3  }
0x5dc: {  	v4 =	vor.u32 v25, v1;
	v3 =	vld.idx.msk [tilespmem:v5+s17+$0x0], $0xffff  }
0x5dd: {  	v5 =	vor.u32 v26, v0;
	_ =	sdelay $0x3  }
0x5de: {  	[tilespmem:v4+s20+$0x0] =	vst.idx.msk $0xffff, v3  }
0x5df: {  	v4 =	vor.u32 v27, v1;
	v3 =	vld.idx.msk [tilespmem:v5+s17+$0x0], $0xffff  }
0x5e0: {  	v5 =	vor.u32 v28, v0;
	_ =	sdelay $0x3  }
0x5e1: {  	[tilespmem:v4+s20+$0x0] =	vst.idx.msk $0xffff, v3  }
0x5e2: {  	v4 =	vor.u32 v29, v1;
	v3 =	vld.idx.msk [tilespmem:v5+s17+$0x0], $0xffff  }
0x5e3: {  	v5 =	vor.u32 v30, v0;
	_ =	sdelay $0x3  }
0x5e4: {  	[tilespmem:v4+s20+$0x0] =	vst.idx.msk $0xffff, v3  }
0x5e5: {  	v4 =	vor.u32 v8, v1;
	v3 =	vld.idx.msk [tilespmem:v5+s17+$0x0], $0xffff  }
0x5e6: {  	v5 =	vor.u32 v9, v0;
	_ =	sdelay $0x3  }
0x5e7: {  	[tilespmem:v4+s20+$0x0] =	vst.idx.msk $0xffff, v3  }
0x5e8: {  	v4 =	vor.u32 v31, v1;
	v3 =	vld.idx.msk [tilespmem:v5+s17+$0x0], $0xffff  }
0x5e9: {  	v5 =	vor.u32 v10, v0;
	_ =	sdelay $0x3  }
0x5ea: {  	[tilespmem:v4+s20+$0x0] =	vst.idx.msk $0xffff, v3  }
0x5eb: {  	v4 =	vor.u32 v32, v1;
	v3 =	vld.idx.msk [tilespmem:v5+s17+$0x0], $0xffff  }
0x5ec: {  	v5 =	vor.u32 v11, v0;
	_ =	sdelay $0x3  }
0x5ed: {  	[tilespmem:v4+s20+$0x0] =	vst.idx.msk $0xffff, v3  }
0x5ee: {  	v4 =	vor.u32 v33, v1;
	v3 =	vld.idx.msk [tilespmem:v5+s17+$0x0], $0xffff  }
0x5ef: {  	v5 =	vor.u32 v12, v2;
	_ =	sdelay $0x3  }
0x5f0: {  	[tilespmem:v4+s20+$0x0] =	vst.idx.msk $0xffff, v3  }
0x5f1: {  	v4 =	vor.u32 v13, v1;
	v3 =	vld.idx.msk [tilespmem:v5+s17+$0x0], $0xffff  }
0x5f2: {  	v5 =	vor.u32 v34, v2;
	_ =	sdelay $0x3  }
0x5f3: {  	[tilespmem:v4+s20+$0x0] =	vst.idx.msk $0xffff, v3  }
0x5f4: {  	v4 =	vor.u32 v35, v1;
	v3 =	vld.idx.msk [tilespmem:v5+s17+$0x0], $0xffff  }
0x5f5: {  	v5 =	vor.u32 v36, v2;
	_ =	sdelay $0x3  }
0x5f6: {  	[tilespmem:v4+s20+$0x0] =	vst.idx.msk $0xffff, v3  }
0x5f7: {  	v4 =	vor.u32 v37, v1;
	v3 =	vld.idx.msk [tilespmem:v5+s17+$0x0], $0xffff  }
0x5f8: {  	v5 =	vor.u32 v38, v2;
	_ =	sdelay $0x3  }
0x5f9: {  	[tilespmem:v4+s20+$0x0] =	vst.idx.msk $0xffff, v3  }
0x5fa: {  	v4 =	vor.u32 v39, v1;
	v3 =	vld.idx.msk [tilespmem:v5+s17+$0x0], $0xffff  }
0x5fb: {  	v5 =	vor.u32 v40, v2;
	_ =	sdelay $0x3  }
0x5fc: {  	[tilespmem:v4+s20+$0x0] =	vst.idx.msk $0xffff, v3  }
0x5fd: {  	v4 =	vor.u32 v41, v1;
	v3 =	vld.idx.msk [tilespmem:v5+s17+$0x0], $0xffff  }
0x5fe: {  	v5 =	vor.u32 v42, v2;
	_ =	sdelay $0x3  }
0x5ff: {  	[tilespmem:v4+s20+$0x0] =	vst.idx.msk $0xffff, v3  }
0x600: {  	v4 =	vor.u32 v43, v1;
	v3 =	vld.idx.msk [tilespmem:v5+s17+$0x0], $0xffff  }
0x601: {  	v5 =	vor.u32 v44, v2;
	_ =	sdelay $0x3  }
0x602: {  	[tilespmem:v4+s20+$0x0] =	vst.idx.msk $0xffff, v3  }
0x603: {  	v4 =	vor.u32 v45, v1;
	v3 =	vld.idx.msk [tilespmem:v5+s17+$0x0], $0xffff  }
0x604: {  	v2 =	vor.u32 v46, v2;
	_ =	sdelay $0x3  }
0x605: {  	[tilespmem:v4+s20+$0x0] =	vst.idx.msk $0xffff, v3  }
0x606: {  	v3 =	vor.u32 v47, v1;
	v2 =	vld.idx.msk [tilespmem:v2+s17+$0x0], $0xffff  }
0x607: {  	v4 =	vor.u32 v48, v0;
	_ =	sdelay $0x3  }
0x608: {  	[tilespmem:v3+s20+$0x0] =	vst.idx.msk $0xffff, v2  }
0x609: {  	v3 =	vor.u32 v49, v1;
	v2 =	vld.idx.msk [tilespmem:v4+s17+$0x0], $0xffff  }
0x60a: {  	v4 =	vor.u32 v50, v0;
	_ =	sdelay $0x3  }
0x60b: {  	[tilespmem:v3+s20+$0x0] =	vst.idx.msk $0xffff, v2  }
0x60c: {  	v3 =	vor.u32 v51, v1;
	v2 =	vld.idx.msk [tilespmem:v4+s17+$0x0], $0xffff  }
0x60d: {  	v4 =	vor.u32 v52, v0;
	_ =	sdelay $0x3  }
0x60e: {  	[tilespmem:v3+s20+$0x0] =	vst.idx.msk $0xffff, v2  }
0x60f: {  	v3 =	vor.u32 v53, v1;
	v2 =	vld.idx.msk [tilespmem:v4+s17+$0x0], $0xffff  }
0x610: {  	v4 =	vor.u32 v54, v0;
	_ =	sdelay $0x3  }
0x611: {  	[tilespmem:v3+s20+$0x0] =	vst.idx.msk $0xffff, v2  }
0x612: {  	v3 =	vor.u32 v55, v1;
	v2 =	vld.idx.msk [tilespmem:v4+s17+$0x0], $0xffff  }
0x613: {  	v4 =	vor.u32 v56, v0;
	_ =	sdelay $0x3  }
0x614: {  	[tilespmem:v3+s20+$0x0] =	vst.idx.msk $0xffff, v2  }
0x615: {  	v3 =	vor.u32 v57, v1;
	v2 =	vld.idx.msk [tilespmem:v4+s17+$0x0], $0xffff  }
0x616: {  	v4 =	vor.u32 v58, v0;
	_ =	sdelay $0x3  }
0x617: {  	[tilespmem:v3+s20+$0x0] =	vst.idx.msk $0xffff, v2  }
0x618: {  	v3 =	vor.u32 v59, v1;
	v2 =	vld.idx.msk [tilespmem:v4+s17+$0x0], $0xffff  }
0x619: {  	v4 =	vor.u32 v60, v0;
	_ =	sdelay $0x3  }
0x61a: {  	[tilespmem:v3+s20+$0x0] =	vst.idx.msk $0xffff, v2  }
0x61b: {  	v3 =	vor.u32 v61, v1;
	v2 =	vld.idx.msk [tilespmem:v4+s17+$0x0], $0xffff  }
0x61c: {  	p0 =	sne.s32 s0, $0xF;
	v4 =	vor.u32 v62, v0  }
.Ltmp4:
0x61d: {  	_ = 	snop;
	(pc) =	sbr.rel @p0 .LBB2_11-.Ltmp4, $3  }
0x61e: {  	_ =	sdelay $0x1  }
0x61f: {  	[tilespmem:v3+s20+$0x0] =	vst.idx.msk $0xffff, v2  }
0x620: {  	v5 =	vlaneseq.u32;
	v0 =	vadd.s32 s0, v6;
	s0 =	sadd.s32 $0x1, s0;
	v3 =	vld.idx.msk [tilespmem:v4+s17+$0x0], $0xffff  }
0x621: {  	v2 =	vand.u32 $0xF, v0;
	v1 =	vor.u32 v63, v1  }
0x622: {  	v4 =	vor.u32 v7, v2;
	_ =	sdelay $0x3  }
0x623: {  	[tilespmem:v1+s20+$0x0] =	vst.idx.msk $0xffff, v3  }
0x624: {  	v1 =	vshll.u32 v2, $0x7;
	v3 =	vld.idx.msk [tilespmem:v4+s17+$0x0], $0xffff  }
0x625: {  	v4 =	vor.u32 v5, v1;
	v5 =	vld [tilespmem:$0x1FE00];
	_ =	sdelay $0x4  }
0x626: {  	v5 =	vor.u32 v5, v2;
	_ =	sdelay $0x1  }
0x627: {  	[tilespmem:v4+s20+$0x0] =	vst.idx.msk $0xffff, v3;
	v4 =	vld [tilespmem:$0x1FE10];
	_ =	sdelay $0x2  }
0x628: {  	v3 =	vld.idx.msk [tilespmem:v5+s17+$0x0], $0xffff  }
0x629: {  	v5 =	vld [tilespmem:$0x1FE20]  }
0x62a: {  	v4 =	vor.u32 v4, v1;
	_ =	sdelay $0x3  }
0x62b: {  	v5 =	vor.u32 v5, v2  }
0x62c: {  	[tilespmem:v4+s20+$0x0] =	vst.idx.msk $0xffff, v3;
	v4 =	vld [tilespmem:$0x1FE30];
	_ =	sdelay $0x3  }
0x62d: {  	v3 =	vld.idx.msk [tilespmem:v5+s17+$0x0], $0xffff  }
0x62e: {  	v4 =	vor.u32 v4, v1;
	v5 =	vld [tilespmem:$0x1FE40];
	_ =	sdelay $0x4  }
0x62f: {  	v5 =	vor.u32 v5, v2;
	[tilespmem:v4+s20+$0x0] =	vst.idx.msk $0xffff, v3;
	v4 =	vld [tilespmem:$0x1FE50];
	_ =	sdelay $0x4  }
0x630: {  	v3 =	vld.idx.msk [tilespmem:v5+s17+$0x0], $0xffff;
	v4 =	vor.u32 v4, v1  }
0x631: {  	v5 =	vor.u32 v14, v2;
	_ =	sdelay $0x3  }
0x632: {  	[tilespmem:v4+s20+$0x0] =	vst.idx.msk $0xffff, v3  }
0x633: {  	v4 =	vor.u32 v15, v1;
	v3 =	vld.idx.msk [tilespmem:v5+s17+$0x0], $0xffff  }
0x634: {  	v5 =	vor.u32 v16, v2;
	_ =	sdelay $0x3  }
0x635: {  	[tilespmem:v4+s20+$0x0] =	vst.idx.msk $0xffff, v3  }
0x636: {  	v4 =	vor.u32 v17, v1;
	v3 =	vld.idx.msk [tilespmem:v5+s17+$0x0], $0xffff  }
0x637: {  	v5 =	vor.u32 v18, v2;
	_ =	sdelay $0x3  }
0x638: {  	[tilespmem:v4+s20+$0x0] =	vst.idx.msk $0xffff, v3  }
0x639: {  	v4 =	vor.u32 v19, v1;
	v3 =	vld.idx.msk [tilespmem:v5+s17+$0x0], $0xffff  }
0x63a: {  	v5 =	vor.u32 v20, v2;
	_ =	sdelay $0x3  }
0x63b: {  	[tilespmem:v4+s20+$0x0] =	vst.idx.msk $0xffff, v3  }
0x63c: {  	v4 =	vor.u32 v21, v1;
	v3 =	vld.idx.msk [tilespmem:v5+s17+$0x0], $0xffff  }
0x63d: {  	v5 =	vor.u32 v22, v0;
	_ =	sdelay $0x3  }
0x63e: {  	[tilespmem:v4+s20+$0x0] =	vst.idx.msk $0xffff, v3  }
0x63f: {  	v4 =	vor.u32 v23, v1;
	v3 =	vld.idx.msk [tilespmem:v5+s17+$0x0], $0xffff  }
0x640: {  	v5 =	vor.u32 v24, v0;
	_ =	sdelay $0x3  }
0x641: {  	[tilespmem:v4+s20+$0x0] =	vst.idx.msk $0xffff, v3  }
0x642: {  	v4 =	vor.u32 v25, v1;
	v3 =	vld.idx.msk [tilespmem:v5+s17+$0x0], $0xffff  }
0x643: {  	v5 =	vor.u32 v26, v0;
	_ =	sdelay $0x3  }
0x644: {  	[tilespmem:v4+s20+$0x0] =	vst.idx.msk $0xffff, v3  }
0x645: {  	v4 =	vor.u32 v27, v1;
	v3 =	vld.idx.msk [tilespmem:v5+s17+$0x0], $0xffff  }
0x646: {  	v5 =	vor.u32 v28, v0;
	_ =	sdelay $0x3  }
0x647: {  	[tilespmem:v4+s20+$0x0] =	vst.idx.msk $0xffff, v3  }
0x648: {  	v4 =	vor.u32 v29, v1;
	v3 =	vld.idx.msk [tilespmem:v5+s17+$0x0], $0xffff  }
0x649: {  	v5 =	vor.u32 v30, v0;
	_ =	sdelay $0x3  }
0x64a: {  	[tilespmem:v4+s20+$0x0] =	vst.idx.msk $0xffff, v3  }
0x64b: {  	v4 =	vor.u32 v8, v1;
	v3 =	vld.idx.msk [tilespmem:v5+s17+$0x0], $0xffff  }
0x64c: {  	v5 =	vor.u32 v9, v0;
	_ =	sdelay $0x3  }
0x64d: {  	[tilespmem:v4+s20+$0x0] =	vst.idx.msk $0xffff, v3  }
0x64e: {  	v4 =	vor.u32 v31, v1;
	v3 =	vld.idx.msk [tilespmem:v5+s17+$0x0], $0xffff  }
0x64f: {  	v5 =	vor.u32 v10, v0;
	_ =	sdelay $0x3  }
0x650: {  	[tilespmem:v4+s20+$0x0] =	vst.idx.msk $0xffff, v3  }
0x651: {  	v4 =	vor.u32 v32, v1;
	v3 =	vld.idx.msk [tilespmem:v5+s17+$0x0], $0xffff  }
0x652: {  	v5 =	vor.u32 v11, v0;
	_ =	sdelay $0x3  }
0x653: {  	[tilespmem:v4+s20+$0x0] =	vst.idx.msk $0xffff, v3  }
0x654: {  	v4 =	vor.u32 v33, v1;
	v3 =	vld.idx.msk [tilespmem:v5+s17+$0x0], $0xffff  }
0x655: {  	v5 =	vor.u32 v12, v2;
	_ =	sdelay $0x3  }
0x656: {  	[tilespmem:v4+s20+$0x0] =	vst.idx.msk $0xffff, v3  }
0x657: {  	v4 =	vor.u32 v13, v1;
	v3 =	vld.idx.msk [tilespmem:v5+s17+$0x0], $0xffff  }
0x658: {  	v5 =	vor.u32 v34, v2;
	_ =	sdelay $0x3  }
0x659: {  	[tilespmem:v4+s20+$0x0] =	vst.idx.msk $0xffff, v3  }
0x65a: {  	v4 =	vor.u32 v35, v1;
	v3 =	vld.idx.msk [tilespmem:v5+s17+$0x0], $0xffff  }
0x65b: {  	v5 =	vor.u32 v36, v2;
	_ =	sdelay $0x3  }
0x65c: {  	[tilespmem:v4+s20+$0x0] =	vst.idx.msk $0xffff, v3  }
0x65d: {  	v4 =	vor.u32 v37, v1;
	v3 =	vld.idx.msk [tilespmem:v5+s17+$0x0], $0xffff  }
0x65e: {  	v5 =	vor.u32 v38, v2;
	_ =	sdelay $0x3  }
0x65f: {  	[tilespmem:v4+s20+$0x0] =	vst.idx.msk $0xffff, v3  }
0x660: {  	v4 =	vor.u32 v39, v1;
	v3 =	vld.idx.msk [tilespmem:v5+s17+$0x0], $0xffff  }
0x661: {  	v5 =	vor.u32 v40, v2;
	_ =	sdelay $0x3  }
0x662: {  	[tilespmem:v4+s20+$0x0] =	vst.idx.msk $0xffff, v3  }
0x663: {  	v4 =	vor.u32 v41, v1;
	v3 =	vld.idx.msk [tilespmem:v5+s17+$0x0], $0xffff  }
0x664: {  	v5 =	vor.u32 v42, v2;
	_ =	sdelay $0x3  }
0x665: {  	[tilespmem:v4+s20+$0x0] =	vst.idx.msk $0xffff, v3  }
0x666: {  	v4 =	vor.u32 v43, v1;
	v3 =	vld.idx.msk [tilespmem:v5+s17+$0x0], $0xffff  }
0x667: {  	v5 =	vor.u32 v44, v2;
	_ =	sdelay $0x3  }
0x668: {  	[tilespmem:v4+s20+$0x0] =	vst.idx.msk $0xffff, v3  }
0x669: {  	v4 =	vor.u32 v45, v1;
	v3 =	vld.idx.msk [tilespmem:v5+s17+$0x0], $0xffff  }
0x66a: {  	v2 =	vor.u32 v46, v2;
	_ =	sdelay $0x3  }
0x66b: {  	[tilespmem:v4+s20+$0x0] =	vst.idx.msk $0xffff, v3  }
0x66c: {  	v3 =	vor.u32 v47, v1;
	v2 =	vld.idx.msk [tilespmem:v2+s17+$0x0], $0xffff  }
0x66d: {  	v4 =	vor.u32 v48, v0;
	_ =	sdelay $0x3  }
0x66e: {  	[tilespmem:v3+s20+$0x0] =	vst.idx.msk $0xffff, v2  }
0x66f: {  	v3 =	vor.u32 v49, v1;
	v2 =	vld.idx.msk [tilespmem:v4+s17+$0x0], $0xffff  }
0x670: {  	v4 =	vor.u32 v50, v0;
	_ =	sdelay $0x3  }
0x671: {  	[tilespmem:v3+s20+$0x0] =	vst.idx.msk $0xffff, v2  }
0x672: {  	v3 =	vor.u32 v51, v1;
	v2 =	vld.idx.msk [tilespmem:v4+s17+$0x0], $0xffff  }
0x673: {  	v4 =	vor.u32 v52, v0;
	_ =	sdelay $0x3  }
0x674: {  	[tilespmem:v3+s20+$0x0] =	vst.idx.msk $0xffff, v2  }
0x675: {  	v3 =	vor.u32 v53, v1;
	v2 =	vld.idx.msk [tilespmem:v4+s17+$0x0], $0xffff  }
0x676: {  	v4 =	vor.u32 v54, v0;
	_ =	sdelay $0x3  }
0x677: {  	[tilespmem:v3+s20+$0x0] =	vst.idx.msk $0xffff, v2  }
0x678: {  	v3 =	vor.u32 v55, v1;
	v2 =	vld.idx.msk [tilespmem:v4+s17+$0x0], $0xffff  }
0x679: {  	v4 =	vor.u32 v56, v0;
	_ =	sdelay $0x3  }
0x67a: {  	[tilespmem:v3+s20+$0x0] =	vst.idx.msk $0xffff, v2  }
0x67b: {  	v3 =	vor.u32 v57, v1;
	v2 =	vld.idx.msk [tilespmem:v4+s17+$0x0], $0xffff  }
0x67c: {  	v4 =	vor.u32 v58, v0;
	_ =	sdelay $0x3  }
0x67d: {  	[tilespmem:v3+s20+$0x0] =	vst.idx.msk $0xffff, v2  }
0x67e: {  	v3 =	vor.u32 v59, v1;
	v2 =	vld.idx.msk [tilespmem:v4+s17+$0x0], $0xffff  }
0x67f: {  	v4 =	vor.u32 v60, v0;
	_ =	sdelay $0x3  }
0x680: {  	[tilespmem:v3+s20+$0x0] =	vst.idx.msk $0xffff, v2  }
0x681: {  	v3 =	vor.u32 v61, v1;
	v2 =	vld.idx.msk [tilespmem:v4+s17+$0x0], $0xffff  }
0x682: {  	v0 =	vor.u32 v62, v0;
	_ =	sdelay $0x3  }
0x683: {  	[tilespmem:v3+s20+$0x0] =	vst.idx.msk $0xffff, v2  }
0x684: {  	s30 =	sadd.s32 $0x1, s30;
	v1 =	vor.u32 v63, v1;
	v0 =	vld.idx.msk [tilespmem:v0+s17+$0x0], $0xffff  }
0x685: {  	p0 =	sne.s32 s30, $0x62  }
.Ltmp5:
0x686: {  	s0 =	sshll.u32 s31, $0x12;
	(pc) =	sbr.rel @p0 .LBB2_8-.Ltmp5, $4  }
0x687: {  	s0 =	sor.u32 s4, s0  }
0x688: {  	s0 =	sshrl.u32 s0, $0x3  }
0x689: {  	s0 =	sadd.s32 s1, s0;
	[tilespmem:v1+s20+$0x0] =	vst.idx.msk $0xffff, v0  }
0x68a: {  	[hbm4b:s0+s13] =	stream.strided.scatter [tilespmem:s20], [sflag:$0x3], $0x2000, s14, s13, $0x38;
	[tilespmem:$0x12400] =	vst v63  }
0x68b: {  	s0 =	simm.s32 $0x0;
	v6 =	vlaneseq.u32  }
0x68c: {  	v0 =	vadd.s32 s0, v6  }
0x68d: {  	_ =	swait.ge [sflag:s22], $0x4000;
	v2 =	vand.u32 $0xF, v0  }
0x68e: {  	[sflag:s22] =	ssyncset.done $0x0;
	v3 =	vor.u32 v7, v2  }
0x68f: {  	[sflag:s22] =	ssyncadd.s32 $0xFFFFC000  }
0x690: {  	_ =	swait.ge [sflag:s26], $0x2000  }
0x691: {  	[sflag:s26] =	ssyncset.done $0x0;
	v5 =	vld [tilespmem:$0x1FE00]  }
0x692: {  	v1 =	vshll.u32 v2, $0x7;
	[sflag:s26] =	ssyncadd.s32 $0xFFFFE000  }
0x693: {  	v4 =	vor.u32 v6, v1;
	v3 =	vld.idx.msk [tilespmem:v3+s18+$0x0], $0xffff;
	_ =	sdelay $0x2  }
0x694: {  	v5 =	vor.u32 v5, v2;
	_ =	sdelay $0x1  }
0x695: {  	[tilespmem:v4+s23+$0x0] =	vst.idx.msk $0xffff, v3;
	v4 =	vld [tilespmem:$0x1FE10];
	_ =	sdelay $0x2  }
0x696: {  	v3 =	vld.idx.msk [tilespmem:v5+s18+$0x0], $0xffff  }
0x697: {  	v5 =	vld [tilespmem:$0x1FE20]  }
0x698: {  	v4 =	vor.u32 v4, v1;
	_ =	sdelay $0x3  }
0x699: {  	v5 =	vor.u32 v5, v2  }
0x69a: {  	[tilespmem:v4+s23+$0x0] =	vst.idx.msk $0xffff, v3;
	v4 =	vld [tilespmem:$0x1FE30];
	_ =	sdelay $0x3  }
0x69b: {  	v3 =	vld.idx.msk [tilespmem:v5+s18+$0x0], $0xffff  }
0x69c: {  	v5 =	vld [tilespmem:$0x1FE40];
	v4 =	vor.u32 v4, v1;
	_ =	sdelay $0x4  }
0x69d: {  	v5 =	vor.u32 v5, v2;
	[tilespmem:v4+s23+$0x0] =	vst.idx.msk $0xffff, v3;
	v4 =	vld [tilespmem:$0x1FE50];
	_ =	sdelay $0x4  }
0x69e: {  	v3 =	vld.idx.msk [tilespmem:v5+s18+$0x0], $0xffff;
	v4 =	vor.u32 v4, v1  }
0x69f: {  	v5 =	vor.u32 v14, v2;
	_ =	sdelay $0x3  }
0x6a0: {  	[tilespmem:v4+s23+$0x0] =	vst.idx.msk $0xffff, v3  }
0x6a1: {  	v4 =	vor.u32 v15, v1;
	v3 =	vld.idx.msk [tilespmem:v5+s18+$0x0], $0xffff  }
0x6a2: {  	v5 =	vor.u32 v16, v2;
	_ =	sdelay $0x3  }
0x6a3: {  	[tilespmem:v4+s23+$0x0] =	vst.idx.msk $0xffff, v3  }
0x6a4: {  	v4 =	vor.u32 v17, v1;
	v3 =	vld.idx.msk [tilespmem:v5+s18+$0x0], $0xffff  }
0x6a5: {  	v5 =	vor.u32 v18, v2;
	_ =	sdelay $0x3  }
0x6a6: {  	[tilespmem:v4+s23+$0x0] =	vst.idx.msk $0xffff, v3  }
0x6a7: {  	v4 =	vor.u32 v19, v1;
	v3 =	vld.idx.msk [tilespmem:v5+s18+$0x0], $0xffff  }
0x6a8: {  	v5 =	vor.u32 v20, v2;
	_ =	sdelay $0x3  }
0x6a9: {  	[tilespmem:v4+s23+$0x0] =	vst.idx.msk $0xffff, v3  }
0x6aa: {  	v4 =	vor.u32 v21, v1;
	v3 =	vld.idx.msk [tilespmem:v5+s18+$0x0], $0xffff  }
0x6ab: {  	v5 =	vor.u32 v22, v0;
	_ =	sdelay $0x3  }
0x6ac: {  	[tilespmem:v4+s23+$0x0] =	vst.idx.msk $0xffff, v3  }
0x6ad: {  	v4 =	vor.u32 v23, v1;
	v3 =	vld.idx.msk [tilespmem:v5+s18+$0x0], $0xffff  }
0x6ae: {  	v5 =	vor.u32 v24, v0;
	_ =	sdelay $0x3  }
0x6af: {  	[tilespmem:v4+s23+$0x0] =	vst.idx.msk $0xffff, v3  }
0x6b0: {  	v4 =	vor.u32 v25, v1;
	v3 =	vld.idx.msk [tilespmem:v5+s18+$0x0], $0xffff  }
0x6b1: {  	v5 =	vor.u32 v26, v0;
	_ =	sdelay $0x3  }
0x6b2: {  	[tilespmem:v4+s23+$0x0] =	vst.idx.msk $0xffff, v3  }
0x6b3: {  	v4 =	vor.u32 v27, v1;
	v3 =	vld.idx.msk [tilespmem:v5+s18+$0x0], $0xffff  }
0x6b4: {  	v5 =	vor.u32 v28, v0;
	_ =	sdelay $0x3  }
0x6b5: {  	[tilespmem:v4+s23+$0x0] =	vst.idx.msk $0xffff, v3  }
0x6b6: {  	v4 =	vor.u32 v29, v1;
	v3 =	vld.idx.msk [tilespmem:v5+s18+$0x0], $0xffff  }
0x6b7: {  	v5 =	vor.u32 v30, v0;
	_ =	sdelay $0x3  }
0x6b8: {  	[tilespmem:v4+s23+$0x0] =	vst.idx.msk $0xffff, v3  }
0x6b9: {  	v4 =	vor.u32 v8, v1;
	v3 =	vld.idx.msk [tilespmem:v5+s18+$0x0], $0xffff  }
0x6ba: {  	v5 =	vor.u32 v9, v0;
	_ =	sdelay $0x3  }
0x6bb: {  	[tilespmem:v4+s23+$0x0] =	vst.idx.msk $0xffff, v3  }
0x6bc: {  	v4 =	vor.u32 v31, v1;
	v3 =	vld.idx.msk [tilespmem:v5+s18+$0x0], $0xffff  }
0x6bd: {  	v5 =	vor.u32 v10, v0;
	_ =	sdelay $0x3  }
0x6be: {  	[tilespmem:v4+s23+$0x0] =	vst.idx.msk $0xffff, v3  }
0x6bf: {  	v4 =	vor.u32 v32, v1;
	v3 =	vld.idx.msk [tilespmem:v5+s18+$0x0], $0xffff  }
0x6c0: {  	v5 =	vor.u32 v11, v0;
	_ =	sdelay $0x3  }
0x6c1: {  	[tilespmem:v4+s23+$0x0] =	vst.idx.msk $0xffff, v3  }
0x6c2: {  	v4 =	vor.u32 v33, v1;
	v3 =	vld.idx.msk [tilespmem:v5+s18+$0x0], $0xffff  }
0x6c3: {  	v5 =	vor.u32 v12, v2;
	_ =	sdelay $0x3  }
0x6c4: {  	[tilespmem:v4+s23+$0x0] =	vst.idx.msk $0xffff, v3  }
0x6c5: {  	v4 =	vor.u32 v13, v1;
	v3 =	vld.idx.msk [tilespmem:v5+s18+$0x0], $0xffff  }
0x6c6: {  	v5 =	vor.u32 v34, v2;
	_ =	sdelay $0x3  }
0x6c7: {  	[tilespmem:v4+s23+$0x0] =	vst.idx.msk $0xffff, v3  }
0x6c8: {  	v4 =	vor.u32 v35, v1;
	v3 =	vld.idx.msk [tilespmem:v5+s18+$0x0], $0xffff  }
0x6c9: {  	v5 =	vor.u32 v36, v2;
	_ =	sdelay $0x3  }
0x6ca: {  	[tilespmem:v4+s23+$0x0] =	vst.idx.msk $0xffff, v3  }
0x6cb: {  	v4 =	vor.u32 v37, v1;
	v3 =	vld.idx.msk [tilespmem:v5+s18+$0x0], $0xffff  }
0x6cc: {  	v5 =	vor.u32 v38, v2;
	_ =	sdelay $0x3  }
0x6cd: {  	[tilespmem:v4+s23+$0x0] =	vst.idx.msk $0xffff, v3  }
0x6ce: {  	v4 =	vor.u32 v39, v1;
	v3 =	vld.idx.msk [tilespmem:v5+s18+$0x0], $0xffff  }
0x6cf: {  	v5 =	vor.u32 v40, v2;
	_ =	sdelay $0x3  }
0x6d0: {  	[tilespmem:v4+s23+$0x0] =	vst.idx.msk $0xffff, v3  }
0x6d1: {  	v4 =	vor.u32 v41, v1;
	v3 =	vld.idx.msk [tilespmem:v5+s18+$0x0], $0xffff  }
0x6d2: {  	v5 =	vor.u32 v42, v2;
	_ =	sdelay $0x3  }
0x6d3: {  	[tilespmem:v4+s23+$0x0] =	vst.idx.msk $0xffff, v3  }
0x6d4: {  	v4 =	vor.u32 v43, v1;
	v3 =	vld.idx.msk [tilespmem:v5+s18+$0x0], $0xffff  }
0x6d5: {  	v5 =	vor.u32 v44, v2;
	_ =	sdelay $0x3  }
0x6d6: {  	[tilespmem:v4+s23+$0x0] =	vst.idx.msk $0xffff, v3  }
0x6d7: {  	v4 =	vor.u32 v45, v1;
	v3 =	vld.idx.msk [tilespmem:v5+s18+$0x0], $0xffff  }
0x6d8: {  	v2 =	vor.u32 v46, v2;
	_ =	sdelay $0x3  }
0x6d9: {  	[tilespmem:v4+s23+$0x0] =	vst.idx.msk $0xffff, v3  }
0x6da: {  	v3 =	vor.u32 v47, v1;
	v2 =	vld.idx.msk [tilespmem:v2+s18+$0x0], $0xffff  }
0x6db: {  	v4 =	vor.u32 v48, v0;
	_ =	sdelay $0x3  }
0x6dc: {  	[tilespmem:v3+s23+$0x0] =	vst.idx.msk $0xffff, v2  }
0x6dd: {  	v3 =	vor.u32 v49, v1;
	v2 =	vld.idx.msk [tilespmem:v4+s18+$0x0], $0xffff  }
0x6de: {  	v4 =	vor.u32 v50, v0;
	_ =	sdelay $0x3  }
0x6df: {  	[tilespmem:v3+s23+$0x0] =	vst.idx.msk $0xffff, v2  }
0x6e0: {  	v3 =	vor.u32 v51, v1;
	v2 =	vld.idx.msk [tilespmem:v4+s18+$0x0], $0xffff  }
0x6e1: {  	v4 =	vor.u32 v52, v0;
	_ =	sdelay $0x3  }
0x6e2: {  	[tilespmem:v3+s23+$0x0] =	vst.idx.msk $0xffff, v2  }
0x6e3: {  	v3 =	vor.u32 v53, v1;
	v2 =	vld.idx.msk [tilespmem:v4+s18+$0x0], $0xffff  }
0x6e4: {  	v4 =	vor.u32 v54, v0;
	_ =	sdelay $0x3  }
0x6e5: {  	[tilespmem:v3+s23+$0x0] =	vst.idx.msk $0xffff, v2  }
0x6e6: {  	v3 =	vor.u32 v55, v1;
	v2 =	vld.idx.msk [tilespmem:v4+s18+$0x0], $0xffff  }
0x6e7: {  	v4 =	vor.u32 v56, v0;
	_ =	sdelay $0x3  }
0x6e8: {  	[tilespmem:v3+s23+$0x0] =	vst.idx.msk $0xffff, v2  }
0x6e9: {  	v3 =	vor.u32 v57, v1;
	v2 =	vld.idx.msk [tilespmem:v4+s18+$0x0], $0xffff  }
0x6ea: {  	v4 =	vor.u32 v58, v0;
	_ =	sdelay $0x3  }
0x6eb: {  	[tilespmem:v3+s23+$0x0] =	vst.idx.msk $0xffff, v2  }
0x6ec: {  	v3 =	vor.u32 v59, v1;
	v2 =	vld.idx.msk [tilespmem:v4+s18+$0x0], $0xffff  }
0x6ed: {  	v4 =	vor.u32 v60, v0;
	_ =	sdelay $0x3  }
0x6ee: {  	[tilespmem:v3+s23+$0x0] =	vst.idx.msk $0xffff, v2  }
0x6ef: {  	v3 =	vor.u32 v61, v1;
	v2 =	vld.idx.msk [tilespmem:v4+s18+$0x0], $0xffff  }
0x6f0: {  	v4 =	vor.u32 v62, v0;
	_ =	sdelay $0x3  }
0x6f1: {  	s31 =	simm.s32 $0x1;
	[tilespmem:v3+s23+$0x0] =	vst.idx.msk $0xffff, v2  }
0x6f2: {  	s0 =	simm.s32 $0x2;
	v0 =	vadd.s32 s31, v6;
	v3 =	vld.idx.msk [tilespmem:v4+s18+$0x0], $0xffff  }
.LBB2_14:
0x6f3: {  	v2 =	vand.u32 $0xF, v0;
	v1 =	vor.u32 v63, v1  }
0x6f4: {  	v4 =	vor.u32 v7, v2;
	_ =	sdelay $0x2  }
0x6f5: {  	v5 =	vld [tilespmem:$0x1FE00]  }
0x6f6: {  	v6 =	vlaneseq.u32;
	[tilespmem:v1+s23+$0x0] =	vst.idx.msk $0xffff, v3;
	v1 =	vshll.u32 v2, $0x7  }
0x6f7: {  	v3 =	vld.idx.msk [tilespmem:v4+s18+$0x0], $0xffff;
	v4 =	vor.u32 v6, v1;
	_ =	sdelay $0x2  }
0x6f8: {  	v5 =	vor.u32 v5, v2;
	_ =	sdelay $0x1  }
0x6f9: {  	[tilespmem:v4+s23+$0x0] =	vst.idx.msk $0xffff, v3;
	v4 =	vld [tilespmem:$0x1FE10];
	_ =	sdelay $0x2  }
0x6fa: {  	v3 =	vld.idx.msk [tilespmem:v5+s18+$0x0], $0xffff  }
0x6fb: {  	v5 =	vld [tilespmem:$0x1FE20]  }
0x6fc: {  	v4 =	vor.u32 v4, v1;
	_ =	sdelay $0x3  }
0x6fd: {  	v5 =	vor.u32 v5, v2  }
0x6fe: {  	[tilespmem:v4+s23+$0x0] =	vst.idx.msk $0xffff, v3;
	v4 =	vld [tilespmem:$0x1FE30];
	_ =	sdelay $0x3  }
0x6ff: {  	v3 =	vld.idx.msk [tilespmem:v5+s18+$0x0], $0xffff  }
0x700: {  	v5 =	vld [tilespmem:$0x1FE40];
	v4 =	vor.u32 v4, v1;
	_ =	sdelay $0x4  }
0x701: {  	v5 =	vor.u32 v5, v2;
	[tilespmem:v4+s23+$0x0] =	vst.idx.msk $0xffff, v3;
	v4 =	vld [tilespmem:$0x1FE50];
	_ =	sdelay $0x4  }
0x702: {  	v3 =	vld.idx.msk [tilespmem:v5+s18+$0x0], $0xffff;
	v4 =	vor.u32 v4, v1  }
0x703: {  	v5 =	vor.u32 v14, v2;
	_ =	sdelay $0x3  }
0x704: {  	[tilespmem:v4+s23+$0x0] =	vst.idx.msk $0xffff, v3  }
0x705: {  	v4 =	vor.u32 v15, v1;
	v3 =	vld.idx.msk [tilespmem:v5+s18+$0x0], $0xffff  }
0x706: {  	v5 =	vor.u32 v16, v2;
	_ =	sdelay $0x3  }
0x707: {  	[tilespmem:v4+s23+$0x0] =	vst.idx.msk $0xffff, v3  }
0x708: {  	v4 =	vor.u32 v17, v1;
	v3 =	vld.idx.msk [tilespmem:v5+s18+$0x0], $0xffff  }
0x709: {  	v5 =	vor.u32 v18, v2;
	_ =	sdelay $0x3  }
0x70a: {  	[tilespmem:v4+s23+$0x0] =	vst.idx.msk $0xffff, v3  }
0x70b: {  	v4 =	vor.u32 v19, v1;
	v3 =	vld.idx.msk [tilespmem:v5+s18+$0x0], $0xffff  }
0x70c: {  	v5 =	vor.u32 v20, v2;
	_ =	sdelay $0x3  }
0x70d: {  	[tilespmem:v4+s23+$0x0] =	vst.idx.msk $0xffff, v3  }
0x70e: {  	v4 =	vor.u32 v21, v1;
	v3 =	vld.idx.msk [tilespmem:v5+s18+$0x0], $0xffff  }
0x70f: {  	v5 =	vor.u32 v22, v0;
	_ =	sdelay $0x3  }
0x710: {  	[tilespmem:v4+s23+$0x0] =	vst.idx.msk $0xffff, v3  }
0x711: {  	v4 =	vor.u32 v23, v1;
	v3 =	vld.idx.msk [tilespmem:v5+s18+$0x0], $0xffff  }
0x712: {  	v5 =	vor.u32 v24, v0;
	_ =	sdelay $0x3  }
0x713: {  	[tilespmem:v4+s23+$0x0] =	vst.idx.msk $0xffff, v3  }
0x714: {  	v4 =	vor.u32 v25, v1;
	v3 =	vld.idx.msk [tilespmem:v5+s18+$0x0], $0xffff  }
0x715: {  	v5 =	vor.u32 v26, v0;
	_ =	sdelay $0x3  }
0x716: {  	[tilespmem:v4+s23+$0x0] =	vst.idx.msk $0xffff, v3  }
0x717: {  	v4 =	vor.u32 v27, v1;
	v3 =	vld.idx.msk [tilespmem:v5+s18+$0x0], $0xffff  }
0x718: {  	v5 =	vor.u32 v28, v0;
	_ =	sdelay $0x3  }
0x719: {  	[tilespmem:v4+s23+$0x0] =	vst.idx.msk $0xffff, v3  }
0x71a: {  	v4 =	vor.u32 v29, v1;
	v3 =	vld.idx.msk [tilespmem:v5+s18+$0x0], $0xffff  }
0x71b: {  	v5 =	vor.u32 v30, v0;
	_ =	sdelay $0x3  }
0x71c: {  	[tilespmem:v4+s23+$0x0] =	vst.idx.msk $0xffff, v3  }
0x71d: {  	v4 =	vor.u32 v8, v1;
	v3 =	vld.idx.msk [tilespmem:v5+s18+$0x0], $0xffff  }
0x71e: {  	v5 =	vor.u32 v9, v0;
	_ =	sdelay $0x3  }
0x71f: {  	[tilespmem:v4+s23+$0x0] =	vst.idx.msk $0xffff, v3  }
0x720: {  	v4 =	vor.u32 v31, v1;
	v3 =	vld.idx.msk [tilespmem:v5+s18+$0x0], $0xffff  }
0x721: {  	v5 =	vor.u32 v10, v0;
	_ =	sdelay $0x3  }
0x722: {  	[tilespmem:v4+s23+$0x0] =	vst.idx.msk $0xffff, v3  }
0x723: {  	v4 =	vor.u32 v32, v1;
	v3 =	vld.idx.msk [tilespmem:v5+s18+$0x0], $0xffff  }
0x724: {  	v5 =	vor.u32 v11, v0;
	_ =	sdelay $0x3  }
0x725: {  	[tilespmem:v4+s23+$0x0] =	vst.idx.msk $0xffff, v3  }
0x726: {  	v4 =	vor.u32 v33, v1;
	v3 =	vld.idx.msk [tilespmem:v5+s18+$0x0], $0xffff  }
0x727: {  	v5 =	vor.u32 v12, v2;
	_ =	sdelay $0x3  }
0x728: {  	[tilespmem:v4+s23+$0x0] =	vst.idx.msk $0xffff, v3  }
0x729: {  	v4 =	vor.u32 v13, v1;
	v3 =	vld.idx.msk [tilespmem:v5+s18+$0x0], $0xffff  }
0x72a: {  	v5 =	vor.u32 v34, v2;
	_ =	sdelay $0x3  }
0x72b: {  	[tilespmem:v4+s23+$0x0] =	vst.idx.msk $0xffff, v3  }
0x72c: {  	v4 =	vor.u32 v35, v1;
	v3 =	vld.idx.msk [tilespmem:v5+s18+$0x0], $0xffff  }
0x72d: {  	v5 =	vor.u32 v36, v2;
	_ =	sdelay $0x3  }
0x72e: {  	[tilespmem:v4+s23+$0x0] =	vst.idx.msk $0xffff, v3  }
0x72f: {  	v4 =	vor.u32 v37, v1;
	v3 =	vld.idx.msk [tilespmem:v5+s18+$0x0], $0xffff  }
0x730: {  	v5 =	vor.u32 v38, v2;
	_ =	sdelay $0x3  }
0x731: {  	[tilespmem:v4+s23+$0x0] =	vst.idx.msk $0xffff, v3  }
0x732: {  	v4 =	vor.u32 v39, v1;
	v3 =	vld.idx.msk [tilespmem:v5+s18+$0x0], $0xffff  }
0x733: {  	v5 =	vor.u32 v40, v2;
	_ =	sdelay $0x3  }
0x734: {  	[tilespmem:v4+s23+$0x0] =	vst.idx.msk $0xffff, v3  }
0x735: {  	v4 =	vor.u32 v41, v1;
	v3 =	vld.idx.msk [tilespmem:v5+s18+$0x0], $0xffff  }
0x736: {  	v5 =	vor.u32 v42, v2;
	_ =	sdelay $0x3  }
0x737: {  	[tilespmem:v4+s23+$0x0] =	vst.idx.msk $0xffff, v3  }
0x738: {  	v4 =	vor.u32 v43, v1;
	v3 =	vld.idx.msk [tilespmem:v5+s18+$0x0], $0xffff  }
0x739: {  	v5 =	vor.u32 v44, v2;
	_ =	sdelay $0x3  }
0x73a: {  	[tilespmem:v4+s23+$0x0] =	vst.idx.msk $0xffff, v3  }
0x73b: {  	v4 =	vor.u32 v45, v1;
	v3 =	vld.idx.msk [tilespmem:v5+s18+$0x0], $0xffff  }
0x73c: {  	v2 =	vor.u32 v46, v2;
	_ =	sdelay $0x3  }
0x73d: {  	[tilespmem:v4+s23+$0x0] =	vst.idx.msk $0xffff, v3  }
0x73e: {  	v3 =	vor.u32 v47, v1;
	v2 =	vld.idx.msk [tilespmem:v2+s18+$0x0], $0xffff  }
0x73f: {  	v4 =	vor.u32 v48, v0;
	_ =	sdelay $0x3  }
0x740: {  	[tilespmem:v3+s23+$0x0] =	vst.idx.msk $0xffff, v2  }
0x741: {  	v3 =	vor.u32 v49, v1;
	v2 =	vld.idx.msk [tilespmem:v4+s18+$0x0], $0xffff  }
0x742: {  	v4 =	vor.u32 v50, v0;
	_ =	sdelay $0x3  }
0x743: {  	[tilespmem:v3+s23+$0x0] =	vst.idx.msk $0xffff, v2  }
0x744: {  	v3 =	vor.u32 v51, v1;
	v2 =	vld.idx.msk [tilespmem:v4+s18+$0x0], $0xffff  }
0x745: {  	v4 =	vor.u32 v52, v0;
	_ =	sdelay $0x3  }
0x746: {  	[tilespmem:v3+s23+$0x0] =	vst.idx.msk $0xffff, v2  }
0x747: {  	v3 =	vor.u32 v53, v1;
	v2 =	vld.idx.msk [tilespmem:v4+s18+$0x0], $0xffff  }
0x748: {  	v4 =	vor.u32 v54, v0;
	_ =	sdelay $0x3  }
0x749: {  	[tilespmem:v3+s23+$0x0] =	vst.idx.msk $0xffff, v2  }
0x74a: {  	v3 =	vor.u32 v55, v1;
	v2 =	vld.idx.msk [tilespmem:v4+s18+$0x0], $0xffff  }
0x74b: {  	v4 =	vor.u32 v56, v0;
	_ =	sdelay $0x3  }
0x74c: {  	[tilespmem:v3+s23+$0x0] =	vst.idx.msk $0xffff, v2  }
0x74d: {  	v3 =	vor.u32 v57, v1;
	v2 =	vld.idx.msk [tilespmem:v4+s18+$0x0], $0xffff  }
0x74e: {  	v4 =	vor.u32 v58, v0;
	_ =	sdelay $0x3  }
0x74f: {  	[tilespmem:v3+s23+$0x0] =	vst.idx.msk $0xffff, v2  }
0x750: {  	v3 =	vor.u32 v59, v1;
	v2 =	vld.idx.msk [tilespmem:v4+s18+$0x0], $0xffff  }
0x751: {  	v4 =	vor.u32 v60, v0;
	_ =	sdelay $0x3  }
0x752: {  	[tilespmem:v3+s23+$0x0] =	vst.idx.msk $0xffff, v2  }
0x753: {  	v3 =	vor.u32 v61, v1;
	v2 =	vld.idx.msk [tilespmem:v4+s18+$0x0], $0xffff  }
0x754: {  	p0 =	sne.s32 s0, $0xF;
	v4 =	vor.u32 v62, v0  }
.Ltmp6:
0x755: {  	_ = 	snop;
	(pc) =	sbr.rel @p0 .LBB2_14-.Ltmp6, $3  }
0x756: {  	_ =	sdelay $0x1  }
0x757: {  	[tilespmem:v3+s23+$0x0] =	vst.idx.msk $0xffff, v2  }
0x758: {  	v5 =	vlaneseq.u32;
	v0 =	vadd.s32 s0, v6;
	s0 =	sadd.s32 $0x1, s0;
	v3 =	vld.idx.msk [tilespmem:v4+s18+$0x0], $0xffff  }
0x759: {  	v2 =	vand.u32 $0xF, v0;
	v1 =	vor.u32 v63, v1  }
0x75a: {  	v4 =	vor.u32 v7, v2;
	_ =	sdelay $0x3  }
0x75b: {  	[tilespmem:v1+s23+$0x0] =	vst.idx.msk $0xffff, v3  }
0x75c: {  	v1 =	vshll.u32 v2, $0x7;
	v3 =	vld.idx.msk [tilespmem:v4+s18+$0x0], $0xffff  }
0x75d: {  	v4 =	vor.u32 v5, v1;
	v5 =	vld [tilespmem:$0x1FE00];
	_ =	sdelay $0x4  }
0x75e: {  	v5 =	vor.u32 v5, v2;
	_ =	sdelay $0x1  }
0x75f: {  	[tilespmem:v4+s23+$0x0] =	vst.idx.msk $0xffff, v3;
	v4 =	vld [tilespmem:$0x1FE10];
	_ =	sdelay $0x2  }
0x760: {  	v3 =	vld.idx.msk [tilespmem:v5+s18+$0x0], $0xffff  }
0x761: {  	v5 =	vld [tilespmem:$0x1FE20]  }
0x762: {  	v4 =	vor.u32 v4, v1;
	_ =	sdelay $0x3  }
0x763: {  	v5 =	vor.u32 v5, v2  }
0x764: {  	[tilespmem:v4+s23+$0x0] =	vst.idx.msk $0xffff, v3;
	v4 =	vld [tilespmem:$0x1FE30];
	_ =	sdelay $0x3  }
0x765: {  	v3 =	vld.idx.msk [tilespmem:v5+s18+$0x0], $0xffff  }
0x766: {  	v4 =	vor.u32 v4, v1;
	v5 =	vld [tilespmem:$0x1FE40];
	_ =	sdelay $0x4  }
0x767: {  	v5 =	vor.u32 v5, v2;
	[tilespmem:v4+s23+$0x0] =	vst.idx.msk $0xffff, v3;
	v4 =	vld [tilespmem:$0x1FE50];
	_ =	sdelay $0x4  }
0x768: {  	v3 =	vld.idx.msk [tilespmem:v5+s18+$0x0], $0xffff;
	v4 =	vor.u32 v4, v1  }
0x769: {  	v5 =	vor.u32 v14, v2;
	_ =	sdelay $0x3  }
0x76a: {  	[tilespmem:v4+s23+$0x0] =	vst.idx.msk $0xffff, v3  }
0x76b: {  	v4 =	vor.u32 v15, v1;
	v3 =	vld.idx.msk [tilespmem:v5+s18+$0x0], $0xffff  }
0x76c: {  	v5 =	vor.u32 v16, v2;
	_ =	sdelay $0x3  }
0x76d: {  	[tilespmem:v4+s23+$0x0] =	vst.idx.msk $0xffff, v3  }
0x76e: {  	v4 =	vor.u32 v17, v1;
	v3 =	vld.idx.msk [tilespmem:v5+s18+$0x0], $0xffff  }
0x76f: {  	v5 =	vor.u32 v18, v2;
	_ =	sdelay $0x3  }
0x770: {  	[tilespmem:v4+s23+$0x0] =	vst.idx.msk $0xffff, v3  }
0x771: {  	v4 =	vor.u32 v19, v1;
	v3 =	vld.idx.msk [tilespmem:v5+s18+$0x0], $0xffff  }
0x772: {  	v5 =	vor.u32 v20, v2;
	_ =	sdelay $0x3  }
0x773: {  	[tilespmem:v4+s23+$0x0] =	vst.idx.msk $0xffff, v3  }
0x774: {  	v4 =	vor.u32 v21, v1;
	v3 =	vld.idx.msk [tilespmem:v5+s18+$0x0], $0xffff  }
0x775: {  	v5 =	vor.u32 v22, v0;
	_ =	sdelay $0x3  }
0x776: {  	[tilespmem:v4+s23+$0x0] =	vst.idx.msk $0xffff, v3  }
0x777: {  	v4 =	vor.u32 v23, v1;
	v3 =	vld.idx.msk [tilespmem:v5+s18+$0x0], $0xffff  }
0x778: {  	v5 =	vor.u32 v24, v0;
	_ =	sdelay $0x3  }
0x779: {  	[tilespmem:v4+s23+$0x0] =	vst.idx.msk $0xffff, v3  }
0x77a: {  	v4 =	vor.u32 v25, v1;
	v3 =	vld.idx.msk [tilespmem:v5+s18+$0x0], $0xffff  }
0x77b: {  	v5 =	vor.u32 v26, v0;
	_ =	sdelay $0x3  }
0x77c: {  	[tilespmem:v4+s23+$0x0] =	vst.idx.msk $0xffff, v3  }
0x77d: {  	v4 =	vor.u32 v27, v1;
	v3 =	vld.idx.msk [tilespmem:v5+s18+$0x0], $0xffff  }
0x77e: {  	v5 =	vor.u32 v28, v0;
	_ =	sdelay $0x3  }
0x77f: {  	[tilespmem:v4+s23+$0x0] =	vst.idx.msk $0xffff, v3  }
0x780: {  	v4 =	vor.u32 v29, v1;
	v3 =	vld.idx.msk [tilespmem:v5+s18+$0x0], $0xffff  }
0x781: {  	v5 =	vor.u32 v30, v0;
	_ =	sdelay $0x3  }
0x782: {  	[tilespmem:v4+s23+$0x0] =	vst.idx.msk $0xffff, v3  }
0x783: {  	v4 =	vor.u32 v8, v1;
	v3 =	vld.idx.msk [tilespmem:v5+s18+$0x0], $0xffff  }
0x784: {  	v5 =	vor.u32 v9, v0;
	_ =	sdelay $0x3  }
0x785: {  	[tilespmem:v4+s23+$0x0] =	vst.idx.msk $0xffff, v3  }
0x786: {  	v4 =	vor.u32 v31, v1;
	v3 =	vld.idx.msk [tilespmem:v5+s18+$0x0], $0xffff  }
0x787: {  	v5 =	vor.u32 v10, v0;
	_ =	sdelay $0x3  }
0x788: {  	[tilespmem:v4+s23+$0x0] =	vst.idx.msk $0xffff, v3  }
0x789: {  	v4 =	vor.u32 v32, v1;
	v3 =	vld.idx.msk [tilespmem:v5+s18+$0x0], $0xffff  }
0x78a: {  	v5 =	vor.u32 v11, v0;
	_ =	sdelay $0x3  }
0x78b: {  	[tilespmem:v4+s23+$0x0] =	vst.idx.msk $0xffff, v3  }
0x78c: {  	v4 =	vor.u32 v33, v1;
	v3 =	vld.idx.msk [tilespmem:v5+s18+$0x0], $0xffff  }
0x78d: {  	v5 =	vor.u32 v12, v2;
	_ =	sdelay $0x3  }
0x78e: {  	[tilespmem:v4+s23+$0x0] =	vst.idx.msk $0xffff, v3  }
0x78f: {  	v4 =	vor.u32 v13, v1;
	v3 =	vld.idx.msk [tilespmem:v5+s18+$0x0], $0xffff  }
0x790: {  	v5 =	vor.u32 v34, v2;
	_ =	sdelay $0x3  }
0x791: {  	[tilespmem:v4+s23+$0x0] =	vst.idx.msk $0xffff, v3  }
0x792: {  	v4 =	vor.u32 v35, v1;
	v3 =	vld.idx.msk [tilespmem:v5+s18+$0x0], $0xffff  }
0x793: {  	v5 =	vor.u32 v36, v2;
	_ =	sdelay $0x3  }
0x794: {  	[tilespmem:v4+s23+$0x0] =	vst.idx.msk $0xffff, v3  }
0x795: {  	v4 =	vor.u32 v37, v1;
	v3 =	vld.idx.msk [tilespmem:v5+s18+$0x0], $0xffff  }
0x796: {  	v5 =	vor.u32 v38, v2;
	_ =	sdelay $0x3  }
0x797: {  	[tilespmem:v4+s23+$0x0] =	vst.idx.msk $0xffff, v3  }
0x798: {  	v4 =	vor.u32 v39, v1;
	v3 =	vld.idx.msk [tilespmem:v5+s18+$0x0], $0xffff  }
0x799: {  	v5 =	vor.u32 v40, v2;
	_ =	sdelay $0x3  }
0x79a: {  	[tilespmem:v4+s23+$0x0] =	vst.idx.msk $0xffff, v3  }
0x79b: {  	v4 =	vor.u32 v41, v1;
	v3 =	vld.idx.msk [tilespmem:v5+s18+$0x0], $0xffff  }
0x79c: {  	v5 =	vor.u32 v42, v2;
	_ =	sdelay $0x3  }
0x79d: {  	[tilespmem:v4+s23+$0x0] =	vst.idx.msk $0xffff, v3  }
0x79e: {  	v4 =	vor.u32 v43, v1;
	v3 =	vld.idx.msk [tilespmem:v5+s18+$0x0], $0xffff  }
0x79f: {  	v5 =	vor.u32 v44, v2;
	_ =	sdelay $0x3  }
0x7a0: {  	[tilespmem:v4+s23+$0x0] =	vst.idx.msk $0xffff, v3  }
0x7a1: {  	v4 =	vor.u32 v45, v1;
	v3 =	vld.idx.msk [tilespmem:v5+s18+$0x0], $0xffff  }
0x7a2: {  	v2 =	vor.u32 v46, v2;
	_ =	sdelay $0x3  }
0x7a3: {  	[tilespmem:v4+s23+$0x0] =	vst.idx.msk $0xffff, v3  }
0x7a4: {  	v3 =	vor.u32 v47, v1;
	v2 =	vld.idx.msk [tilespmem:v2+s18+$0x0], $0xffff  }
0x7a5: {  	v4 =	vor.u32 v48, v0;
	_ =	sdelay $0x3  }
0x7a6: {  	[tilespmem:v3+s23+$0x0] =	vst.idx.msk $0xffff, v2  }
0x7a7: {  	v3 =	vor.u32 v49, v1;
	v2 =	vld.idx.msk [tilespmem:v4+s18+$0x0], $0xffff  }
0x7a8: {  	v4 =	vor.u32 v50, v0;
	_ =	sdelay $0x3  }
0x7a9: {  	[tilespmem:v3+s23+$0x0] =	vst.idx.msk $0xffff, v2  }
0x7aa: {  	v3 =	vor.u32 v51, v1;
	v2 =	vld.idx.msk [tilespmem:v4+s18+$0x0], $0xffff  }
0x7ab: {  	v4 =	vor.u32 v52, v0;
	_ =	sdelay $0x3  }
0x7ac: {  	[tilespmem:v3+s23+$0x0] =	vst.idx.msk $0xffff, v2  }
0x7ad: {  	v3 =	vor.u32 v53, v1;
	v2 =	vld.idx.msk [tilespmem:v4+s18+$0x0], $0xffff  }
0x7ae: {  	v4 =	vor.u32 v54, v0;
	_ =	sdelay $0x3  }
0x7af: {  	[tilespmem:v3+s23+$0x0] =	vst.idx.msk $0xffff, v2  }
0x7b0: {  	v3 =	vor.u32 v55, v1;
	v2 =	vld.idx.msk [tilespmem:v4+s18+$0x0], $0xffff  }
0x7b1: {  	v4 =	vor.u32 v56, v0;
	_ =	sdelay $0x3  }
0x7b2: {  	[tilespmem:v3+s23+$0x0] =	vst.idx.msk $0xffff, v2  }
0x7b3: {  	v3 =	vor.u32 v57, v1;
	v2 =	vld.idx.msk [tilespmem:v4+s18+$0x0], $0xffff  }
0x7b4: {  	v4 =	vor.u32 v58, v0;
	_ =	sdelay $0x3  }
0x7b5: {  	[tilespmem:v3+s23+$0x0] =	vst.idx.msk $0xffff, v2  }
0x7b6: {  	v3 =	vor.u32 v59, v1;
	v2 =	vld.idx.msk [tilespmem:v4+s18+$0x0], $0xffff  }
0x7b7: {  	v4 =	vor.u32 v60, v0;
	_ =	sdelay $0x3  }
0x7b8: {  	[tilespmem:v3+s23+$0x0] =	vst.idx.msk $0xffff, v2  }
0x7b9: {  	v3 =	vor.u32 v61, v1;
	v2 =	vld.idx.msk [tilespmem:v4+s18+$0x0], $0xffff  }
0x7ba: {  	v0 =	vor.u32 v62, v0;
	_ =	sdelay $0x3  }
0x7bb: {  	[tilespmem:v3+s23+$0x0] =	vst.idx.msk $0xffff, v2  }
0x7bc: {  	v1 =	vor.u32 v63, v1;
	v0 =	vld.idx.msk [tilespmem:v0+s18+$0x0], $0xffff;
	_ =	sdelay $0x4  }
0x7bd: {  	s28 =	sadd.s32 $0x1, s28;
	[tilespmem:v1+s23+$0x0] =	vst.idx.msk $0xffff, v0  }
0x7be: {  	[hbm4b:s11+s13] =	stream.strided.scatter [tilespmem:s23], [sflag:$0x4], $0x2000, s14, s13, $0x38;
	[tilespmem:$0x12400] =	vst v63  }
0x7bf: {  	p0 =	sne.s32 s28, s12;
	_ =	swait.ge [sflag:s25], $0x2000  }
.Ltmp7:
0x7c0: {  	[sflag:s25] =	ssyncset.done $0x0;
	(pc) =	sbr.rel @p0 .LBB2_1-.Ltmp7, $4  }
0x7c1: {  	[sflag:s25] =	ssyncadd.s32 $0xFFFFE000  }
0x7c2: {  	_ =	swait.ge [sflag:s26], $0x2000  }
0x7c3: {  	[sflag:s26] =	ssyncset.done $0x0  }
0x7c4: {  	[sflag:s26] =	ssyncadd.s32 $0xFFFFE000  }
0x7c5: {  	_ =	sfence.sel $0x180000  }
0x7c6: {  	[bflag:$0x0] =	sbarrier.arrive $0xFFFF  }
0x7c7: {  	_ =	strace $0x90000047  }
0x7c8: {  	s0 =	stileid.u32;
	[bflag:$0x2] =	sbarrier.arrive $0xFFFF  }
0x7c9: {  	p0 =	sne.s32 s0, $0x0;
	s0 =	rddreg [dreg:$0x3]  }
0x7ca: {  	s0 =	sadd.s32 @!p0 $0x100000, s0  }
0x7cb: {  	[sflag:s0] =	ssyncadd.tile.s32 @!p0 $0x1;
	_ =	shalt  }
.Lfunc_end2:
_tile_overlayer_lowered:
.L_overlay_start_2:
0x7cc: {  	(tag) =	ssettag $0x2  }
0x7cd: {  	s0 =	rddreg [dreg:$0x0];
	s2 =	stileid.u32  }
0x7ce: {  	s1 =	rddreg [dreg:$0x1];
	p0 =	sne.s32 s2, $0x0  }
0x7cf: {  	s3 =	rddreg [dreg:$0x2];
	[bflag:$0x3] =	sbarrier.arrive $0xFFFF;
	s2 =	simm.s32 @!p0 $0x1C05  }
0x7d0: {  	[timem:s3], [sflag:s2] =	dma.local @!p0 [hbm:s0], s1  }
0x7d1: {  	s0 =	simm.s32 @!p0 $0x5  }
0x7d2: {  	_ =	swait.ge @!p0 [sflag:s0], s1  }
0x7d3: {  	s1 =	ssub.s32 @!p0 $0x0, s1;
	[sflag:s0] =	ssyncset.done @!p0 $0x0  }
0x7d4: {  	[sflag:s0] =	ssyncadd.s32 @!p0 s1  }
0x7d5: {  	[bflag:$0x3] =	sbarrier.arrive $0xFFFF  }
0x7d6: {  	_ =	shalt  }

</sc_bundles>
